<compile_context>
chip_gen: v7x
topology: tpu7x:2x2x1
jax: 0.10.2.dev20260603
libtpu: 0.0.44.dev20260713+nightly
codegen_flags: <defaults>
</compile_context>

<pallas_src>
import functools

import jax
import jax.numpy as jnp
from jax import lax
from jax.experimental import pallas as pl
from jax.experimental.pallas import tpu as pltpu
from jax.experimental.pallas import tpu_sc as plsc

VOCAB = 1_000_000
EMB = 64
BATCH = 16384
SEQ = 50
NOUT = 3

NUM_CORES = 2
NUM_SUBCORES = 16
NUM_WORKERS = NUM_CORES * NUM_SUBCORES
ROWS_PER_WORKER = BATCH // NUM_WORKERS
CHUNK = 32
NCHUNKS = ROWS_PER_WORKER // CHUNK
IDX_PER_CHUNK = CHUNK * SEQ


def _sc_pool(idx_p, idx_h, table_p, table_h, dst_tmpl):
  mesh = plsc.VectorSubcoreMesh(core_axis_name="c", subcore_axis_name="s")

  @functools.partial(
      pl.kernel,
      mesh=mesh,
      compiler_params=pltpu.CompilerParams(use_tc_tiling_on_sc=False),
      out_type=(
          jax.ShapeDtypeStruct((BATCH, EMB), jnp.float32),
          jax.ShapeDtypeStruct((BATCH, EMB), jnp.float32),
      ),
      scratch_types=[
          pltpu.VMEM((IDX_PER_CHUNK,), jnp.int32),
          pltpu.VMEM((IDX_PER_CHUNK, EMB), jnp.float32),
          pltpu.VMEM((IDX_PER_CHUNK,), jnp.int32),
          pltpu.VMEM((CHUNK, EMB), jnp.float32),
          pltpu.VMEM_SHARED((NUM_SUBCORES * CHUNK, EMB), jnp.float32),
          pltpu.SemaphoreType.DMA,
      ],
  )
  def pool(idx_p_hbm, idx_h_hbm, tp_hbm, th_hbm, tmpl_hbm,
           out_p_hbm, out_h_hbm,
           idx_v, rows_v, dst_v, zeros_v, acc_s, sem):
    cid = lax.axis_index("c")
    sid = lax.axis_index("s")
    wid = sid * NUM_CORES + cid

    pltpu.sync_copy(tmpl_hbm, dst_v)
    shift = sid * CHUNK
    for i in range(IDX_PER_CHUNK // 16):
      sl = pl.ds(i * 16, 16)
      dst_v[sl] = dst_v[sl] + shift

    for r in range(CHUNK):
      for c16 in range(EMB // 16):
        zeros_v[r, pl.ds(c16 * 16, 16)] = jnp.zeros((16,), jnp.float32)

    def pool_one(idx_hbm, table_hbm, out_hbm):
      def body(c, carry):
        row0 = wid * ROWS_PER_WORKER + c * CHUNK
        pltpu.sync_copy(idx_hbm.at[pl.ds(row0 * SEQ, IDX_PER_CHUNK)], idx_v)
        pltpu.async_copy(table_hbm.at[idx_v], rows_v, sem).wait()
        pltpu.sync_copy(zeros_v, acc_s.at[pl.ds(sid * CHUNK, CHUNK)])
        pltpu.sync_copy(rows_v, acc_s.at[dst_v], add=True)
        pltpu.sync_copy(acc_s.at[pl.ds(sid * CHUNK, CHUNK)],
                        out_hbm.at[pl.ds(row0, CHUNK)])
        return carry

      lax.fori_loop(0, NCHUNKS, body, 0)

    pool_one(idx_p_hbm, tp_hbm, out_p_hbm)
    pool_one(idx_h_hbm, th_hbm, out_h_hbm)

  return pool(idx_p, idx_h, table_p, table_h, dst_tmpl)


_BM = 2048


def _tc_linear(pool_p, pool_h, w, bias):

  def body(p_ref, h_ref, w_ref, b_ref, o_ref):
    wsc = w_ref[...] * jnp.float32(1.0 / SEQ)
    acc = jnp.dot(p_ref[...], wsc[:EMB, :], preferred_element_type=jnp.float32)
    acc += jnp.dot(h_ref[...], wsc[EMB:, :], preferred_element_type=jnp.float32)
    o_ref[...] = acc + b_ref[...]

  return pl.pallas_call(
      body,
      grid=(BATCH // _BM,),
      in_specs=[
          pl.BlockSpec((_BM, EMB), lambda i: (i, 0)),
          pl.BlockSpec((_BM, EMB), lambda i: (i, 0)),
          pl.BlockSpec((2 * EMB, NOUT), lambda i: (0, 0)),
          pl.BlockSpec((1, NOUT), lambda i: (0, 0)),
      ],
      out_specs=pl.BlockSpec((_BM, NOUT), lambda i: (i, 0)),
      out_shape=jax.ShapeDtypeStruct((BATCH, NOUT), jnp.float32),
  )(pool_p, pool_h, w, bias)


def kernel(premise_indices, hypothesis_indices, table_prem, table_hypo, W, b):
  idx_p = premise_indices.astype(jnp.int32).reshape(-1)
  idx_h = hypothesis_indices.astype(jnp.int32).reshape(-1)
  tmpl = jnp.arange(IDX_PER_CHUNK, dtype=jnp.int32) // SEQ
  sums_p, sums_h = _sc_pool(idx_p, idx_h, table_prem, table_hypo, tmpl)
  return _tc_linear(sums_p, sums_h, W, b.reshape(1, NOUT))

# --- scband reference (transcript-rebuilt; emitter-appended) ---
"""Pipeline reference for scband-baseline-embeddings-28278064677273 (READ-ONLY COPY).

The authoritative reference and input builder live on the scoring server;
editing this copy changes nothing except your own understanding.
"""

import jax, jax.numpy as jnp
import numpy as np

VOCAB = 1000000
EMB = 64
B = 16384
L = 50

def setup_inputs(seed: int = 0) -> dict:
    key = jax.random.key(seed)
    k1, k2, k3, k4, k5, k6 = jax.random.split(key, 6)
    premise_indices = jax.random.randint(k1, (B, L), 0, VOCAB, dtype=jnp.int64 if jax.config.jax_enable_x64 else jnp.int32)
    hypothesis_indices = jax.random.randint(k2, (B, L), 0, VOCAB, dtype=jnp.int64 if jax.config.jax_enable_x64 else jnp.int32)
    table_prem = jax.random.normal(k3, (VOCAB, EMB), dtype=jnp.float32)
    table_hypo = jax.random.normal(k4, (VOCAB, EMB), dtype=jnp.float32)
    W = jax.random.normal(k5, (EMB * 2, 3), dtype=jnp.float32) * 0.05
    b = jax.random.normal(k6, (3,), dtype=jnp.float32) * 0.05
    return {"premise_indices": premise_indices, "hypothesis_indices": hypothesis_indices,
            "table_prem": table_prem, "table_hypo": table_hypo, "W": W, "b": b}

def reference(premise_indices, hypothesis_indices, table_prem, table_hypo, W, b):
    enc_premise = jnp.take(table_prem, premise_indices, axis=0)      # [B, L, EMB]
    enc_hypothesis = jnp.take(table_hypo, hypothesis_indices, axis=0)  # [B, L, EMB]
    enc_premise = jnp.mean(enc_premise, axis=1)      # [B, EMB]
    enc_hypothesis = jnp.mean(enc_hypothesis, axis=1)  # [B, EMB]
    concatenated = jnp.concatenate([enc_premise, enc_hypothesis], axis=1)  # [B, 2*EMB]
    probs = concatenated @ W + b  # [B, 3]
    return probs

if __name__ == "__main__":
    import jax
    _d = setup_inputs()
    print(jax.jit(kernel)(*tuple(_d.values())))

</pallas_src>

<mosaic_0001>
#map = affine_map<(d0, d1) -> (0)>
#map1 = affine_map<(d0, d1) -> (0, 0)>
module attributes {stable_mosaic.version = 14 : i64} {
  func.func @pool(%arg0: i32, %arg1: i32, %arg2: memref<819200xi32, #tpu.memory_space<hbm>>, %arg3: memref<819200xi32, #tpu.memory_space<hbm>>, %arg4: memref<1000000x64xf32, #tpu.memory_space<hbm>>, %arg5: memref<1000000x64xf32, #tpu.memory_space<hbm>>, %arg6: memref<1600xi32, #tpu.memory_space<hbm>>, %arg7: memref<16384x64xf32, #tpu.memory_space<hbm>>, %arg8: memref<16384x64xf32, #tpu.memory_space<hbm>>, %arg9: memref<1600xi32, #tpu.memory_space<vmem>>, %arg10: memref<1600x64xf32, #tpu.memory_space<vmem>>, %arg11: memref<1600xi32, #tpu.memory_space<vmem>>, %arg12: memref<32x64xf32, #tpu.memory_space<vmem>>, %arg13: memref<512x64xf32, #tpu.memory_space<vmem_shared>>, %arg14: memref<!tpu.dma_semaphore, #tpu.memory_space<semaphore_mem>>) attributes {dimension_semantics = [#tpu.dimension_semantics<core_parallel>, #tpu.dimension_semantics<subcore_parallel>], iteration_bounds = array<i64: 2, 16>, scalar_prefetch = 0 : i64, scratch_operands = 6 : i64, tpu.core_type = #tpu.core_type<sc_vector_subcore>, window_params = [{transform_indices = #map}, {transform_indices = #map}, {transform_indices = #map1}, {transform_indices = #map1}, {transform_indices = #map}, {transform_indices = #map1}, {transform_indices = #map1}]} {
    %mul3A = arith.constant 2 : i32
    %mul3A_0 = arith.muli %arg1, %mul3A : i32
    %add3A = arith.addi %mul3A_0, %arg0 : i32
    "tpu.region"() ({
      %run_scoped3A = tpu.sem_alloc : memref<!tpu.dma_semaphore, #tpu.memory_space<semaphore_mem>>
      tpu.enqueue_dma source(%arg6 : memref<1600xi32, #tpu.memory_space<hbm>>) target(%arg11 : memref<1600xi32, #tpu.memory_space<vmem>>) target_semaphore(%run_scoped3A : memref<!tpu.dma_semaphore, #tpu.memory_space<semaphore_mem>>)
      tpu.wait_dma2 semaphore(%run_scoped3A : memref<!tpu.dma_semaphore, #tpu.memory_space<semaphore_mem>>) src(%arg6 : memref<1600xi32, #tpu.memory_space<hbm>>) dst(%arg11 : memref<1600xi32, #tpu.memory_space<vmem>>)
      tpu.yield
    }) : () -> ()
    %mul3A_1 = arith.constant 32 : i32
    %mul3A_2 = arith.muli %arg1, %mul3A_1 : i32
    %get3A = arith.constant 0 : index
    %get3A_3 = tpu.vector_load %arg11[%get3A] {strides = array<i32>} : memref<1600xi32, #tpu.memory_space<vmem>>, vector<16xi32>,
    %get3A_4 = vector.shape_cast %get3A_3 : vector<16xi32> to vector<16xi32>
    %add3A_5 = vector.broadcast %mul3A_2 : i32 to vector<16xi32>
    %add3A_6 = arith.addi %get3A_4, %add3A_5 : vector<16xi32>
    %swap3A = arith.constant 0 : index
    %swap3A_7 = tpu.vector_load %arg11[%swap3A] {strides = array<i32>} : memref<1600xi32, #tpu.memory_space<vmem>>, vector<16xi32>,
    %swap3A_8 = vector.shape_cast %swap3A_7 : vector<16xi32> to vector<16xi32>
    %swap3A_9 = vector.shape_cast %add3A_6 : vector<16xi32> to vector<16xi32>
    tpu.vector_store %arg11[%swap3A], %swap3A_9 {strides = array<i32>} : memref<1600xi32, #tpu.memory_space<vmem>>, vector<16xi32>,
    %get3A_10 = arith.constant 16 : index
    %get3A_11 = tpu.vector_load %arg11[%get3A_10] {strides = array<i32>} : memref<1600xi32, #tpu.memory_space<vmem>>, vector<16xi32>,
    %get3A_12 = vector.shape_cast %get3A_11 : vector<16xi32> to vector<16xi32>
    %add3A_13 = vector.broadcast %mul3A_2 : i32 to vector<16xi32>
    %add3A_14 = arith.addi %get3A_12, %add3A_13 : vector<16xi32>
    %swap3A_15 = arith.constant 16 : index
    %swap3A_16 = tpu.vector_load %arg11[%swap3A_15] {strides = array<i32>} : memref<1600xi32, #tpu.memory_space<vmem>>, vector<16xi32>,
    %swap3A_17 = vector.shape_cast %swap3A_16 : vector<16xi32> to vector<16xi32>
    %swap3A_18 = vector.shape_cast %add3A_14 : vector<16xi32> to vector<16xi32>
    tpu.vector_store %arg11[%swap3A_15], %swap3A_18 {strides = array<i32>} : memref<1600xi32, #tpu.memory_space<vmem>>, vector<16xi32>,
    %get3A_19 = arith.constant 32 : index
    %get3A_20 = tpu.vector_load %arg11[%get3A_19] {strides = array<i32>} : memref<1600xi32, #tpu.memory_space<vmem>>, vector<16xi32>,
    %get3A_21 = vector.shape_cast %get3A_20 : vector<16xi32> to vector<16xi32>
    %add3A_22 = vector.broadcast %mul3A_2 : i32 to vector<16xi32>
    %add3A_23 = arith.addi %get3A_21, %add3A_22 : vector<16xi32>
    %swap3A_24 = arith.constant 32 : index
    %swap3A_25 = tpu.vector_load %arg11[%swap3A_24] {strides = array<i32>} : memref<1600xi32, #tpu.memory_space<vmem>>, vector<16xi32>,
    %swap3A_26 = vector.shape_cast %swap3A_25 : vector<16xi32> to vector<16xi32>
    %swap3A_27 = vector.shape_cast %add3A_23 : vector<16xi32> to vector<16xi32>
    tpu.vector_store %arg11[%swap3A_24], %swap3A_27 {strides = array<i32>} : memref<1600xi32, #tpu.memory_space<vmem>>, vector<16xi32>,
    %get3A_28 = arith.constant 48 : index
    %get3A_29 = tpu.vector_load %arg11[%get3A_28] {strides = array<i32>} : memref<1600xi32, #tpu.memory_space<vmem>>, vector<16xi32>,
    %get3A_30 = vector.shape_cast %get3A_29 : vector<16xi32> to vector<16xi32>
    %add3A_31 = vector.broadcast %mul3A_2 : i32 to vector<16xi32>
    %add3A_32 = arith.addi %get3A_30, %add3A_31 : vector<16xi32>
    %swap3A_33 = arith.constant 48 : index
    %swap3A_34 = tpu.vector_load %arg11[%swap3A_33] {strides = array<i32>} : memref<1600xi32, #tpu.memory_space<vmem>>, vector<16xi32>,
    %swap3A_35 = vector.shape_cast %swap3A_34 : vector<16xi32> to vector<16xi32>
    %swap3A_36 = vector.shape_cast %add3A_32 : vector<16xi32> to vector<16xi32>
    tpu.vector_store %arg11[%swap3A_33], %swap3A_36 {strides = array<i32>} : memref<1600xi32, #tpu.memory_space<vmem>>, vector<16xi32>,
    %get3A_37 = arith.constant 64 : index
    %get3A_38 = tpu.vector_load %arg11[%get3A_37] {strides = array<i32>} : memref<1600xi32, #tpu.memory_space<vmem>>, vector<16xi32>,
    %get3A_39 = vector.shape_cast %get3A_38 : vector<16xi32> to vector<16xi32>
    %add3A_40 = vector.broadcast %mul3A_2 : i32 to vector<16xi32>
    %add3A_41 = arith.addi %get3A_39, %add3A_40 : vector<16xi32>
    %swap3A_42 = arith.constant 64 : index
    %swap3A_43 = tpu.vector_load %arg11[%swap3A_42] {strides = array<i32>} : memref<1600xi32, #tpu.memory_space<vmem>>, vector<16xi32>,
    %swap3A_44 = vector.shape_cast %swap3A_43 : vector<16xi32> to vector<16xi32>
    %swap3A_45 = vector.shape_cast %add3A_41 : vector<16xi32> to vector<16xi32>
    tpu.vector_store %arg11[%swap3A_42], %swap3A_45 {strides = array<i32>} : memref<1600xi32, #tpu.memory_space<vmem>>, vector<16xi32>,
    %get3A_46 = arith.constant 80 : index
    %get3A_47 = tpu.vector_load %arg11[%get3A_46] {strides = array<i32>} : memref<1600xi32, #tpu.memory_space<vmem>>, vector<16xi32>,
    %get3A_48 = vector.shape_cast %get3A_47 : vector<16xi32> to vector<16xi32>
    %add3A_49 = vector.broadcast %mul3A_2 : i32 to vector<16xi32>
    %add3A_50 = arith.addi %get3A_48, %add3A_49 : vector<16xi32>
    %swap3A_51 = arith.constant 80 : index
    %swap3A_52 = tpu.vector_load %arg11[%swap3A_51] {strides = array<i32>} : memref<1600xi32, #tpu.memory_space<vmem>>, vector<16xi32>,
    %swap3A_53 = vector.shape_cast %swap3A_52 : vector<16xi32> to vector<16xi32>
    %swap3A_54 = vector.shape_cast %add3A_50 : vector<16xi32> to vector<16xi32>
    tpu.vector_store %arg11[%swap3A_51], %swap3A_54 {strides = array<i32>} : memref<1600xi32, #tpu.memory_space<vmem>>, vector<16xi32>,
    %get3A_55 = arith.constant 96 : index
    %get3A_56 = tpu.vector_load %arg11[%get3A_55] {strides = array<i32>} : memref<1600xi32, #tpu.memory_space<vmem>>, vector<16xi32>,
    %get3A_57 = vector.shape_cast %get3A_56 : vector<16xi32> to vector<16xi32>
    %add3A_58 = vector.broadcast %mul3A_2 : i32 to vector<16xi32>
    %add3A_59 = arith.addi %get3A_57, %add3A_58 : vector<16xi32>
    %swap3A_60 = arith.constant 96 : index
    %swap3A_61 = tpu.vector_load %arg11[%swap3A_60] {strides = array<i32>} : memref<1600xi32, #tpu.memory_space<vmem>>, vector<16xi32>,
    %swap3A_62 = vector.shape_cast %swap3A_61 : vector<16xi32> to vector<16xi32>
    %swap3A_63 = vector.shape_cast %add3A_59 : vector<16xi32> to vector<16xi32>
    tpu.vector_store %arg11[%swap3A_60], %swap3A_63 {strides = array<i32>} : memref<1600xi32, #tpu.memory_space<vmem>>, vector<16xi32>,
    %get3A_64 = arith.constant 112 : index
    %get3A_65 = tpu.vector_load %arg11[%get3A_64] {strides = array<i32>} : memref<1600xi32, #tpu.memory_space<vmem>>, vector<16xi32>,
    %get3A_66 = vector.shape_cast %get3A_65 : vector<16xi32> to vector<16xi32>
    %add3A_67 = vector.broadcast %mul3A_2 : i32 to vector<16xi32>
    %add3A_68 = arith.addi %get3A_66, %add3A_67 : vector<16xi32>
    %swap3A_69 = arith.constant 112 : index
    %swap3A_70 = tpu.vector_load %arg11[%swap3A_69] {strides = array<i32>} : memref<1600xi32, #tpu.memory_space<vmem>>, vector<16xi32>,
    %swap3A_71 = vector.shape_cast %swap3A_70 : vector<16xi32> to vector<16xi32>
    %swap3A_72 = vector.shape_cast %add3A_68 : vector<16xi32> to vector<16xi32>
    tpu.vector_store %arg11[%swap3A_69], %swap3A_72 {strides = array<i32>} : memref<1600xi32, #tpu.memory_space<vmem>>, vector<16xi32>,
    %get3A_73 = arith.constant 128 : index
    %get3A_74 = tpu.vector_load %arg11[%get3A_73] {strides = array<i32>} : memref<1600xi32, #tpu.memory_space<vmem>>, vector<16xi32>,
    %get3A_75 = vector.shape_cast %get3A_74 : vector<16xi32> to vector<16xi32>
    %add3A_76 = vector.broadcast %mul3A_2 : i32 to vector<16xi32>
    %add3A_77 = arith.addi %get3A_75, %add3A_76 : vector<16xi32>
    %swap3A_78 = arith.constant 128 : index
    %swap3A_79 = tpu.vector_load %arg11[%swap3A_78] {strides = array<i32>} : memref<1600xi32, #tpu.memory_space<vmem>>, vector<16xi32>,
    %swap3A_80 = vector.shape_cast %swap3A_79 : vector<16xi32> to vector<16xi32>
    %swap3A_81 = vector.shape_cast %add3A_77 : vector<16xi32> to vector<16xi32>
    tpu.vector_store %arg11[%swap3A_78], %swap3A_81 {strides = array<i32>} : memref<1600xi32, #tpu.memory_space<vmem>>, vector<16xi32>,
    %get3A_82 = arith.constant 144 : index
    %get3A_83 = tpu.vector_load %arg11[%get3A_82] {strides = array<i32>} : memref<1600xi32, #tpu.memory_space<vmem>>, vector<16xi32>,
    %get3A_84 = vector.shape_cast %get3A_83 : vector<16xi32> to vector<16xi32>
    %add3A_85 = vector.broadcast %mul3A_2 : i32 to vector<16xi32>
    %add3A_86 = arith.addi %get3A_84, %add3A_85 : vector<16xi32>
    %swap3A_87 = arith.constant 144 : index
    %swap3A_88 = tpu.vector_load %arg11[%swap3A_87] {strides = array<i32>} : memref<1600xi32, #tpu.memory_space<vmem>>, vector<16xi32>,
    %swap3A_89 = vector.shape_cast %swap3A_88 : vector<16xi32> to vector<16xi32>
    %swap3A_90 = vector.shape_cast %add3A_86 : vector<16xi32> to vector<16xi32>
    tpu.vector_store %arg11[%swap3A_87], %swap3A_90 {strides = array<i32>} : memref<1600xi32, #tpu.memory_space<vmem>>, vector<16xi32>,
    %get3A_91 = arith.constant 160 : index
    %get3A_92 = tpu.vector_load %arg11[%get3A_91] {strides = array<i32>} : memref<1600xi32, #tpu.memory_space<vmem>>, vector<16xi32>,
    %get3A_93 = vector.shape_cast %get3A_92 : vector<16xi32> to vector<16xi32>
    %add3A_94 = vector.broadcast %mul3A_2 : i32 to vector<16xi32>
    %add3A_95 = arith.addi %get3A_93, %add3A_94 : vector<16xi32>
    %swap3A_96 = arith.constant 160 : index
    %swap3A_97 = tpu.vector_load %arg11[%swap3A_96] {strides = array<i32>} : memref<1600xi32, #tpu.memory_space<vmem>>, vector<16xi32>,
    %swap3A_98 = vector.shape_cast %swap3A_97 : vector<16xi32> to vector<16xi32>
    %swap3A_99 = vector.shape_cast %add3A_95 : vector<16xi32> to vector<16xi32>
    tpu.vector_store %arg11[%swap3A_96], %swap3A_99 {strides = array<i32>} : memref<1600xi32, #tpu.memory_space<vmem>>, vector<16xi32>,
    %get3A_100 = arith.constant 176 : index
    %get3A_101 = tpu.vector_load %arg11[%get3A_100] {strides = array<i32>} : memref<1600xi32, #tpu.memory_space<vmem>>, vector<16xi32>,
    %get3A_102 = vector.shape_cast %get3A_101 : vector<16xi32> to vector<16xi32>
    %add3A_103 = vector.broadcast %mul3A_2 : i32 to vector<16xi32>
    %add3A_104 = arith.addi %get3A_102, %add3A_103 : vector<16xi32>
    %swap3A_105 = arith.constant 176 : index
    %swap3A_106 = tpu.vector_load %arg11[%swap3A_105] {strides = array<i32>} : memref<1600xi32, #tpu.memory_space<vmem>>, vector<16xi32>,
    %swap3A_107 = vector.shape_cast %swap3A_106 : vector<16xi32> to vector<16xi32>
    %swap3A_108 = vector.shape_cast %add3A_104 : vector<16xi32> to vector<16xi32>
    tpu.vector_store %arg11[%swap3A_105], %swap3A_108 {strides = array<i32>} : memref<1600xi32, #tpu.memory_space<vmem>>, vector<16xi32>,
    %get3A_109 = arith.constant 192 : index
    %get3A_110 = tpu.vector_load %arg11[%get3A_109] {strides = array<i32>} : memref<1600xi32, #tpu.memory_space<vmem>>, vector<16xi32>,
    %get3A_111 = vector.shape_cast %get3A_110 : vector<16xi32> to vector<16xi32>
    %add3A_112 = vector.broadcast %mul3A_2 : i32 to vector<16xi32>
    %add3A_113 = arith.addi %get3A_111, %add3A_112 : vector<16xi32>
    %swap3A_114 = arith.constant 192 : index
    %swap3A_115 = tpu.vector_load %arg11[%swap3A_114] {strides = array<i32>} : memref<1600xi32, #tpu.memory_space<vmem>>, vector<16xi32>,
    %swap3A_116 = vector.shape_cast %swap3A_115 : vector<16xi32> to vector<16xi32>
    %swap3A_117 = vector.shape_cast %add3A_113 : vector<16xi32> to vector<16xi32>
    tpu.vector_store %arg11[%swap3A_114], %swap3A_117 {strides = array<i32>} : memref<1600xi32, #tpu.memory_space<vmem>>, vector<16xi32>,
    %get3A_118 = arith.constant 208 : index
    %get3A_119 = tpu.vector_load %arg11[%get3A_118] {strides = array<i32>} : memref<1600xi32, #tpu.memory_space<vmem>>, vector<16xi32>,
    %get3A_120 = vector.shape_cast %get3A_119 : vector<16xi32> to vector<16xi32>
    %add3A_121 = vector.broadcast %mul3A_2 : i32 to vector<16xi32>
    %add3A_122 = arith.addi %get3A_120, %add3A_121 : vector<16xi32>
    %swap3A_123 = arith.constant 208 : index
    %swap3A_124 = tpu.vector_load %arg11[%swap3A_123] {strides = array<i32>} : memref<1600xi32, #tpu.memory_space<vmem>>, vector<16xi32>,
    %swap3A_125 = vector.shape_cast %swap3A_124 : vector<16xi32> to vector<16xi32>
    %swap3A_126 = vector.shape_cast %add3A_122 : vector<16xi32> to vector<16xi32>
    tpu.vector_store %arg11[%swap3A_123], %swap3A_126 {strides = array<i32>} : memref<1600xi32, #tpu.memory_space<vmem>>, vector<16xi32>,
    %get3A_127 = arith.constant 224 : index
    %get3A_128 = tpu.vector_load %arg11[%get3A_127] {strides = array<i32>} : memref<1600xi32, #tpu.memory_space<vmem>>, vector<16xi32>,
    %get3A_129 = vector.shape_cast %get3A_128 : vector<16xi32> to vector<16xi32>
    %add3A_130 = vector.broadcast %mul3A_2 : i32 to vector<16xi32>
    %add3A_131 = arith.addi %get3A_129, %add3A_130 : vector<16xi32>
    %swap3A_132 = arith.constant 224 : index
    %swap3A_133 = tpu.vector_load %arg11[%swap3A_132] {strides = array<i32>} : memref<1600xi32, #tpu.memory_space<vmem>>, vector<16xi32>,
    %swap3A_134 = vector.shape_cast %swap3A_133 : vector<16xi32> to vector<16xi32>
    %swap3A_135 = vector.shape_cast %add3A_131 : vector<16xi32> to vector<16xi32>
    tpu.vector_store %arg11[%swap3A_132], %swap3A_135 {strides = array<i32>} : memref<1600xi32, #tpu.memory_space<vmem>>, vector<16xi32>,
    %get3A_136 = arith.constant 240 : index
    %get3A_137 = tpu.vector_load %arg11[%get3A_136] {strides = array<i32>} : memref<1600xi32, #tpu.memory_space<vmem>>, vector<16xi32>,
    %get3A_138 = vector.shape_cast %get3A_137 : vector<16xi32> to vector<16xi32>
    %add3A_139 = vector.broadcast %mul3A_2 : i32 to vector<16xi32>
    %add3A_140 = arith.addi %get3A_138, %add3A_139 : vector<16xi32>
    %swap3A_141 = arith.constant 240 : index
    %swap3A_142 = tpu.vector_load %arg11[%swap3A_141] {strides = array<i32>} : memref<1600xi32, #tpu.memory_space<vmem>>, vector<16xi32>,
    %swap3A_143 = vector.shape_cast %swap3A_142 : vector<16xi32> to vector<16xi32>
    %swap3A_144 = vector.shape_cast %add3A_140 : vector<16xi32> to vector<16xi32>
    tpu.vector_store %arg11[%swap3A_141], %swap3A_144 {strides = array<i32>} : memref<1600xi32, #tpu.memory_space<vmem>>, vector<16xi32>,
    %get3A_145 = arith.constant 256 : index
    %get3A_146 = tpu.vector_load %arg11[%get3A_145] {strides = array<i32>} : memref<1600xi32, #tpu.memory_space<vmem>>, vector<16xi32>,
    %get3A_147 = vector.shape_cast %get3A_146 : vector<16xi32> to vector<16xi32>
    %add3A_148 = vector.broadcast %mul3A_2 : i32 to vector<16xi32>
    %add3A_149 = arith.addi %get3A_147, %add3A_148 : vector<16xi32>
    %swap3A_150 = arith.constant 256 : index
    %swap3A_151 = tpu.vector_load %arg11[%swap3A_150] {strides = array<i32>} : memref<1600xi32, #tpu.memory_space<vmem>>, vector<16xi32>,
    %swap3A_152 = vector.shape_cast %swap3A_151 : vector<16xi32> to vector<16xi32>
    %swap3A_153 = vector.shape_cast %add3A_149 : vector<16xi32> to vector<16xi32>
    tpu.vector_store %arg11[%swap3A_150], %swap3A_153 {strides = array<i32>} : memref<1600xi32, #tpu.memory_space<vmem>>, vector<16xi32>,
    %get3A_154 = arith.constant 272 : index
    %get3A_155 = tpu.vector_load %arg11[%get3A_154] {strides = array<i32>} : memref<1600xi32, #tpu.memory_space<vmem>>, vector<16xi32>,
    %get3A_156 = vector.shape_cast %get3A_155 : vector<16xi32> to vector<16xi32>
    %add3A_157 = vector.broadcast %mul3A_2 : i32 to vector<16xi32>
    %add3A_158 = arith.addi %get3A_156, %add3A_157 : vector<16xi32>
    %swap3A_159 = arith.constant 272 : index
    %swap3A_160 = tpu.vector_load %arg11[%swap3A_159] {strides = array<i32>} : memref<1600xi32, #tpu.memory_space<vmem>>, vector<16xi32>,
    %swap3A_161 = vector.shape_cast %swap3A_160 : vector<16xi32> to vector<16xi32>
    %swap3A_162 = vector.shape_cast %add3A_158 : vector<16xi32> to vector<16xi32>
    tpu.vector_store %arg11[%swap3A_159], %swap3A_162 {strides = array<i32>} : memref<1600xi32, #tpu.memory_space<vmem>>, vector<16xi32>,
    %get3A_163 = arith.constant 288 : index
    %get3A_164 = tpu.vector_load %arg11[%get3A_163] {strides = array<i32>} : memref<1600xi32, #tpu.memory_space<vmem>>, vector<16xi32>,
    %get3A_165 = vector.shape_cast %get3A_164 : vector<16xi32> to vector<16xi32>
    %add3A_166 = vector.broadcast %mul3A_2 : i32 to vector<16xi32>
    %add3A_167 = arith.addi %get3A_165, %add3A_166 : vector<16xi32>
    %swap3A_168 = arith.constant 288 : index
    %swap3A_169 = tpu.vector_load %arg11[%swap3A_168] {strides = array<i32>} : memref<1600xi32, #tpu.memory_space<vmem>>, vector<16xi32>,
    %swap3A_170 = vector.shape_cast %swap3A_169 : vector<16xi32> to vector<16xi32>
    %swap3A_171 = vector.shape_cast %add3A_167 : vector<16xi32> to vector<16xi32>
    tpu.vector_store %arg11[%swap3A_168], %swap3A_171 {strides = array<i32>} : memref<1600xi32, #tpu.memory_space<vmem>>, vector<16xi32>,
    %get3A_172 = arith.constant 304 : index
    %get3A_173 = tpu.vector_load %arg11[%get3A_172] {strides = array<i32>} : memref<1600xi32, #tpu.memory_space<vmem>>, vector<16xi32>,
    %get3A_174 = vector.shape_cast %get3A_173 : vector<16xi32> to vector<16xi32>
    %add3A_175 = vector.broadcast %mul3A_2 : i32 to vector<16xi32>
    %add3A_176 = arith.addi %get3A_174, %add3A_175 : vector<16xi32>
    %swap3A_177 = arith.constant 304 : index
    %swap3A_178 = tpu.vector_load %arg11[%swap3A_177] {strides = array<i32>} : memref<1600xi32, #tpu.memory_space<vmem>>, vector<16xi32>,
    %swap3A_179 = vector.shape_cast %swap3A_178 : vector<16xi32> to vector<16xi32>
    %swap3A_180 = vector.shape_cast %add3A_176 : vector<16xi32> to vector<16xi32>
    tpu.vector_store %arg11[%swap3A_177], %swap3A_180 {strides = array<i32>} : memref<1600xi32, #tpu.memory_space<vmem>>, vector<16xi32>,
    %get3A_181 = arith.constant 320 : index
    %get3A_182 = tpu.vector_load %arg11[%get3A_181] {strides = array<i32>} : memref<1600xi32, #tpu.memory_space<vmem>>, vector<16xi32>,
    %get3A_183 = vector.shape_cast %get3A_182 : vector<16xi32> to vector<16xi32>
    %add3A_184 = vector.broadcast %mul3A_2 : i32 to vector<16xi32>
    %add3A_185 = arith.addi %get3A_183, %add3A_184 : vector<16xi32>
    %swap3A_186 = arith.constant 320 : index
    %swap3A_187 = tpu.vector_load %arg11[%swap3A_186] {strides = array<i32>} : memref<1600xi32, #tpu.memory_space<vmem>>, vector<16xi32>,
    %swap3A_188 = vector.shape_cast %swap3A_187 : vector<16xi32> to vector<16xi32>
    %swap3A_189 = vector.shape_cast %add3A_185 : vector<16xi32> to vector<16xi32>
    tpu.vector_store %arg11[%swap3A_186], %swap3A_189 {strides = array<i32>} : memref<1600xi32, #tpu.memory_space<vmem>>, vector<16xi32>,
    %get3A_190 = arith.constant 336 : index
    %get3A_191 = tpu.vector_load %arg11[%get3A_190] {strides = array<i32>} : memref<1600xi32, #tpu.memory_space<vmem>>, vector<16xi32>,
    %get3A_192 = vector.shape_cast %get3A_191 : vector<16xi32> to vector<16xi32>
    %add3A_193 = vector.broadcast %mul3A_2 : i32 to vector<16xi32>
    %add3A_194 = arith.addi %get3A_192, %add3A_193 : vector<16xi32>
    %swap3A_195 = arith.constant 336 : index
    %swap3A_196 = tpu.vector_load %arg11[%swap3A_195] {strides = array<i32>} : memref<1600xi32, #tpu.memory_space<vmem>>, vector<16xi32>,
    %swap3A_197 = vector.shape_cast %swap3A_196 : vector<16xi32> to vector<16xi32>
    %swap3A_198 = vector.shape_cast %add3A_194 : vector<16xi32> to vector<16xi32>
    tpu.vector_store %arg11[%swap3A_195], %swap3A_198 {strides = array<i32>} : memref<1600xi32, #tpu.memory_space<vmem>>, vector<16xi32>,
    %get3A_199 = arith.constant 352 : index
    %get3A_200 = tpu.vector_load %arg11[%get3A_199] {strides = array<i32>} : memref<1600xi32, #tpu.memory_space<vmem>>, vector<16xi32>,
    %get3A_201 = vector.shape_cast %get3A_200 : vector<16xi32> to vector<16xi32>
    %add3A_202 = vector.broadcast %mul3A_2 : i32 to vector<16xi32>
    %add3A_203 = arith.addi %get3A_201, %add3A_202 : vector<16xi32>
    %swap3A_204 = arith.constant 352 : index
    %swap3A_205 = tpu.vector_load %arg11[%swap3A_204] {strides = array<i32>} : memref<1600xi32, #tpu.memory_space<vmem>>, vector<16xi32>,
    %swap3A_206 = vector.shape_cast %swap3A_205 : vector<16xi32> to vector<16xi32>
    %swap3A_207 = vector.shape_cast %add3A_203 : vector<16xi32> to vector<16xi32>
    tpu.vector_store %arg11[%swap3A_204], %swap3A_207 {strides = array<i32>} : memref<1600xi32, #tpu.memory_space<vmem>>, vector<16xi32>,
    %get3A_208 = arith.constant 368 : index
    %get3A_209 = tpu.vector_load %arg11[%get3A_208] {strides = array<i32>} : memref<1600xi32, #tpu.memory_space<vmem>>, vector<16xi32>,
    %get3A_210 = vector.shape_cast %get3A_209 : vector<16xi32> to vector<16xi32>
    %add3A_211 = vector.broadcast %mul3A_2 : i32 to vector<16xi32>
    %add3A_212 = arith.addi %get3A_210, %add3A_211 : vector<16xi32>
    %swap3A_213 = arith.constant 368 : index
    %swap3A_214 = tpu.vector_load %arg11[%swap3A_213] {strides = array<i32>} : memref<1600xi32, #tpu.memory_space<vmem>>, vector<16xi32>,
    %swap3A_215 = vector.shape_cast %swap3A_214 : vector<16xi32> to vector<16xi32>
    %swap3A_216 = vector.shape_cast %add3A_212 : vector<16xi32> to vector<16xi32>
    tpu.vector_store %arg11[%swap3A_213], %swap3A_216 {strides = array<i32>} : memref<1600xi32, #tpu.memory_space<vmem>>, vector<16xi32>,
    %get3A_217 = arith.constant 384 : index
    %get3A_218 = tpu.vector_load %arg11[%get3A_217] {strides = array<i32>} : memref<1600xi32, #tpu.memory_space<vmem>>, vector<16xi32>,
    %get3A_219 = vector.shape_cast %get3A_218 : vector<16xi32> to vector<16xi32>
    %add3A_220 = vector.broadcast %mul3A_2 : i32 to vector<16xi32>
    %add3A_221 = arith.addi %get3A_219, %add3A_220 : vector<16xi32>
    %swap3A_222 = arith.constant 384 : index
    %swap3A_223 = tpu.vector_load %arg11[%swap3A_222] {strides = array<i32>} : memref<1600xi32, #tpu.memory_space<vmem>>, vector<16xi32>,
    %swap3A_224 = vector.shape_cast %swap3A_223 : vector<16xi32> to vector<16xi32>
    %swap3A_225 = vector.shape_cast %add3A_221 : vector<16xi32> to vector<16xi32>
    tpu.vector_store %arg11[%swap3A_222], %swap3A_225 {strides = array<i32>} : memref<1600xi32, #tpu.memory_space<vmem>>, vector<16xi32>,
    %get3A_226 = arith.constant 400 : index
    %get3A_227 = tpu.vector_load %arg11[%get3A_226] {strides = array<i32>} : memref<1600xi32, #tpu.memory_space<vmem>>, vector<16xi32>,
    %get3A_228 = vector.shape_cast %get3A_227 : vector<16xi32> to vector<16xi32>
    %add3A_229 = vector.broadcast %mul3A_2 : i32 to vector<16xi32>
    %add3A_230 = arith.addi %get3A_228, %add3A_229 : vector<16xi32>
    %swap3A_231 = arith.constant 400 : index
    %swap3A_232 = tpu.vector_load %arg11[%swap3A_231] {strides = array<i32>} : memref<1600xi32, #tpu.memory_space<vmem>>, vector<16xi32>,
    %swap3A_233 = vector.shape_cast %swap3A_232 : vector<16xi32> to vector<16xi32>
    %swap3A_234 = vector.shape_cast %add3A_230 : vector<16xi32> to vector<16xi32>
    tpu.vector_store %arg11[%swap3A_231], %swap3A_234 {strides = array<i32>} : memref<1600xi32, #tpu.memory_space<vmem>>, vector<16xi32>,
    %get3A_235 = arith.constant 416 : index
    %get3A_236 = tpu.vector_load %arg11[%get3A_235] {strides = array<i32>} : memref<1600xi32, #tpu.memory_space<vmem>>, vector<16xi32>,
    %get3A_237 = vector.shape_cast %get3A_236 : vector<16xi32> to vector<16xi32>
    %add3A_238 = vector.broadcast %mul3A_2 : i32 to vector<16xi32>
    %add3A_239 = arith.addi %get3A_237, %add3A_238 : vector<16xi32>
    %swap3A_240 = arith.constant 416 : index
    %swap3A_241 = tpu.vector_load %arg11[%swap3A_240] {strides = array<i32>} : memref<1600xi32, #tpu.memory_space<vmem>>, vector<16xi32>,
    %swap3A_242 = vector.shape_cast %swap3A_241 : vector<16xi32> to vector<16xi32>
    %swap3A_243 = vector.shape_cast %add3A_239 : vector<16xi32> to vector<16xi32>
    tpu.vector_store %arg11[%swap3A_240], %swap3A_243 {strides = array<i32>} : memref<1600xi32, #tpu.memory_space<vmem>>, vector<16xi32>,
    %get3A_244 = arith.constant 432 : index
    %get3A_245 = tpu.vector_load %arg11[%get3A_244] {strides = array<i32>} : memref<1600xi32, #tpu.memory_space<vmem>>, vector<16xi32>,
    %get3A_246 = vector.shape_cast %get3A_245 : vector<16xi32> to vector<16xi32>
    %add3A_247 = vector.broadcast %mul3A_2 : i32 to vector<16xi32>
    %add3A_248 = arith.addi %get3A_246, %add3A_247 : vector<16xi32>
    %swap3A_249 = arith.constant 432 : index
    %swap3A_250 = tpu.vector_load %arg11[%swap3A_249] {strides = array<i32>} : memref<1600xi32, #tpu.memory_space<vmem>>, vector<16xi32>,
    %swap3A_251 = vector.shape_cast %swap3A_250 : vector<16xi32> to vector<16xi32>
    %swap3A_252 = vector.shape_cast %add3A_248 : vector<16xi32> to vector<16xi32>
    tpu.vector_store %arg11[%swap3A_249], %swap3A_252 {strides = array<i32>} : memref<1600xi32, #tpu.memory_space<vmem>>, vector<16xi32>,
    %get3A_253 = arith.constant 448 : index
    %get3A_254 = tpu.vector_load %arg11[%get3A_253] {strides = array<i32>} : memref<1600xi32, #tpu.memory_space<vmem>>, vector<16xi32>,
    %get3A_255 = vector.shape_cast %get3A_254 : vector<16xi32> to vector<16xi32>
    %add3A_256 = vector.broadcast %mul3A_2 : i32 to vector<16xi32>
    %add3A_257 = arith.addi %get3A_255, %add3A_256 : vector<16xi32>
    %swap3A_258 = arith.constant 448 : index
    %swap3A_259 = tpu.vector_load %arg11[%swap3A_258] {strides = array<i32>} : memref<1600xi32, #tpu.memory_space<vmem>>, vector<16xi32>,
    %swap3A_260 = vector.shape_cast %swap3A_259 : vector<16xi32> to vector<16xi32>
    %swap3A_261 = vector.shape_cast %add3A_257 : vector<16xi32> to vector<16xi32>
    tpu.vector_store %arg11[%swap3A_258], %swap3A_261 {strides = array<i32>} : memref<1600xi32, #tpu.memory_space<vmem>>, vector<16xi32>,
    %get3A_262 = arith.constant 464 : index
    %get3A_263 = tpu.vector_load %arg11[%get3A_262] {strides = array<i32>} : memref<1600xi32, #tpu.memory_space<vmem>>, vector<16xi32>,
    %get3A_264 = vector.shape_cast %get3A_263 : vector<16xi32> to vector<16xi32>
    %add3A_265 = vector.broadcast %mul3A_2 : i32 to vector<16xi32>
    %add3A_266 = arith.addi %get3A_264, %add3A_265 : vector<16xi32>
    %swap3A_267 = arith.constant 464 : index
    %swap3A_268 = tpu.vector_load %arg11[%swap3A_267] {strides = array<i32>} : memref<1600xi32, #tpu.memory_space<vmem>>, vector<16xi32>,
    %swap3A_269 = vector.shape_cast %swap3A_268 : vector<16xi32> to vector<16xi32>
    %swap3A_270 = vector.shape_cast %add3A_266 : vector<16xi32> to vector<16xi32>
    tpu.vector_store %arg11[%swap3A_267], %swap3A_270 {strides = array<i32>} : memref<1600xi32, #tpu.memory_space<vmem>>, vector<16xi32>,
    %get3A_271 = arith.constant 480 : index
    %get3A_272 = tpu.vector_load %arg11[%get3A_271] {strides = array<i32>} : memref<1600xi32, #tpu.memory_space<vmem>>, vector<16xi32>,
    %get3A_273 = vector.shape_cast %get3A_272 : vector<16xi32> to vector<16xi32>
    %add3A_274 = vector.broadcast %mul3A_2 : i32 to vector<16xi32>
    %add3A_275 = arith.addi %get3A_273, %add3A_274 : vector<16xi32>
    %swap3A_276 = arith.constant 480 : index
    %swap3A_277 = tpu.vector_load %arg11[%swap3A_276] {strides = array<i32>} : memref<1600xi32, #tpu.memory_space<vmem>>, vector<16xi32>,
    %swap3A_278 = vector.shape_cast %swap3A_277 : vector<16xi32> to vector<16xi32>
    %swap3A_279 = vector.shape_cast %add3A_275 : vector<16xi32> to vector<16xi32>
    tpu.vector_store %arg11[%swap3A_276], %swap3A_279 {strides = array<i32>} : memref<1600xi32, #tpu.memory_space<vmem>>, vector<16xi32>,
    %get3A_280 = arith.constant 496 : index
    %get3A_281 = tpu.vector_load %arg11[%get3A_280] {strides = array<i32>} : memref<1600xi32, #tpu.memory_space<vmem>>, vector<16xi32>,
    %get3A_282 = vector.shape_cast %get3A_281 : vector<16xi32> to vector<16xi32>
    %add3A_283 = vector.broadcast %mul3A_2 : i32 to vector<16xi32>
    %add3A_284 = arith.addi %get3A_282, %add3A_283 : vector<16xi32>
    %swap3A_285 = arith.constant 496 : index
    %swap3A_286 = tpu.vector_load %arg11[%swap3A_285] {strides = array<i32>} : memref<1600xi32, #tpu.memory_space<vmem>>, vector<16xi32>,
    %swap3A_287 = vector.shape_cast %swap3A_286 : vector<16xi32> to vector<16xi32>
    %swap3A_288 = vector.shape_cast %add3A_284 : vector<16xi32> to vector<16xi32>
    tpu.vector_store %arg11[%swap3A_285], %swap3A_288 {strides = array<i32>} : memref<1600xi32, #tpu.memory_space<vmem>>, vector<16xi32>,
    %get3A_289 = arith.constant 512 : index
    %get3A_290 = tpu.vector_load %arg11[%get3A_289] {strides = array<i32>} : memref<1600xi32, #tpu.memory_space<vmem>>, vector<16xi32>,
    %get3A_291 = vector.shape_cast %get3A_290 : vector<16xi32> to vector<16xi32>
    %add3A_292 = vector.broadcast %mul3A_2 : i32 to vector<16xi32>
    %add3A_293 = arith.addi %get3A_291, %add3A_292 : vector<16xi32>
    %swap3A_294 = arith.constant 512 : index
    %swap3A_295 = tpu.vector_load %arg11[%swap3A_294] {strides = array<i32>} : memref<1600xi32, #tpu.memory_space<vmem>>, vector<16xi32>,
    %swap3A_296 = vector.shape_cast %swap3A_295 : vector<16xi32> to vector<16xi32>
    %swap3A_297 = vector.shape_cast %add3A_293 : vector<16xi32> to vector<16xi32>
    tpu.vector_store %arg11[%swap3A_294], %swap3A_297 {strides = array<i32>} : memref<1600xi32, #tpu.memory_space<vmem>>, vector<16xi32>,
    %get3A_298 = arith.constant 528 : index
    %get3A_299 = tpu.vector_load %arg11[%get3A_298] {strides = array<i32>} : memref<1600xi32, #tpu.memory_space<vmem>>, vector<16xi32>,
    %get3A_300 = vector.shape_cast %get3A_299 : vector<16xi32> to vector<16xi32>
    %add3A_301 = vector.broadcast %mul3A_2 : i32 to vector<16xi32>
    %add3A_302 = arith.addi %get3A_300, %add3A_301 : vector<16xi32>
    %swap3A_303 = arith.constant 528 : index
    %swap3A_304 = tpu.vector_load %arg11[%swap3A_303] {strides = array<i32>} : memref<1600xi32, #tpu.memory_space<vmem>>, vector<16xi32>,
    %swap3A_305 = vector.shape_cast %swap3A_304 : vector<16xi32> to vector<16xi32>
    %swap3A_306 = vector.shape_cast %add3A_302 : vector<16xi32> to vector<16xi32>
    tpu.vector_store %arg11[%swap3A_303], %swap3A_306 {strides = array<i32>} : memref<1600xi32, #tpu.memory_space<vmem>>, vector<16xi32>,
    %get3A_307 = arith.constant 544 : index
    %get3A_308 = tpu.vector_load %arg11[%get3A_307] {strides = array<i32>} : memref<1600xi32, #tpu.memory_space<vmem>>, vector<16xi32>,
    %get3A_309 = vector.shape_cast %get3A_308 : vector<16xi32> to vector<16xi32>
    %add3A_310 = vector.broadcast %mul3A_2 : i32 to vector<16xi32>
    %add3A_311 = arith.addi %get3A_309, %add3A_310 : vector<16xi32>
    %swap3A_312 = arith.constant 544 : index
    %swap3A_313 = tpu.vector_load %arg11[%swap3A_312] {strides = array<i32>} : memref<1600xi32, #tpu.memory_space<vmem>>, vector<16xi32>,
    %swap3A_314 = vector.shape_cast %swap3A_313 : vector<16xi32> to vector<16xi32>
    %swap3A_315 = vector.shape_cast %add3A_311 : vector<16xi32> to vector<16xi32>
    tpu.vector_store %arg11[%swap3A_312], %swap3A_315 {strides = array<i32>} : memref<1600xi32, #tpu.memory_space<vmem>>, vector<16xi32>,
    %get3A_316 = arith.constant 560 : index
    %get3A_317 = tpu.vector_load %arg11[%get3A_316] {strides = array<i32>} : memref<1600xi32, #tpu.memory_space<vmem>>, vector<16xi32>,
    %get3A_318 = vector.shape_cast %get3A_317 : vector<16xi32> to vector<16xi32>
    %add3A_319 = vector.broadcast %mul3A_2 : i32 to vector<16xi32>
    %add3A_320 = arith.addi %get3A_318, %add3A_319 : vector<16xi32>
    %swap3A_321 = arith.constant 560 : index
    %swap3A_322 = tpu.vector_load %arg11[%swap3A_321] {strides = array<i32>} : memref<1600xi32, #tpu.memory_space<vmem>>, vector<16xi32>,
    %swap3A_323 = vector.shape_cast %swap3A_322 : vector<16xi32> to vector<16xi32>
    %swap3A_324 = vector.shape_cast %add3A_320 : vector<16xi32> to vector<16xi32>
    tpu.vector_store %arg11[%swap3A_321], %swap3A_324 {strides = array<i32>} : memref<1600xi32, #tpu.memory_space<vmem>>, vector<16xi32>,
    %get3A_325 = arith.constant 576 : index
    %get3A_326 = tpu.vector_load %arg11[%get3A_325] {strides = array<i32>} : memref<1600xi32, #tpu.memory_space<vmem>>, vector<16xi32>,
    %get3A_327 = vector.shape_cast %get3A_326 : vector<16xi32> to vector<16xi32>
    %add3A_328 = vector.broadcast %mul3A_2 : i32 to vector<16xi32>
    %add3A_329 = arith.addi %get3A_327, %add3A_328 : vector<16xi32>
    %swap3A_330 = arith.constant 576 : index
    %swap3A_331 = tpu.vector_load %arg11[%swap3A_330] {strides = array<i32>} : memref<1600xi32, #tpu.memory_space<vmem>>, vector<16xi32>,
    %swap3A_332 = vector.shape_cast %swap3A_331 : vector<16xi32> to vector<16xi32>
    %swap3A_333 = vector.shape_cast %add3A_329 : vector<16xi32> to vector<16xi32>
    tpu.vector_store %arg11[%swap3A_330], %swap3A_333 {strides = array<i32>} : memref<1600xi32, #tpu.memory_space<vmem>>, vector<16xi32>,
    %get3A_334 = arith.constant 592 : index
    %get3A_335 = tpu.vector_load %arg11[%get3A_334] {strides = array<i32>} : memref<1600xi32, #tpu.memory_space<vmem>>, vector<16xi32>,
    %get3A_336 = vector.shape_cast %get3A_335 : vector<16xi32> to vector<16xi32>
    %add3A_337 = vector.broadcast %mul3A_2 : i32 to vector<16xi32>
    %add3A_338 = arith.addi %get3A_336, %add3A_337 : vector<16xi32>
    %swap3A_339 = arith.constant 592 : index
    %swap3A_340 = tpu.vector_load %arg11[%swap3A_339] {strides = array<i32>} : memref<1600xi32, #tpu.memory_space<vmem>>, vector<16xi32>,
    %swap3A_341 = vector.shape_cast %swap3A_340 : vector<16xi32> to vector<16xi32>
    %swap3A_342 = vector.shape_cast %add3A_338 : vector<16xi32> to vector<16xi32>
    tpu.vector_store %arg11[%swap3A_339], %swap3A_342 {strides = array<i32>} : memref<1600xi32, #tpu.memory_space<vmem>>, vector<16xi32>,
    %get3A_343 = arith.constant 608 : index
    %get3A_344 = tpu.vector_load %arg11[%get3A_343] {strides = array<i32>} : memref<1600xi32, #tpu.memory_space<vmem>>, vector<16xi32>,
    %get3A_345 = vector.shape_cast %get3A_344 : vector<16xi32> to vector<16xi32>
    %add3A_346 = vector.broadcast %mul3A_2 : i32 to vector<16xi32>
    %add3A_347 = arith.addi %get3A_345, %add3A_346 : vector<16xi32>
    %swap3A_348 = arith.constant 608 : index
    %swap3A_349 = tpu.vector_load %arg11[%swap3A_348] {strides = array<i32>} : memref<1600xi32, #tpu.memory_space<vmem>>, vector<16xi32>,
    %swap3A_350 = vector.shape_cast %swap3A_349 : vector<16xi32> to vector<16xi32>
    %swap3A_351 = vector.shape_cast %add3A_347 : vector<16xi32> to vector<16xi32>
    tpu.vector_store %arg11[%swap3A_348], %swap3A_351 {strides = array<i32>} : memref<1600xi32, #tpu.memory_space<vmem>>, vector<16xi32>,
    %get3A_352 = arith.constant 624 : index
    %get3A_353 = tpu.vector_load %arg11[%get3A_352] {strides = array<i32>} : memref<1600xi32, #tpu.memory_space<vmem>>, vector<16xi32>,
    %get3A_354 = vector.shape_cast %get3A_353 : vector<16xi32> to vector<16xi32>
    %add3A_355 = vector.broadcast %mul3A_2 : i32 to vector<16xi32>
    %add3A_356 = arith.addi %get3A_354, %add3A_355 : vector<16xi32>
    %swap3A_357 = arith.constant 624 : index
    %swap3A_358 = tpu.vector_load %arg11[%swap3A_357] {strides = array<i32>} : memref<1600xi32, #tpu.memory_space<vmem>>, vector<16xi32>,
    %swap3A_359 = vector.shape_cast %swap3A_358 : vector<16xi32> to vector<16xi32>
    %swap3A_360 = vector.shape_cast %add3A_356 : vector<16xi32> to vector<16xi32>
    tpu.vector_store %arg11[%swap3A_357], %swap3A_360 {strides = array<i32>} : memref<1600xi32, #tpu.memory_space<vmem>>, vector<16xi32>,
    %get3A_361 = arith.constant 640 : index
    %get3A_362 = tpu.vector_load %arg11[%get3A_361] {strides = array<i32>} : memref<1600xi32, #tpu.memory_space<vmem>>, vector<16xi32>,
    %get3A_363 = vector.shape_cast %get3A_362 : vector<16xi32> to vector<16xi32>
    %add3A_364 = vector.broadcast %mul3A_2 : i32 to vector<16xi32>
    %add3A_365 = arith.addi %get3A_363, %add3A_364 : vector<16xi32>
    %swap3A_366 = arith.constant 640 : index
    %swap3A_367 = tpu.vector_load %arg11[%swap3A_366] {strides = array<i32>} : memref<1600xi32, #tpu.memory_space<vmem>>, vector<16xi32>,
    %swap3A_368 = vector.shape_cast %swap3A_367 : vector<16xi32> to vector<16xi32>
    %swap3A_369 = vector.shape_cast %add3A_365 : vector<16xi32> to vector<16xi32>
    tpu.vector_store %arg11[%swap3A_366], %swap3A_369 {strides = array<i32>} : memref<1600xi32, #tpu.memory_space<vmem>>, vector<16xi32>,
    %get3A_370 = arith.constant 656 : index
    %get3A_371 = tpu.vector_load %arg11[%get3A_370] {strides = array<i32>} : memref<1600xi32, #tpu.memory_space<vmem>>, vector<16xi32>,
    %get3A_372 = vector.shape_cast %get3A_371 : vector<16xi32> to vector<16xi32>
    %add3A_373 = vector.broadcast %mul3A_2 : i32 to vector<16xi32>
    %add3A_374 = arith.addi %get3A_372, %add3A_373 : vector<16xi32>
    %swap3A_375 = arith.constant 656 : index
    %swap3A_376 = tpu.vector_load %arg11[%swap3A_375] {strides = array<i32>} : memref<1600xi32, #tpu.memory_space<vmem>>, vector<16xi32>,
    %swap3A_377 = vector.shape_cast %swap3A_376 : vector<16xi32> to vector<16xi32>
    %swap3A_378 = vector.shape_cast %add3A_374 : vector<16xi32> to vector<16xi32>
    tpu.vector_store %arg11[%swap3A_375], %swap3A_378 {strides = array<i32>} : memref<1600xi32, #tpu.memory_space<vmem>>, vector<16xi32>,
    %get3A_379 = arith.constant 672 : index
    %get3A_380 = tpu.vector_load %arg11[%get3A_379] {strides = array<i32>} : memref<1600xi32, #tpu.memory_space<vmem>>, vector<16xi32>,
    %get3A_381 = vector.shape_cast %get3A_380 : vector<16xi32> to vector<16xi32>
    %add3A_382 = vector.broadcast %mul3A_2 : i32 to vector<16xi32>
    %add3A_383 = arith.addi %get3A_381, %add3A_382 : vector<16xi32>
    %swap3A_384 = arith.constant 672 : index
    %swap3A_385 = tpu.vector_load %arg11[%swap3A_384] {strides = array<i32>} : memref<1600xi32, #tpu.memory_space<vmem>>, vector<16xi32>,
    %swap3A_386 = vector.shape_cast %swap3A_385 : vector<16xi32> to vector<16xi32>
    %swap3A_387 = vector.shape_cast %add3A_383 : vector<16xi32> to vector<16xi32>
    tpu.vector_store %arg11[%swap3A_384], %swap3A_387 {strides = array<i32>} : memref<1600xi32, #tpu.memory_space<vmem>>, vector<16xi32>,
    %get3A_388 = arith.constant 688 : index
    %get3A_389 = tpu.vector_load %arg11[%get3A_388] {strides = array<i32>} : memref<1600xi32, #tpu.memory_space<vmem>>, vector<16xi32>,
    %get3A_390 = vector.shape_cast %get3A_389 : vector<16xi32> to vector<16xi32>
    %add3A_391 = vector.broadcast %mul3A_2 : i32 to vector<16xi32>
    %add3A_392 = arith.addi %get3A_390, %add3A_391 : vector<16xi32>
    %swap3A_393 = arith.constant 688 : index
    %swap3A_394 = tpu.vector_load %arg11[%swap3A_393] {strides = array<i32>} : memref<1600xi32, #tpu.memory_space<vmem>>, vector<16xi32>,
    %swap3A_395 = vector.shape_cast %swap3A_394 : vector<16xi32> to vector<16xi32>
    %swap3A_396 = vector.shape_cast %add3A_392 : vector<16xi32> to vector<16xi32>
    tpu.vector_store %arg11[%swap3A_393], %swap3A_396 {strides = array<i32>} : memref<1600xi32, #tpu.memory_space<vmem>>, vector<16xi32>,
    %get3A_397 = arith.constant 704 : index
    %get3A_398 = tpu.vector_load %arg11[%get3A_397] {strides = array<i32>} : memref<1600xi32, #tpu.memory_space<vmem>>, vector<16xi32>,
    %get3A_399 = vector.shape_cast %get3A_398 : vector<16xi32> to vector<16xi32>
    %add3A_400 = vector.broadcast %mul3A_2 : i32 to vector<16xi32>
    %add3A_401 = arith.addi %get3A_399, %add3A_400 : vector<16xi32>
    %swap3A_402 = arith.constant 704 : index
    %swap3A_403 = tpu.vector_load %arg11[%swap3A_402] {strides = array<i32>} : memref<1600xi32, #tpu.memory_space<vmem>>, vector<16xi32>,
    %swap3A_404 = vector.shape_cast %swap3A_403 : vector<16xi32> to vector<16xi32>
    %swap3A_405 = vector.shape_cast %add3A_401 : vector<16xi32> to vector<16xi32>
    tpu.vector_store %arg11[%swap3A_402], %swap3A_405 {strides = array<i32>} : memref<1600xi32, #tpu.memory_space<vmem>>, vector<16xi32>,
    %get3A_406 = arith.constant 720 : index
    %get3A_407 = tpu.vector_load %arg11[%get3A_406] {strides = array<i32>} : memref<1600xi32, #tpu.memory_space<vmem>>, vector<16xi32>,
    %get3A_408 = vector.shape_cast %get3A_407 : vector<16xi32> to vector<16xi32>
    %add3A_409 = vector.broadcast %mul3A_2 : i32 to vector<16xi32>
    %add3A_410 = arith.addi %get3A_408, %add3A_409 : vector<16xi32>
    %swap3A_411 = arith.constant 720 : index
    %swap3A_412 = tpu.vector_load %arg11[%swap3A_411] {strides = array<i32>} : memref<1600xi32, #tpu.memory_space<vmem>>, vector<16xi32>,
    %swap3A_413 = vector.shape_cast %swap3A_412 : vector<16xi32> to vector<16xi32>
    %swap3A_414 = vector.shape_cast %add3A_410 : vector<16xi32> to vector<16xi32>
    tpu.vector_store %arg11[%swap3A_411], %swap3A_414 {strides = array<i32>} : memref<1600xi32, #tpu.memory_space<vmem>>, vector<16xi32>,
    %get3A_415 = arith.constant 736 : index
    %get3A_416 = tpu.vector_load %arg11[%get3A_415] {strides = array<i32>} : memref<1600xi32, #tpu.memory_space<vmem>>, vector<16xi32>,
    %get3A_417 = vector.shape_cast %get3A_416 : vector<16xi32> to vector<16xi32>
    %add3A_418 = vector.broadcast %mul3A_2 : i32 to vector<16xi32>
    %add3A_419 = arith.addi %get3A_417, %add3A_418 : vector<16xi32>
    %swap3A_420 = arith.constant 736 : index
    %swap3A_421 = tpu.vector_load %arg11[%swap3A_420] {strides = array<i32>} : memref<1600xi32, #tpu.memory_space<vmem>>, vector<16xi32>,
    %swap3A_422 = vector.shape_cast %swap3A_421 : vector<16xi32> to vector<16xi32>
    %swap3A_423 = vector.shape_cast %add3A_419 : vector<16xi32> to vector<16xi32>
    tpu.vector_store %arg11[%swap3A_420], %swap3A_423 {strides = array<i32>} : memref<1600xi32, #tpu.memory_space<vmem>>, vector<16xi32>,
    %get3A_424 = arith.constant 752 : index
    %get3A_425 = tpu.vector_load %arg11[%get3A_424] {strides = array<i32>} : memref<1600xi32, #tpu.memory_space<vmem>>, vector<16xi32>,
    %get3A_426 = vector.shape_cast %get3A_425 : vector<16xi32> to vector<16xi32>
    %add3A_427 = vector.broadcast %mul3A_2 : i32 to vector<16xi32>
    %add3A_428 = arith.addi %get3A_426, %add3A_427 : vector<16xi32>
    %swap3A_429 = arith.constant 752 : index
    %swap3A_430 = tpu.vector_load %arg11[%swap3A_429] {strides = array<i32>} : memref<1600xi32, #tpu.memory_space<vmem>>, vector<16xi32>,
    %swap3A_431 = vector.shape_cast %swap3A_430 : vector<16xi32> to vector<16xi32>
    %swap3A_432 = vector.shape_cast %add3A_428 : vector<16xi32> to vector<16xi32>
    tpu.vector_store %arg11[%swap3A_429], %swap3A_432 {strides = array<i32>} : memref<1600xi32, #tpu.memory_space<vmem>>, vector<16xi32>,
    %get3A_433 = arith.constant 768 : index
    %get3A_434 = tpu.vector_load %arg11[%get3A_433] {strides = array<i32>} : memref<1600xi32, #tpu.memory_space<vmem>>, vector<16xi32>,
    %get3A_435 = vector.shape_cast %get3A_434 : vector<16xi32> to vector<16xi32>
    %add3A_436 = vector.broadcast %mul3A_2 : i32 to vector<16xi32>
    %add3A_437 = arith.addi %get3A_435, %add3A_436 : vector<16xi32>
    %swap3A_438 = arith.constant 768 : index
    %swap3A_439 = tpu.vector_load %arg11[%swap3A_438] {strides = array<i32>} : memref<1600xi32, #tpu.memory_space<vmem>>, vector<16xi32>,
    %swap3A_440 = vector.shape_cast %swap3A_439 : vector<16xi32> to vector<16xi32>
    %swap3A_441 = vector.shape_cast %add3A_437 : vector<16xi32> to vector<16xi32>
    tpu.vector_store %arg11[%swap3A_438], %swap3A_441 {strides = array<i32>} : memref<1600xi32, #tpu.memory_space<vmem>>, vector<16xi32>,
    %get3A_442 = arith.constant 784 : index
    %get3A_443 = tpu.vector_load %arg11[%get3A_442] {strides = array<i32>} : memref<1600xi32, #tpu.memory_space<vmem>>, vector<16xi32>,
    %get3A_444 = vector.shape_cast %get3A_443 : vector<16xi32> to vector<16xi32>
    %add3A_445 = vector.broadcast %mul3A_2 : i32 to vector<16xi32>
    %add3A_446 = arith.addi %get3A_444, %add3A_445 : vector<16xi32>
    %swap3A_447 = arith.constant 784 : index
    %swap3A_448 = tpu.vector_load %arg11[%swap3A_447] {strides = array<i32>} : memref<1600xi32, #tpu.memory_space<vmem>>, vector<16xi32>,
    %swap3A_449 = vector.shape_cast %swap3A_448 : vector<16xi32> to vector<16xi32>
    %swap3A_450 = vector.shape_cast %add3A_446 : vector<16xi32> to vector<16xi32>
    tpu.vector_store %arg11[%swap3A_447], %swap3A_450 {strides = array<i32>} : memref<1600xi32, #tpu.memory_space<vmem>>, vector<16xi32>,
    %get3A_451 = arith.constant 800 : index
    %get3A_452 = tpu.vector_load %arg11[%get3A_451] {strides = array<i32>} : memref<1600xi32, #tpu.memory_space<vmem>>, vector<16xi32>,
    %get3A_453 = vector.shape_cast %get3A_452 : vector<16xi32> to vector<16xi32>
    %add3A_454 = vector.broadcast %mul3A_2 : i32 to vector<16xi32>
    %add3A_455 = arith.addi %get3A_453, %add3A_454 : vector<16xi32>
    %swap3A_456 = arith.constant 800 : index
    %swap3A_457 = tpu.vector_load %arg11[%swap3A_456] {strides = array<i32>} : memref<1600xi32, #tpu.memory_space<vmem>>, vector<16xi32>,
    %swap3A_458 = vector.shape_cast %swap3A_457 : vector<16xi32> to vector<16xi32>
    %swap3A_459 = vector.shape_cast %add3A_455 : vector<16xi32> to vector<16xi32>
    tpu.vector_store %arg11[%swap3A_456], %swap3A_459 {strides = array<i32>} : memref<1600xi32, #tpu.memory_space<vmem>>, vector<16xi32>,
    %get3A_460 = arith.constant 816 : index
    %get3A_461 = tpu.vector_load %arg11[%get3A_460] {strides = array<i32>} : memref<1600xi32, #tpu.memory_space<vmem>>, vector<16xi32>,
    %get3A_462 = vector.shape_cast %get3A_461 : vector<16xi32> to vector<16xi32>
    %add3A_463 = vector.broadcast %mul3A_2 : i32 to vector<16xi32>
    %add3A_464 = arith.addi %get3A_462, %add3A_463 : vector<16xi32>
    %swap3A_465 = arith.constant 816 : index
    %swap3A_466 = tpu.vector_load %arg11[%swap3A_465] {strides = array<i32>} : memref<1600xi32, #tpu.memory_space<vmem>>, vector<16xi32>,
    %swap3A_467 = vector.shape_cast %swap3A_466 : vector<16xi32> to vector<16xi32>
    %swap3A_468 = vector.shape_cast %add3A_464 : vector<16xi32> to vector<16xi32>
    tpu.vector_store %arg11[%swap3A_465], %swap3A_468 {strides = array<i32>} : memref<1600xi32, #tpu.memory_space<vmem>>, vector<16xi32>,
    %get3A_469 = arith.constant 832 : index
    %get3A_470 = tpu.vector_load %arg11[%get3A_469] {strides = array<i32>} : memref<1600xi32, #tpu.memory_space<vmem>>, vector<16xi32>,
    %get3A_471 = vector.shape_cast %get3A_470 : vector<16xi32> to vector<16xi32>
    %add3A_472 = vector.broadcast %mul3A_2 : i32 to vector<16xi32>
    %add3A_473 = arith.addi %get3A_471, %add3A_472 : vector<16xi32>
    %swap3A_474 = arith.constant 832 : index
    %swap3A_475 = tpu.vector_load %arg11[%swap3A_474] {strides = array<i32>} : memref<1600xi32, #tpu.memory_space<vmem>>, vector<16xi32>,
    %swap3A_476 = vector.shape_cast %swap3A_475 : vector<16xi32> to vector<16xi32>
    %swap3A_477 = vector.shape_cast %add3A_473 : vector<16xi32> to vector<16xi32>
    tpu.vector_store %arg11[%swap3A_474], %swap3A_477 {strides = array<i32>} : memref<1600xi32, #tpu.memory_space<vmem>>, vector<16xi32>,
    %get3A_478 = arith.constant 848 : index
    %get3A_479 = tpu.vector_load %arg11[%get3A_478] {strides = array<i32>} : memref<1600xi32, #tpu.memory_space<vmem>>, vector<16xi32>,
    %get3A_480 = vector.shape_cast %get3A_479 : vector<16xi32> to vector<16xi32>
    %add3A_481 = vector.broadcast %mul3A_2 : i32 to vector<16xi32>
    %add3A_482 = arith.addi %get3A_480, %add3A_481 : vector<16xi32>
    %swap3A_483 = arith.constant 848 : index
    %swap3A_484 = tpu.vector_load %arg11[%swap3A_483] {strides = array<i32>} : memref<1600xi32, #tpu.memory_space<vmem>>, vector<16xi32>,
    %swap3A_485 = vector.shape_cast %swap3A_484 : vector<16xi32> to vector<16xi32>
    %swap3A_486 = vector.shape_cast %add3A_482 : vector<16xi32> to vector<16xi32>
    tpu.vector_store %arg11[%swap3A_483], %swap3A_486 {strides = array<i32>} : memref<1600xi32, #tpu.memory_space<vmem>>, vector<16xi32>,
    %get3A_487 = arith.constant 864 : index
    %get3A_488 = tpu.vector_load %arg11[%get3A_487] {strides = array<i32>} : memref<1600xi32, #tpu.memory_space<vmem>>, vector<16xi32>,
    %get3A_489 = vector.shape_cast %get3A_488 : vector<16xi32> to vector<16xi32>
    %add3A_490 = vector.broadcast %mul3A_2 : i32 to vector<16xi32>
    %add3A_491 = arith.addi %get3A_489, %add3A_490 : vector<16xi32>
    %swap3A_492 = arith.constant 864 : index
    %swap3A_493 = tpu.vector_load %arg11[%swap3A_492] {strides = array<i32>} : memref<1600xi32, #tpu.memory_space<vmem>>, vector<16xi32>,
    %swap3A_494 = vector.shape_cast %swap3A_493 : vector<16xi32> to vector<16xi32>
    %swap3A_495 = vector.shape_cast %add3A_491 : vector<16xi32> to vector<16xi32>
    tpu.vector_store %arg11[%swap3A_492], %swap3A_495 {strides = array<i32>} : memref<1600xi32, #tpu.memory_space<vmem>>, vector<16xi32>,
    %get3A_496 = arith.constant 880 : index
    %get3A_497 = tpu.vector_load %arg11[%get3A_496] {strides = array<i32>} : memref<1600xi32, #tpu.memory_space<vmem>>, vector<16xi32>,
    %get3A_498 = vector.shape_cast %get3A_497 : vector<16xi32> to vector<16xi32>
    %add3A_499 = vector.broadcast %mul3A_2 : i32 to vector<16xi32>
    %add3A_500 = arith.addi %get3A_498, %add3A_499 : vector<16xi32>
    %swap3A_501 = arith.constant 880 : index
    %swap3A_502 = tpu.vector_load %arg11[%swap3A_501] {strides = array<i32>} : memref<1600xi32, #tpu.memory_space<vmem>>, vector<16xi32>,
    %swap3A_503 = vector.shape_cast %swap3A_502 : vector<16xi32> to vector<16xi32>
    %swap3A_504 = vector.shape_cast %add3A_500 : vector<16xi32> to vector<16xi32>
    tpu.vector_store %arg11[%swap3A_501], %swap3A_504 {strides = array<i32>} : memref<1600xi32, #tpu.memory_space<vmem>>, vector<16xi32>,
    %get3A_505 = arith.constant 896 : index
    %get3A_506 = tpu.vector_load %arg11[%get3A_505] {strides = array<i32>} : memref<1600xi32, #tpu.memory_space<vmem>>, vector<16xi32>,
    %get3A_507 = vector.shape_cast %get3A_506 : vector<16xi32> to vector<16xi32>
    %add3A_508 = vector.broadcast %mul3A_2 : i32 to vector<16xi32>
    %add3A_509 = arith.addi %get3A_507, %add3A_508 : vector<16xi32>
    %swap3A_510 = arith.constant 896 : index
    %swap3A_511 = tpu.vector_load %arg11[%swap3A_510] {strides = array<i32>} : memref<1600xi32, #tpu.memory_space<vmem>>, vector<16xi32>,
    %swap3A_512 = vector.shape_cast %swap3A_511 : vector<16xi32> to vector<16xi32>
    %swap3A_513 = vector.shape_cast %add3A_509 : vector<16xi32> to vector<16xi32>
    tpu.vector_store %arg11[%swap3A_510], %swap3A_513 {strides = array<i32>} : memref<1600xi32, #tpu.memory_space<vmem>>, vector<16xi32>,
    %get3A_514 = arith.constant 912 : index
    %get3A_515 = tpu.vector_load %arg11[%get3A_514] {strides = array<i32>} : memref<1600xi32, #tpu.memory_space<vmem>>, vector<16xi32>,
    %get3A_516 = vector.shape_cast %get3A_515 : vector<16xi32> to vector<16xi32>
    %add3A_517 = vector.broadcast %mul3A_2 : i32 to vector<16xi32>
    %add3A_518 = arith.addi %get3A_516, %add3A_517 : vector<16xi32>
    %swap3A_519 = arith.constant 912 : index
    %swap3A_520 = tpu.vector_load %arg11[%swap3A_519] {strides = array<i32>} : memref<1600xi32, #tpu.memory_space<vmem>>, vector<16xi32>,
    %swap3A_521 = vector.shape_cast %swap3A_520 : vector<16xi32> to vector<16xi32>
    %swap3A_522 = vector.shape_cast %add3A_518 : vector<16xi32> to vector<16xi32>
    tpu.vector_store %arg11[%swap3A_519], %swap3A_522 {strides = array<i32>} : memref<1600xi32, #tpu.memory_space<vmem>>, vector<16xi32>,
    %get3A_523 = arith.constant 928 : index
    %get3A_524 = tpu.vector_load %arg11[%get3A_523] {strides = array<i32>} : memref<1600xi32, #tpu.memory_space<vmem>>, vector<16xi32>,
    %get3A_525 = vector.shape_cast %get3A_524 : vector<16xi32> to vector<16xi32>
    %add3A_526 = vector.broadcast %mul3A_2 : i32 to vector<16xi32>
    %add3A_527 = arith.addi %get3A_525, %add3A_526 : vector<16xi32>
    %swap3A_528 = arith.constant 928 : index
    %swap3A_529 = tpu.vector_load %arg11[%swap3A_528] {strides = array<i32>} : memref<1600xi32, #tpu.memory_space<vmem>>, vector<16xi32>,
    %swap3A_530 = vector.shape_cast %swap3A_529 : vector<16xi32> to vector<16xi32>
    %swap3A_531 = vector.shape_cast %add3A_527 : vector<16xi32> to vector<16xi32>
    tpu.vector_store %arg11[%swap3A_528], %swap3A_531 {strides = array<i32>} : memref<1600xi32, #tpu.memory_space<vmem>>, vector<16xi32>,
    %get3A_532 = arith.constant 944 : index
    %get3A_533 = tpu.vector_load %arg11[%get3A_532] {strides = array<i32>} : memref<1600xi32, #tpu.memory_space<vmem>>, vector<16xi32>,
    %get3A_534 = vector.shape_cast %get3A_533 : vector<16xi32> to vector<16xi32>
    %add3A_535 = vector.broadcast %mul3A_2 : i32 to vector<16xi32>
    %add3A_536 = arith.addi %get3A_534, %add3A_535 : vector<16xi32>
    %swap3A_537 = arith.constant 944 : index
    %swap3A_538 = tpu.vector_load %arg11[%swap3A_537] {strides = array<i32>} : memref<1600xi32, #tpu.memory_space<vmem>>, vector<16xi32>,
    %swap3A_539 = vector.shape_cast %swap3A_538 : vector<16xi32> to vector<16xi32>
    %swap3A_540 = vector.shape_cast %add3A_536 : vector<16xi32> to vector<16xi32>
    tpu.vector_store %arg11[%swap3A_537], %swap3A_540 {strides = array<i32>} : memref<1600xi32, #tpu.memory_space<vmem>>, vector<16xi32>,
    %get3A_541 = arith.constant 960 : index
    %get3A_542 = tpu.vector_load %arg11[%get3A_541] {strides = array<i32>} : memref<1600xi32, #tpu.memory_space<vmem>>, vector<16xi32>,
    %get3A_543 = vector.shape_cast %get3A_542 : vector<16xi32> to vector<16xi32>
    %add3A_544 = vector.broadcast %mul3A_2 : i32 to vector<16xi32>
    %add3A_545 = arith.addi %get3A_543, %add3A_544 : vector<16xi32>
    %swap3A_546 = arith.constant 960 : index
    %swap3A_547 = tpu.vector_load %arg11[%swap3A_546] {strides = array<i32>} : memref<1600xi32, #tpu.memory_space<vmem>>, vector<16xi32>,
    %swap3A_548 = vector.shape_cast %swap3A_547 : vector<16xi32> to vector<16xi32>
    %swap3A_549 = vector.shape_cast %add3A_545 : vector<16xi32> to vector<16xi32>
    tpu.vector_store %arg11[%swap3A_546], %swap3A_549 {strides = array<i32>} : memref<1600xi32, #tpu.memory_space<vmem>>, vector<16xi32>,
    %get3A_550 = arith.constant 976 : index
    %get3A_551 = tpu.vector_load %arg11[%get3A_550] {strides = array<i32>} : memref<1600xi32, #tpu.memory_space<vmem>>, vector<16xi32>,
    %get3A_552 = vector.shape_cast %get3A_551 : vector<16xi32> to vector<16xi32>
    %add3A_553 = vector.broadcast %mul3A_2 : i32 to vector<16xi32>
    %add3A_554 = arith.addi %get3A_552, %add3A_553 : vector<16xi32>
    %swap3A_555 = arith.constant 976 : index
    %swap3A_556 = tpu.vector_load %arg11[%swap3A_555] {strides = array<i32>} : memref<1600xi32, #tpu.memory_space<vmem>>, vector<16xi32>,
    %swap3A_557 = vector.shape_cast %swap3A_556 : vector<16xi32> to vector<16xi32>
    %swap3A_558 = vector.shape_cast %add3A_554 : vector<16xi32> to vector<16xi32>
    tpu.vector_store %arg11[%swap3A_555], %swap3A_558 {strides = array<i32>} : memref<1600xi32, #tpu.memory_space<vmem>>, vector<16xi32>,
    %get3A_559 = arith.constant 992 : index
    %get3A_560 = tpu.vector_load %arg11[%get3A_559] {strides = array<i32>} : memref<1600xi32, #tpu.memory_space<vmem>>, vector<16xi32>,
    %get3A_561 = vector.shape_cast %get3A_560 : vector<16xi32> to vector<16xi32>
    %add3A_562 = vector.broadcast %mul3A_2 : i32 to vector<16xi32>
    %add3A_563 = arith.addi %get3A_561, %add3A_562 : vector<16xi32>
    %swap3A_564 = arith.constant 992 : index
    %swap3A_565 = tpu.vector_load %arg11[%swap3A_564] {strides = array<i32>} : memref<1600xi32, #tpu.memory_space<vmem>>, vector<16xi32>,
    %swap3A_566 = vector.shape_cast %swap3A_565 : vector<16xi32> to vector<16xi32>
    %swap3A_567 = vector.shape_cast %add3A_563 : vector<16xi32> to vector<16xi32>
    tpu.vector_store %arg11[%swap3A_564], %swap3A_567 {strides = array<i32>} : memref<1600xi32, #tpu.memory_space<vmem>>, vector<16xi32>,
    %get3A_568 = arith.constant 1008 : index
    %get3A_569 = tpu.vector_load %arg11[%get3A_568] {strides = array<i32>} : memref<1600xi32, #tpu.memory_space<vmem>>, vector<16xi32>,
    %get3A_570 = vector.shape_cast %get3A_569 : vector<16xi32> to vector<16xi32>
    %add3A_571 = vector.broadcast %mul3A_2 : i32 to vector<16xi32>
    %add3A_572 = arith.addi %get3A_570, %add3A_571 : vector<16xi32>
    %swap3A_573 = arith.constant 1008 : index
    %swap3A_574 = tpu.vector_load %arg11[%swap3A_573] {strides = array<i32>} : memref<1600xi32, #tpu.memory_space<vmem>>, vector<16xi32>,
    %swap3A_575 = vector.shape_cast %swap3A_574 : vector<16xi32> to vector<16xi32>
    %swap3A_576 = vector.shape_cast %add3A_572 : vector<16xi32> to vector<16xi32>
    tpu.vector_store %arg11[%swap3A_573], %swap3A_576 {strides = array<i32>} : memref<1600xi32, #tpu.memory_space<vmem>>, vector<16xi32>,
    %get3A_577 = arith.constant 1024 : index
    %get3A_578 = tpu.vector_load %arg11[%get3A_577] {strides = array<i32>} : memref<1600xi32, #tpu.memory_space<vmem>>, vector<16xi32>,
    %get3A_579 = vector.shape_cast %get3A_578 : vector<16xi32> to vector<16xi32>
    %add3A_580 = vector.broadcast %mul3A_2 : i32 to vector<16xi32>
    %add3A_581 = arith.addi %get3A_579, %add3A_580 : vector<16xi32>
    %swap3A_582 = arith.constant 1024 : index
    %swap3A_583 = tpu.vector_load %arg11[%swap3A_582] {strides = array<i32>} : memref<1600xi32, #tpu.memory_space<vmem>>, vector<16xi32>,
    %swap3A_584 = vector.shape_cast %swap3A_583 : vector<16xi32> to vector<16xi32>
    %swap3A_585 = vector.shape_cast %add3A_581 : vector<16xi32> to vector<16xi32>
    tpu.vector_store %arg11[%swap3A_582], %swap3A_585 {strides = array<i32>} : memref<1600xi32, #tpu.memory_space<vmem>>, vector<16xi32>,
    %get3A_586 = arith.constant 1040 : index
    %get3A_587 = tpu.vector_load %arg11[%get3A_586] {strides = array<i32>} : memref<1600xi32, #tpu.memory_space<vmem>>, vector<16xi32>,
    %get3A_588 = vector.shape_cast %get3A_587 : vector<16xi32> to vector<16xi32>
    %add3A_589 = vector.broadcast %mul3A_2 : i32 to vector<16xi32>
    %add3A_590 = arith.addi %get3A_588, %add3A_589 : vector<16xi32>
    %swap3A_591 = arith.constant 1040 : index
    %swap3A_592 = tpu.vector_load %arg11[%swap3A_591] {strides = array<i32>} : memref<1600xi32, #tpu.memory_space<vmem>>, vector<16xi32>,
    %swap3A_593 = vector.shape_cast %swap3A_592 : vector<16xi32> to vector<16xi32>
    %swap3A_594 = vector.shape_cast %add3A_590 : vector<16xi32> to vector<16xi32>
    tpu.vector_store %arg11[%swap3A_591], %swap3A_594 {strides = array<i32>} : memref<1600xi32, #tpu.memory_space<vmem>>, vector<16xi32>,
    %get3A_595 = arith.constant 1056 : index
    %get3A_596 = tpu.vector_load %arg11[%get3A_595] {strides = array<i32>} : memref<1600xi32, #tpu.memory_space<vmem>>, vector<16xi32>,
    %get3A_597 = vector.shape_cast %get3A_596 : vector<16xi32> to vector<16xi32>
    %add3A_598 = vector.broadcast %mul3A_2 : i32 to vector<16xi32>
    %add3A_599 = arith.addi %get3A_597, %add3A_598 : vector<16xi32>
    %swap3A_600 = arith.constant 1056 : index
    %swap3A_601 = tpu.vector_load %arg11[%swap3A_600] {strides = array<i32>} : memref<1600xi32, #tpu.memory_space<vmem>>, vector<16xi32>,
    %swap3A_602 = vector.shape_cast %swap3A_601 : vector<16xi32> to vector<16xi32>
    %swap3A_603 = vector.shape_cast %add3A_599 : vector<16xi32> to vector<16xi32>
    tpu.vector_store %arg11[%swap3A_600], %swap3A_603 {strides = array<i32>} : memref<1600xi32, #tpu.memory_space<vmem>>, vector<16xi32>,
    %get3A_604 = arith.constant 1072 : index
    %get3A_605 = tpu.vector_load %arg11[%get3A_604] {strides = array<i32>} : memref<1600xi32, #tpu.memory_space<vmem>>, vector<16xi32>,
    %get3A_606 = vector.shape_cast %get3A_605 : vector<16xi32> to vector<16xi32>
    %add3A_607 = vector.broadcast %mul3A_2 : i32 to vector<16xi32>
    %add3A_608 = arith.addi %get3A_606, %add3A_607 : vector<16xi32>
    %swap3A_609 = arith.constant 1072 : index
    %swap3A_610 = tpu.vector_load %arg11[%swap3A_609] {strides = array<i32>} : memref<1600xi32, #tpu.memory_space<vmem>>, vector<16xi32>,
    %swap3A_611 = vector.shape_cast %swap3A_610 : vector<16xi32> to vector<16xi32>
    %swap3A_612 = vector.shape_cast %add3A_608 : vector<16xi32> to vector<16xi32>
    tpu.vector_store %arg11[%swap3A_609], %swap3A_612 {strides = array<i32>} : memref<1600xi32, #tpu.memory_space<vmem>>, vector<16xi32>,
    %get3A_613 = arith.constant 1088 : index
    %get3A_614 = tpu.vector_load %arg11[%get3A_613] {strides = array<i32>} : memref<1600xi32, #tpu.memory_space<vmem>>, vector<16xi32>,
    %get3A_615 = vector.shape_cast %get3A_614 : vector<16xi32> to vector<16xi32>
    %add3A_616 = vector.broadcast %mul3A_2 : i32 to vector<16xi32>
    %add3A_617 = arith.addi %get3A_615, %add3A_616 : vector<16xi32>
    %swap3A_618 = arith.constant 1088 : index
    %swap3A_619 = tpu.vector_load %arg11[%swap3A_618] {strides = array<i32>} : memref<1600xi32, #tpu.memory_space<vmem>>, vector<16xi32>,
    %swap3A_620 = vector.shape_cast %swap3A_619 : vector<16xi32> to vector<16xi32>
    %swap3A_621 = vector.shape_cast %add3A_617 : vector<16xi32> to vector<16xi32>
    tpu.vector_store %arg11[%swap3A_618], %swap3A_621 {strides = array<i32>} : memref<1600xi32, #tpu.memory_space<vmem>>, vector<16xi32>,
    %get3A_622 = arith.constant 1104 : index
    %get3A_623 = tpu.vector_load %arg11[%get3A_622] {strides = array<i32>} : memref<1600xi32, #tpu.memory_space<vmem>>, vector<16xi32>,
    %get3A_624 = vector.shape_cast %get3A_623 : vector<16xi32> to vector<16xi32>
    %add3A_625 = vector.broadcast %mul3A_2 : i32 to vector<16xi32>
    %add3A_626 = arith.addi %get3A_624, %add3A_625 : vector<16xi32>
    %swap3A_627 = arith.constant 1104 : index
    %swap3A_628 = tpu.vector_load %arg11[%swap3A_627] {strides = array<i32>} : memref<1600xi32, #tpu.memory_space<vmem>>, vector<16xi32>,
    %swap3A_629 = vector.shape_cast %swap3A_628 : vector<16xi32> to vector<16xi32>
    %swap3A_630 = vector.shape_cast %add3A_626 : vector<16xi32> to vector<16xi32>
    tpu.vector_store %arg11[%swap3A_627], %swap3A_630 {strides = array<i32>} : memref<1600xi32, #tpu.memory_space<vmem>>, vector<16xi32>,
    %get3A_631 = arith.constant 1120 : index
    %get3A_632 = tpu.vector_load %arg11[%get3A_631] {strides = array<i32>} : memref<1600xi32, #tpu.memory_space<vmem>>, vector<16xi32>,
    %get3A_633 = vector.shape_cast %get3A_632 : vector<16xi32> to vector<16xi32>
    %add3A_634 = vector.broadcast %mul3A_2 : i32 to vector<16xi32>
    %add3A_635 = arith.addi %get3A_633, %add3A_634 : vector<16xi32>
    %swap3A_636 = arith.constant 1120 : index
    %swap3A_637 = tpu.vector_load %arg11[%swap3A_636] {strides = array<i32>} : memref<1600xi32, #tpu.memory_space<vmem>>, vector<16xi32>,
    %swap3A_638 = vector.shape_cast %swap3A_637 : vector<16xi32> to vector<16xi32>
    %swap3A_639 = vector.shape_cast %add3A_635 : vector<16xi32> to vector<16xi32>
    tpu.vector_store %arg11[%swap3A_636], %swap3A_639 {strides = array<i32>} : memref<1600xi32, #tpu.memory_space<vmem>>, vector<16xi32>,
    %get3A_640 = arith.constant 1136 : index
    %get3A_641 = tpu.vector_load %arg11[%get3A_640] {strides = array<i32>} : memref<1600xi32, #tpu.memory_space<vmem>>, vector<16xi32>,
    %get3A_642 = vector.shape_cast %get3A_641 : vector<16xi32> to vector<16xi32>
    %add3A_643 = vector.broadcast %mul3A_2 : i32 to vector<16xi32>
    %add3A_644 = arith.addi %get3A_642, %add3A_643 : vector<16xi32>
    %swap3A_645 = arith.constant 1136 : index
    %swap3A_646 = tpu.vector_load %arg11[%swap3A_645] {strides = array<i32>} : memref<1600xi32, #tpu.memory_space<vmem>>, vector<16xi32>,
    %swap3A_647 = vector.shape_cast %swap3A_646 : vector<16xi32> to vector<16xi32>
    %swap3A_648 = vector.shape_cast %add3A_644 : vector<16xi32> to vector<16xi32>
    tpu.vector_store %arg11[%swap3A_645], %swap3A_648 {strides = array<i32>} : memref<1600xi32, #tpu.memory_space<vmem>>, vector<16xi32>,
    %get3A_649 = arith.constant 1152 : index
    %get3A_650 = tpu.vector_load %arg11[%get3A_649] {strides = array<i32>} : memref<1600xi32, #tpu.memory_space<vmem>>, vector<16xi32>,
    %get3A_651 = vector.shape_cast %get3A_650 : vector<16xi32> to vector<16xi32>
    %add3A_652 = vector.broadcast %mul3A_2 : i32 to vector<16xi32>
    %add3A_653 = arith.addi %get3A_651, %add3A_652 : vector<16xi32>
    %swap3A_654 = arith.constant 1152 : index
    %swap3A_655 = tpu.vector_load %arg11[%swap3A_654] {strides = array<i32>} : memref<1600xi32, #tpu.memory_space<vmem>>, vector<16xi32>,
    %swap3A_656 = vector.shape_cast %swap3A_655 : vector<16xi32> to vector<16xi32>
    %swap3A_657 = vector.shape_cast %add3A_653 : vector<16xi32> to vector<16xi32>
    tpu.vector_store %arg11[%swap3A_654], %swap3A_657 {strides = array<i32>} : memref<1600xi32, #tpu.memory_space<vmem>>, vector<16xi32>,
    %get3A_658 = arith.constant 1168 : index
    %get3A_659 = tpu.vector_load %arg11[%get3A_658] {strides = array<i32>} : memref<1600xi32, #tpu.memory_space<vmem>>, vector<16xi32>,
    %get3A_660 = vector.shape_cast %get3A_659 : vector<16xi32> to vector<16xi32>
    %add3A_661 = vector.broadcast %mul3A_2 : i32 to vector<16xi32>
    %add3A_662 = arith.addi %get3A_660, %add3A_661 : vector<16xi32>
    %swap3A_663 = arith.constant 1168 : index
    %swap3A_664 = tpu.vector_load %arg11[%swap3A_663] {strides = array<i32>} : memref<1600xi32, #tpu.memory_space<vmem>>, vector<16xi32>,
    %swap3A_665 = vector.shape_cast %swap3A_664 : vector<16xi32> to vector<16xi32>
    %swap3A_666 = vector.shape_cast %add3A_662 : vector<16xi32> to vector<16xi32>
    tpu.vector_store %arg11[%swap3A_663], %swap3A_666 {strides = array<i32>} : memref<1600xi32, #tpu.memory_space<vmem>>, vector<16xi32>,
    %get3A_667 = arith.constant 1184 : index
    %get3A_668 = tpu.vector_load %arg11[%get3A_667] {strides = array<i32>} : memref<1600xi32, #tpu.memory_space<vmem>>, vector<16xi32>,
    %get3A_669 = vector.shape_cast %get3A_668 : vector<16xi32> to vector<16xi32>
    %add3A_670 = vector.broadcast %mul3A_2 : i32 to vector<16xi32>
    %add3A_671 = arith.addi %get3A_669, %add3A_670 : vector<16xi32>
    %swap3A_672 = arith.constant 1184 : index
    %swap3A_673 = tpu.vector_load %arg11[%swap3A_672] {strides = array<i32>} : memref<1600xi32, #tpu.memory_space<vmem>>, vector<16xi32>,
    %swap3A_674 = vector.shape_cast %swap3A_673 : vector<16xi32> to vector<16xi32>
    %swap3A_675 = vector.shape_cast %add3A_671 : vector<16xi32> to vector<16xi32>
    tpu.vector_store %arg11[%swap3A_672], %swap3A_675 {strides = array<i32>} : memref<1600xi32, #tpu.memory_space<vmem>>, vector<16xi32>,
    %get3A_676 = arith.constant 1200 : index
    %get3A_677 = tpu.vector_load %arg11[%get3A_676] {strides = array<i32>} : memref<1600xi32, #tpu.memory_space<vmem>>, vector<16xi32>,
    %get3A_678 = vector.shape_cast %get3A_677 : vector<16xi32> to vector<16xi32>
    %add3A_679 = vector.broadcast %mul3A_2 : i32 to vector<16xi32>
    %add3A_680 = arith.addi %get3A_678, %add3A_679 : vector<16xi32>
    %swap3A_681 = arith.constant 1200 : index
    %swap3A_682 = tpu.vector_load %arg11[%swap3A_681] {strides = array<i32>} : memref<1600xi32, #tpu.memory_space<vmem>>, vector<16xi32>,
    %swap3A_683 = vector.shape_cast %swap3A_682 : vector<16xi32> to vector<16xi32>
    %swap3A_684 = vector.shape_cast %add3A_680 : vector<16xi32> to vector<16xi32>
    tpu.vector_store %arg11[%swap3A_681], %swap3A_684 {strides = array<i32>} : memref<1600xi32, #tpu.memory_space<vmem>>, vector<16xi32>,
    %get3A_685 = arith.constant 1216 : index
    %get3A_686 = tpu.vector_load %arg11[%get3A_685] {strides = array<i32>} : memref<1600xi32, #tpu.memory_space<vmem>>, vector<16xi32>,
    %get3A_687 = vector.shape_cast %get3A_686 : vector<16xi32> to vector<16xi32>
    %add3A_688 = vector.broadcast %mul3A_2 : i32 to vector<16xi32>
    %add3A_689 = arith.addi %get3A_687, %add3A_688 : vector<16xi32>
    %swap3A_690 = arith.constant 1216 : index
    %swap3A_691 = tpu.vector_load %arg11[%swap3A_690] {strides = array<i32>} : memref<1600xi32, #tpu.memory_space<vmem>>, vector<16xi32>,
    %swap3A_692 = vector.shape_cast %swap3A_691 : vector<16xi32> to vector<16xi32>
    %swap3A_693 = vector.shape_cast %add3A_689 : vector<16xi32> to vector<16xi32>
    tpu.vector_store %arg11[%swap3A_690], %swap3A_693 {strides = array<i32>} : memref<1600xi32, #tpu.memory_space<vmem>>, vector<16xi32>,
    %get3A_694 = arith.constant 1232 : index
    %get3A_695 = tpu.vector_load %arg11[%get3A_694] {strides = array<i32>} : memref<1600xi32, #tpu.memory_space<vmem>>, vector<16xi32>,
    %get3A_696 = vector.shape_cast %get3A_695 : vector<16xi32> to vector<16xi32>
    %add3A_697 = vector.broadcast %mul3A_2 : i32 to vector<16xi32>
    %add3A_698 = arith.addi %get3A_696, %add3A_697 : vector<16xi32>
    %swap3A_699 = arith.constant 1232 : index
    %swap3A_700 = tpu.vector_load %arg11[%swap3A_699] {strides = array<i32>} : memref<1600xi32, #tpu.memory_space<vmem>>, vector<16xi32>,
    %swap3A_701 = vector.shape_cast %swap3A_700 : vector<16xi32> to vector<16xi32>
    %swap3A_702 = vector.shape_cast %add3A_698 : vector<16xi32> to vector<16xi32>
    tpu.vector_store %arg11[%swap3A_699], %swap3A_702 {strides = array<i32>} : memref<1600xi32, #tpu.memory_space<vmem>>, vector<16xi32>,
    %get3A_703 = arith.constant 1248 : index
    %get3A_704 = tpu.vector_load %arg11[%get3A_703] {strides = array<i32>} : memref<1600xi32, #tpu.memory_space<vmem>>, vector<16xi32>,
    %get3A_705 = vector.shape_cast %get3A_704 : vector<16xi32> to vector<16xi32>
    %add3A_706 = vector.broadcast %mul3A_2 : i32 to vector<16xi32>
    %add3A_707 = arith.addi %get3A_705, %add3A_706 : vector<16xi32>
    %swap3A_708 = arith.constant 1248 : index
    %swap3A_709 = tpu.vector_load %arg11[%swap3A_708] {strides = array<i32>} : memref<1600xi32, #tpu.memory_space<vmem>>, vector<16xi32>,
    %swap3A_710 = vector.shape_cast %swap3A_709 : vector<16xi32> to vector<16xi32>
    %swap3A_711 = vector.shape_cast %add3A_707 : vector<16xi32> to vector<16xi32>
    tpu.vector_store %arg11[%swap3A_708], %swap3A_711 {strides = array<i32>} : memref<1600xi32, #tpu.memory_space<vmem>>, vector<16xi32>,
    %get3A_712 = arith.constant 1264 : index
    %get3A_713 = tpu.vector_load %arg11[%get3A_712] {strides = array<i32>} : memref<1600xi32, #tpu.memory_space<vmem>>, vector<16xi32>,
    %get3A_714 = vector.shape_cast %get3A_713 : vector<16xi32> to vector<16xi32>
    %add3A_715 = vector.broadcast %mul3A_2 : i32 to vector<16xi32>
    %add3A_716 = arith.addi %get3A_714, %add3A_715 : vector<16xi32>
    %swap3A_717 = arith.constant 1264 : index
    %swap3A_718 = tpu.vector_load %arg11[%swap3A_717] {strides = array<i32>} : memref<1600xi32, #tpu.memory_space<vmem>>, vector<16xi32>,
    %swap3A_719 = vector.shape_cast %swap3A_718 : vector<16xi32> to vector<16xi32>
    %swap3A_720 = vector.shape_cast %add3A_716 : vector<16xi32> to vector<16xi32>
    tpu.vector_store %arg11[%swap3A_717], %swap3A_720 {strides = array<i32>} : memref<1600xi32, #tpu.memory_space<vmem>>, vector<16xi32>,
    %get3A_721 = arith.constant 1280 : index
    %get3A_722 = tpu.vector_load %arg11[%get3A_721] {strides = array<i32>} : memref<1600xi32, #tpu.memory_space<vmem>>, vector<16xi32>,
    %get3A_723 = vector.shape_cast %get3A_722 : vector<16xi32> to vector<16xi32>
    %add3A_724 = vector.broadcast %mul3A_2 : i32 to vector<16xi32>
    %add3A_725 = arith.addi %get3A_723, %add3A_724 : vector<16xi32>
    %swap3A_726 = arith.constant 1280 : index
    %swap3A_727 = tpu.vector_load %arg11[%swap3A_726] {strides = array<i32>} : memref<1600xi32, #tpu.memory_space<vmem>>, vector<16xi32>,
    %swap3A_728 = vector.shape_cast %swap3A_727 : vector<16xi32> to vector<16xi32>
    %swap3A_729 = vector.shape_cast %add3A_725 : vector<16xi32> to vector<16xi32>
    tpu.vector_store %arg11[%swap3A_726], %swap3A_729 {strides = array<i32>} : memref<1600xi32, #tpu.memory_space<vmem>>, vector<16xi32>,
    %get3A_730 = arith.constant 1296 : index
    %get3A_731 = tpu.vector_load %arg11[%get3A_730] {strides = array<i32>} : memref<1600xi32, #tpu.memory_space<vmem>>, vector<16xi32>,
    %get3A_732 = vector.shape_cast %get3A_731 : vector<16xi32> to vector<16xi32>
    %add3A_733 = vector.broadcast %mul3A_2 : i32 to vector<16xi32>
    %add3A_734 = arith.addi %get3A_732, %add3A_733 : vector<16xi32>
    %swap3A_735 = arith.constant 1296 : index
    %swap3A_736 = tpu.vector_load %arg11[%swap3A_735] {strides = array<i32>} : memref<1600xi32, #tpu.memory_space<vmem>>, vector<16xi32>,
    %swap3A_737 = vector.shape_cast %swap3A_736 : vector<16xi32> to vector<16xi32>
    %swap3A_738 = vector.shape_cast %add3A_734 : vector<16xi32> to vector<16xi32>
    tpu.vector_store %arg11[%swap3A_735], %swap3A_738 {strides = array<i32>} : memref<1600xi32, #tpu.memory_space<vmem>>, vector<16xi32>,
    %get3A_739 = arith.constant 1312 : index
    %get3A_740 = tpu.vector_load %arg11[%get3A_739] {strides = array<i32>} : memref<1600xi32, #tpu.memory_space<vmem>>, vector<16xi32>,
    %get3A_741 = vector.shape_cast %get3A_740 : vector<16xi32> to vector<16xi32>
    %add3A_742 = vector.broadcast %mul3A_2 : i32 to vector<16xi32>
    %add3A_743 = arith.addi %get3A_741, %add3A_742 : vector<16xi32>
    %swap3A_744 = arith.constant 1312 : index
    %swap3A_745 = tpu.vector_load %arg11[%swap3A_744] {strides = array<i32>} : memref<1600xi32, #tpu.memory_space<vmem>>, vector<16xi32>,
    %swap3A_746 = vector.shape_cast %swap3A_745 : vector<16xi32> to vector<16xi32>
    %swap3A_747 = vector.shape_cast %add3A_743 : vector<16xi32> to vector<16xi32>
    tpu.vector_store %arg11[%swap3A_744], %swap3A_747 {strides = array<i32>} : memref<1600xi32, #tpu.memory_space<vmem>>, vector<16xi32>,
    %get3A_748 = arith.constant 1328 : index
    %get3A_749 = tpu.vector_load %arg11[%get3A_748] {strides = array<i32>} : memref<1600xi32, #tpu.memory_space<vmem>>, vector<16xi32>,
    %get3A_750 = vector.shape_cast %get3A_749 : vector<16xi32> to vector<16xi32>
    %add3A_751 = vector.broadcast %mul3A_2 : i32 to vector<16xi32>
    %add3A_752 = arith.addi %get3A_750, %add3A_751 : vector<16xi32>
    %swap3A_753 = arith.constant 1328 : index
    %swap3A_754 = tpu.vector_load %arg11[%swap3A_753] {strides = array<i32>} : memref<1600xi32, #tpu.memory_space<vmem>>, vector<16xi32>,
    %swap3A_755 = vector.shape_cast %swap3A_754 : vector<16xi32> to vector<16xi32>
    %swap3A_756 = vector.shape_cast %add3A_752 : vector<16xi32> to vector<16xi32>
    tpu.vector_store %arg11[%swap3A_753], %swap3A_756 {strides = array<i32>} : memref<1600xi32, #tpu.memory_space<vmem>>, vector<16xi32>,
    %get3A_757 = arith.constant 1344 : index
    %get3A_758 = tpu.vector_load %arg11[%get3A_757] {strides = array<i32>} : memref<1600xi32, #tpu.memory_space<vmem>>, vector<16xi32>,
    %get3A_759 = vector.shape_cast %get3A_758 : vector<16xi32> to vector<16xi32>
    %add3A_760 = vector.broadcast %mul3A_2 : i32 to vector<16xi32>
    %add3A_761 = arith.addi %get3A_759, %add3A_760 : vector<16xi32>
    %swap3A_762 = arith.constant 1344 : index
    %swap3A_763 = tpu.vector_load %arg11[%swap3A_762] {strides = array<i32>} : memref<1600xi32, #tpu.memory_space<vmem>>, vector<16xi32>,
    %swap3A_764 = vector.shape_cast %swap3A_763 : vector<16xi32> to vector<16xi32>
    %swap3A_765 = vector.shape_cast %add3A_761 : vector<16xi32> to vector<16xi32>
    tpu.vector_store %arg11[%swap3A_762], %swap3A_765 {strides = array<i32>} : memref<1600xi32, #tpu.memory_space<vmem>>, vector<16xi32>,
    %get3A_766 = arith.constant 1360 : index
    %get3A_767 = tpu.vector_load %arg11[%get3A_766] {strides = array<i32>} : memref<1600xi32, #tpu.memory_space<vmem>>, vector<16xi32>,
    %get3A_768 = vector.shape_cast %get3A_767 : vector<16xi32> to vector<16xi32>
    %add3A_769 = vector.broadcast %mul3A_2 : i32 to vector<16xi32>
    %add3A_770 = arith.addi %get3A_768, %add3A_769 : vector<16xi32>
    %swap3A_771 = arith.constant 1360 : index
    %swap3A_772 = tpu.vector_load %arg11[%swap3A_771] {strides = array<i32>} : memref<1600xi32, #tpu.memory_space<vmem>>, vector<16xi32>,
    %swap3A_773 = vector.shape_cast %swap3A_772 : vector<16xi32> to vector<16xi32>
    %swap3A_774 = vector.shape_cast %add3A_770 : vector<16xi32> to vector<16xi32>
    tpu.vector_store %arg11[%swap3A_771], %swap3A_774 {strides = array<i32>} : memref<1600xi32, #tpu.memory_space<vmem>>, vector<16xi32>,
    %get3A_775 = arith.constant 1376 : index
    %get3A_776 = tpu.vector_load %arg11[%get3A_775] {strides = array<i32>} : memref<1600xi32, #tpu.memory_space<vmem>>, vector<16xi32>,
    %get3A_777 = vector.shape_cast %get3A_776 : vector<16xi32> to vector<16xi32>
    %add3A_778 = vector.broadcast %mul3A_2 : i32 to vector<16xi32>
    %add3A_779 = arith.addi %get3A_777, %add3A_778 : vector<16xi32>
    %swap3A_780 = arith.constant 1376 : index
    %swap3A_781 = tpu.vector_load %arg11[%swap3A_780] {strides = array<i32>} : memref<1600xi32, #tpu.memory_space<vmem>>, vector<16xi32>,
    %swap3A_782 = vector.shape_cast %swap3A_781 : vector<16xi32> to vector<16xi32>
    %swap3A_783 = vector.shape_cast %add3A_779 : vector<16xi32> to vector<16xi32>
    tpu.vector_store %arg11[%swap3A_780], %swap3A_783 {strides = array<i32>} : memref<1600xi32, #tpu.memory_space<vmem>>, vector<16xi32>,
    %get3A_784 = arith.constant 1392 : index
    %get3A_785 = tpu.vector_load %arg11[%get3A_784] {strides = array<i32>} : memref<1600xi32, #tpu.memory_space<vmem>>, vector<16xi32>,
    %get3A_786 = vector.shape_cast %get3A_785 : vector<16xi32> to vector<16xi32>
    %add3A_787 = vector.broadcast %mul3A_2 : i32 to vector<16xi32>
    %add3A_788 = arith.addi %get3A_786, %add3A_787 : vector<16xi32>
    %swap3A_789 = arith.constant 1392 : index
    %swap3A_790 = tpu.vector_load %arg11[%swap3A_789] {strides = array<i32>} : memref<1600xi32, #tpu.memory_space<vmem>>, vector<16xi32>,
    %swap3A_791 = vector.shape_cast %swap3A_790 : vector<16xi32> to vector<16xi32>
    %swap3A_792 = vector.shape_cast %add3A_788 : vector<16xi32> to vector<16xi32>
    tpu.vector_store %arg11[%swap3A_789], %swap3A_792 {strides = array<i32>} : memref<1600xi32, #tpu.memory_space<vmem>>, vector<16xi32>,
    %get3A_793 = arith.constant 1408 : index
    %get3A_794 = tpu.vector_load %arg11[%get3A_793] {strides = array<i32>} : memref<1600xi32, #tpu.memory_space<vmem>>, vector<16xi32>,
    %get3A_795 = vector.shape_cast %get3A_794 : vector<16xi32> to vector<16xi32>
    %add3A_796 = vector.broadcast %mul3A_2 : i32 to vector<16xi32>
    %add3A_797 = arith.addi %get3A_795, %add3A_796 : vector<16xi32>
    %swap3A_798 = arith.constant 1408 : index
    %swap3A_799 = tpu.vector_load %arg11[%swap3A_798] {strides = array<i32>} : memref<1600xi32, #tpu.memory_space<vmem>>, vector<16xi32>,
    %swap3A_800 = vector.shape_cast %swap3A_799 : vector<16xi32> to vector<16xi32>
    %swap3A_801 = vector.shape_cast %add3A_797 : vector<16xi32> to vector<16xi32>
    tpu.vector_store %arg11[%swap3A_798], %swap3A_801 {strides = array<i32>} : memref<1600xi32, #tpu.memory_space<vmem>>, vector<16xi32>,
    %get3A_802 = arith.constant 1424 : index
    %get3A_803 = tpu.vector_load %arg11[%get3A_802] {strides = array<i32>} : memref<1600xi32, #tpu.memory_space<vmem>>, vector<16xi32>,
    %get3A_804 = vector.shape_cast %get3A_803 : vector<16xi32> to vector<16xi32>
    %add3A_805 = vector.broadcast %mul3A_2 : i32 to vector<16xi32>
    %add3A_806 = arith.addi %get3A_804, %add3A_805 : vector<16xi32>
    %swap3A_807 = arith.constant 1424 : index
    %swap3A_808 = tpu.vector_load %arg11[%swap3A_807] {strides = array<i32>} : memref<1600xi32, #tpu.memory_space<vmem>>, vector<16xi32>,
    %swap3A_809 = vector.shape_cast %swap3A_808 : vector<16xi32> to vector<16xi32>
    %swap3A_810 = vector.shape_cast %add3A_806 : vector<16xi32> to vector<16xi32>
    tpu.vector_store %arg11[%swap3A_807], %swap3A_810 {strides = array<i32>} : memref<1600xi32, #tpu.memory_space<vmem>>, vector<16xi32>,
    %get3A_811 = arith.constant 1440 : index
    %get3A_812 = tpu.vector_load %arg11[%get3A_811] {strides = array<i32>} : memref<1600xi32, #tpu.memory_space<vmem>>, vector<16xi32>,
    %get3A_813 = vector.shape_cast %get3A_812 : vector<16xi32> to vector<16xi32>
    %add3A_814 = vector.broadcast %mul3A_2 : i32 to vector<16xi32>
    %add3A_815 = arith.addi %get3A_813, %add3A_814 : vector<16xi32>
    %swap3A_816 = arith.constant 1440 : index
    %swap3A_817 = tpu.vector_load %arg11[%swap3A_816] {strides = array<i32>} : memref<1600xi32, #tpu.memory_space<vmem>>, vector<16xi32>,
    %swap3A_818 = vector.shape_cast %swap3A_817 : vector<16xi32> to vector<16xi32>
    %swap3A_819 = vector.shape_cast %add3A_815 : vector<16xi32> to vector<16xi32>
    tpu.vector_store %arg11[%swap3A_816], %swap3A_819 {strides = array<i32>} : memref<1600xi32, #tpu.memory_space<vmem>>, vector<16xi32>,
    %get3A_820 = arith.constant 1456 : index
    %get3A_821 = tpu.vector_load %arg11[%get3A_820] {strides = array<i32>} : memref<1600xi32, #tpu.memory_space<vmem>>, vector<16xi32>,
    %get3A_822 = vector.shape_cast %get3A_821 : vector<16xi32> to vector<16xi32>
    %add3A_823 = vector.broadcast %mul3A_2 : i32 to vector<16xi32>
    %add3A_824 = arith.addi %get3A_822, %add3A_823 : vector<16xi32>
    %swap3A_825 = arith.constant 1456 : index
    %swap3A_826 = tpu.vector_load %arg11[%swap3A_825] {strides = array<i32>} : memref<1600xi32, #tpu.memory_space<vmem>>, vector<16xi32>,
    %swap3A_827 = vector.shape_cast %swap3A_826 : vector<16xi32> to vector<16xi32>
    %swap3A_828 = vector.shape_cast %add3A_824 : vector<16xi32> to vector<16xi32>
    tpu.vector_store %arg11[%swap3A_825], %swap3A_828 {strides = array<i32>} : memref<1600xi32, #tpu.memory_space<vmem>>, vector<16xi32>,
    %get3A_829 = arith.constant 1472 : index
    %get3A_830 = tpu.vector_load %arg11[%get3A_829] {strides = array<i32>} : memref<1600xi32, #tpu.memory_space<vmem>>, vector<16xi32>,
    %get3A_831 = vector.shape_cast %get3A_830 : vector<16xi32> to vector<16xi32>
    %add3A_832 = vector.broadcast %mul3A_2 : i32 to vector<16xi32>
    %add3A_833 = arith.addi %get3A_831, %add3A_832 : vector<16xi32>
    %swap3A_834 = arith.constant 1472 : index
    %swap3A_835 = tpu.vector_load %arg11[%swap3A_834] {strides = array<i32>} : memref<1600xi32, #tpu.memory_space<vmem>>, vector<16xi32>,
    %swap3A_836 = vector.shape_cast %swap3A_835 : vector<16xi32> to vector<16xi32>
    %swap3A_837 = vector.shape_cast %add3A_833 : vector<16xi32> to vector<16xi32>
    tpu.vector_store %arg11[%swap3A_834], %swap3A_837 {strides = array<i32>} : memref<1600xi32, #tpu.memory_space<vmem>>, vector<16xi32>,
    %get3A_838 = arith.constant 1488 : index
    %get3A_839 = tpu.vector_load %arg11[%get3A_838] {strides = array<i32>} : memref<1600xi32, #tpu.memory_space<vmem>>, vector<16xi32>,
    %get3A_840 = vector.shape_cast %get3A_839 : vector<16xi32> to vector<16xi32>
    %add3A_841 = vector.broadcast %mul3A_2 : i32 to vector<16xi32>
    %add3A_842 = arith.addi %get3A_840, %add3A_841 : vector<16xi32>
    %swap3A_843 = arith.constant 1488 : index
    %swap3A_844 = tpu.vector_load %arg11[%swap3A_843] {strides = array<i32>} : memref<1600xi32, #tpu.memory_space<vmem>>, vector<16xi32>,
    %swap3A_845 = vector.shape_cast %swap3A_844 : vector<16xi32> to vector<16xi32>
    %swap3A_846 = vector.shape_cast %add3A_842 : vector<16xi32> to vector<16xi32>
    tpu.vector_store %arg11[%swap3A_843], %swap3A_846 {strides = array<i32>} : memref<1600xi32, #tpu.memory_space<vmem>>, vector<16xi32>,
    %get3A_847 = arith.constant 1504 : index
    %get3A_848 = tpu.vector_load %arg11[%get3A_847] {strides = array<i32>} : memref<1600xi32, #tpu.memory_space<vmem>>, vector<16xi32>,
    %get3A_849 = vector.shape_cast %get3A_848 : vector<16xi32> to vector<16xi32>
    %add3A_850 = vector.broadcast %mul3A_2 : i32 to vector<16xi32>
    %add3A_851 = arith.addi %get3A_849, %add3A_850 : vector<16xi32>
    %swap3A_852 = arith.constant 1504 : index
    %swap3A_853 = tpu.vector_load %arg11[%swap3A_852] {strides = array<i32>} : memref<1600xi32, #tpu.memory_space<vmem>>, vector<16xi32>,
    %swap3A_854 = vector.shape_cast %swap3A_853 : vector<16xi32> to vector<16xi32>
    %swap3A_855 = vector.shape_cast %add3A_851 : vector<16xi32> to vector<16xi32>
    tpu.vector_store %arg11[%swap3A_852], %swap3A_855 {strides = array<i32>} : memref<1600xi32, #tpu.memory_space<vmem>>, vector<16xi32>,
    %get3A_856 = arith.constant 1520 : index
    %get3A_857 = tpu.vector_load %arg11[%get3A_856] {strides = array<i32>} : memref<1600xi32, #tpu.memory_space<vmem>>, vector<16xi32>,
    %get3A_858 = vector.shape_cast %get3A_857 : vector<16xi32> to vector<16xi32>
    %add3A_859 = vector.broadcast %mul3A_2 : i32 to vector<16xi32>
    %add3A_860 = arith.addi %get3A_858, %add3A_859 : vector<16xi32>
    %swap3A_861 = arith.constant 1520 : index
    %swap3A_862 = tpu.vector_load %arg11[%swap3A_861] {strides = array<i32>} : memref<1600xi32, #tpu.memory_space<vmem>>, vector<16xi32>,
    %swap3A_863 = vector.shape_cast %swap3A_862 : vector<16xi32> to vector<16xi32>
    %swap3A_864 = vector.shape_cast %add3A_860 : vector<16xi32> to vector<16xi32>
    tpu.vector_store %arg11[%swap3A_861], %swap3A_864 {strides = array<i32>} : memref<1600xi32, #tpu.memory_space<vmem>>, vector<16xi32>,
    %get3A_865 = arith.constant 1536 : index
    %get3A_866 = tpu.vector_load %arg11[%get3A_865] {strides = array<i32>} : memref<1600xi32, #tpu.memory_space<vmem>>, vector<16xi32>,
    %get3A_867 = vector.shape_cast %get3A_866 : vector<16xi32> to vector<16xi32>
    %add3A_868 = vector.broadcast %mul3A_2 : i32 to vector<16xi32>
    %add3A_869 = arith.addi %get3A_867, %add3A_868 : vector<16xi32>
    %swap3A_870 = arith.constant 1536 : index
    %swap3A_871 = tpu.vector_load %arg11[%swap3A_870] {strides = array<i32>} : memref<1600xi32, #tpu.memory_space<vmem>>, vector<16xi32>,
    %swap3A_872 = vector.shape_cast %swap3A_871 : vector<16xi32> to vector<16xi32>
    %swap3A_873 = vector.shape_cast %add3A_869 : vector<16xi32> to vector<16xi32>
    tpu.vector_store %arg11[%swap3A_870], %swap3A_873 {strides = array<i32>} : memref<1600xi32, #tpu.memory_space<vmem>>, vector<16xi32>,
    %get3A_874 = arith.constant 1552 : index
    %get3A_875 = tpu.vector_load %arg11[%get3A_874] {strides = array<i32>} : memref<1600xi32, #tpu.memory_space<vmem>>, vector<16xi32>,
    %get3A_876 = vector.shape_cast %get3A_875 : vector<16xi32> to vector<16xi32>
    %add3A_877 = vector.broadcast %mul3A_2 : i32 to vector<16xi32>
    %add3A_878 = arith.addi %get3A_876, %add3A_877 : vector<16xi32>
    %swap3A_879 = arith.constant 1552 : index
    %swap3A_880 = tpu.vector_load %arg11[%swap3A_879] {strides = array<i32>} : memref<1600xi32, #tpu.memory_space<vmem>>, vector<16xi32>,
    %swap3A_881 = vector.shape_cast %swap3A_880 : vector<16xi32> to vector<16xi32>
    %swap3A_882 = vector.shape_cast %add3A_878 : vector<16xi32> to vector<16xi32>
    tpu.vector_store %arg11[%swap3A_879], %swap3A_882 {strides = array<i32>} : memref<1600xi32, #tpu.memory_space<vmem>>, vector<16xi32>,
    %get3A_883 = arith.constant 1568 : index
    %get3A_884 = tpu.vector_load %arg11[%get3A_883] {strides = array<i32>} : memref<1600xi32, #tpu.memory_space<vmem>>, vector<16xi32>,
    %get3A_885 = vector.shape_cast %get3A_884 : vector<16xi32> to vector<16xi32>
    %add3A_886 = vector.broadcast %mul3A_2 : i32 to vector<16xi32>
    %add3A_887 = arith.addi %get3A_885, %add3A_886 : vector<16xi32>
    %swap3A_888 = arith.constant 1568 : index
    %swap3A_889 = tpu.vector_load %arg11[%swap3A_888] {strides = array<i32>} : memref<1600xi32, #tpu.memory_space<vmem>>, vector<16xi32>,
    %swap3A_890 = vector.shape_cast %swap3A_889 : vector<16xi32> to vector<16xi32>
    %swap3A_891 = vector.shape_cast %add3A_887 : vector<16xi32> to vector<16xi32>
    tpu.vector_store %arg11[%swap3A_888], %swap3A_891 {strides = array<i32>} : memref<1600xi32, #tpu.memory_space<vmem>>, vector<16xi32>,
    %get3A_892 = arith.constant 1584 : index
    %get3A_893 = tpu.vector_load %arg11[%get3A_892] {strides = array<i32>} : memref<1600xi32, #tpu.memory_space<vmem>>, vector<16xi32>,
    %get3A_894 = vector.shape_cast %get3A_893 : vector<16xi32> to vector<16xi32>
    %add3A_895 = vector.broadcast %mul3A_2 : i32 to vector<16xi32>
    %add3A_896 = arith.addi %get3A_894, %add3A_895 : vector<16xi32>
    %swap3A_897 = arith.constant 1584 : index
    %swap3A_898 = tpu.vector_load %arg11[%swap3A_897] {strides = array<i32>} : memref<1600xi32, #tpu.memory_space<vmem>>, vector<16xi32>,
    %swap3A_899 = vector.shape_cast %swap3A_898 : vector<16xi32> to vector<16xi32>
    %swap3A_900 = vector.shape_cast %add3A_896 : vector<16xi32> to vector<16xi32>
    tpu.vector_store %arg11[%swap3A_897], %swap3A_900 {strides = array<i32>} : memref<1600xi32, #tpu.memory_space<vmem>>, vector<16xi32>,
    %broadcast_in_dim3A = arith.constant 0.000000e+00 : f32
    %broadcast_in_dim3A_901 = vector.broadcast %broadcast_in_dim3A : f32 to vector<16xf32>
    %swap3A_902 = arith.constant 0 : i32
    %swap3A_903 = arith.index_cast %swap3A_902 : i32 to index
    %swap3A_904 = arith.constant 0 : index
    %swap3A_905 = tpu.vector_load %arg12[%swap3A_903, %swap3A_904] {strides = array<i32>} : memref<32x64xf32, #tpu.memory_space<vmem>>, vector<1x16xf32>,
    %swap3A_906 = vector.shape_cast %swap3A_905 : vector<1x16xf32> to vector<16xf32>
    %swap3A_907 = vector.shape_cast %broadcast_in_dim3A_901 : vector<16xf32> to vector<1x16xf32>
    tpu.vector_store %arg12[%swap3A_903, %swap3A_904], %swap3A_907 {strides = array<i32>} : memref<32x64xf32, #tpu.memory_space<vmem>>, vector<1x16xf32>,
    %broadcast_in_dim3A_908 = arith.constant 0.000000e+00 : f32
    %broadcast_in_dim3A_909 = vector.broadcast %broadcast_in_dim3A_908 : f32 to vector<16xf32>
    %swap3A_910 = arith.constant 0 : i32
    %swap3A_911 = arith.index_cast %swap3A_910 : i32 to index
    %swap3A_912 = arith.constant 16 : index
    %swap3A_913 = tpu.vector_load %arg12[%swap3A_911, %swap3A_912] {strides = array<i32>} : memref<32x64xf32, #tpu.memory_space<vmem>>, vector<1x16xf32>,
    %swap3A_914 = vector.shape_cast %swap3A_913 : vector<1x16xf32> to vector<16xf32>
    %swap3A_915 = vector.shape_cast %broadcast_in_dim3A_909 : vector<16xf32> to vector<1x16xf32>
    tpu.vector_store %arg12[%swap3A_911, %swap3A_912], %swap3A_915 {strides = array<i32>} : memref<32x64xf32, #tpu.memory_space<vmem>>, vector<1x16xf32>,
    %broadcast_in_dim3A_916 = arith.constant 0.000000e+00 : f32
    %broadcast_in_dim3A_917 = vector.broadcast %broadcast_in_dim3A_916 : f32 to vector<16xf32>
    %swap3A_918 = arith.constant 0 : i32
    %swap3A_919 = arith.index_cast %swap3A_918 : i32 to index
    %swap3A_920 = arith.constant 32 : index
    %swap3A_921 = tpu.vector_load %arg12[%swap3A_919, %swap3A_920] {strides = array<i32>} : memref<32x64xf32, #tpu.memory_space<vmem>>, vector<1x16xf32>,
    %swap3A_922 = vector.shape_cast %swap3A_921 : vector<1x16xf32> to vector<16xf32>
    %swap3A_923 = vector.shape_cast %broadcast_in_dim3A_917 : vector<16xf32> to vector<1x16xf32>
    tpu.vector_store %arg12[%swap3A_919, %swap3A_920], %swap3A_923 {strides = array<i32>} : memref<32x64xf32, #tpu.memory_space<vmem>>, vector<1x16xf32>,
    %broadcast_in_dim3A_924 = arith.constant 0.000000e+00 : f32
    %broadcast_in_dim3A_925 = vector.broadcast %broadcast_in_dim3A_924 : f32 to vector<16xf32>
    %swap3A_926 = arith.constant 0 : i32
    %swap3A_927 = arith.index_cast %swap3A_926 : i32 to index
    %swap3A_928 = arith.constant 48 : index
    %swap3A_929 = tpu.vector_load %arg12[%swap3A_927, %swap3A_928] {strides = array<i32>} : memref<32x64xf32, #tpu.memory_space<vmem>>, vector<1x16xf32>,
    %swap3A_930 = vector.shape_cast %swap3A_929 : vector<1x16xf32> to vector<16xf32>
    %swap3A_931 = vector.shape_cast %broadcast_in_dim3A_925 : vector<16xf32> to vector<1x16xf32>
    tpu.vector_store %arg12[%swap3A_927, %swap3A_928], %swap3A_931 {strides = array<i32>} : memref<32x64xf32, #tpu.memory_space<vmem>>, vector<1x16xf32>,
    %broadcast_in_dim3A_932 = arith.constant 0.000000e+00 : f32
    %broadcast_in_dim3A_933 = vector.broadcast %broadcast_in_dim3A_932 : f32 to vector<16xf32>
    %swap3A_934 = arith.constant 1 : i32
    %swap3A_935 = arith.index_cast %swap3A_934 : i32 to index
    %swap3A_936 = arith.constant 0 : index
    %swap3A_937 = tpu.vector_load %arg12[%swap3A_935, %swap3A_936] {strides = array<i32>} : memref<32x64xf32, #tpu.memory_space<vmem>>, vector<1x16xf32>,
    %swap3A_938 = vector.shape_cast %swap3A_937 : vector<1x16xf32> to vector<16xf32>
    %swap3A_939 = vector.shape_cast %broadcast_in_dim3A_933 : vector<16xf32> to vector<1x16xf32>
    tpu.vector_store %arg12[%swap3A_935, %swap3A_936], %swap3A_939 {strides = array<i32>} : memref<32x64xf32, #tpu.memory_space<vmem>>, vector<1x16xf32>,
    %broadcast_in_dim3A_940 = arith.constant 0.000000e+00 : f32
    %broadcast_in_dim3A_941 = vector.broadcast %broadcast_in_dim3A_940 : f32 to vector<16xf32>
    %swap3A_942 = arith.constant 1 : i32
    %swap3A_943 = arith.index_cast %swap3A_942 : i32 to index
    %swap3A_944 = arith.constant 16 : index
    %swap3A_945 = tpu.vector_load %arg12[%swap3A_943, %swap3A_944] {strides = array<i32>} : memref<32x64xf32, #tpu.memory_space<vmem>>, vector<1x16xf32>,
    %swap3A_946 = vector.shape_cast %swap3A_945 : vector<1x16xf32> to vector<16xf32>
    %swap3A_947 = vector.shape_cast %broadcast_in_dim3A_941 : vector<16xf32> to vector<1x16xf32>
    tpu.vector_store %arg12[%swap3A_943, %swap3A_944], %swap3A_947 {strides = array<i32>} : memref<32x64xf32, #tpu.memory_space<vmem>>, vector<1x16xf32>,
    %broadcast_in_dim3A_948 = arith.constant 0.000000e+00 : f32
    %broadcast_in_dim3A_949 = vector.broadcast %broadcast_in_dim3A_948 : f32 to vector<16xf32>
    %swap3A_950 = arith.constant 1 : i32
    %swap3A_951 = arith.index_cast %swap3A_950 : i32 to index
    %swap3A_952 = arith.constant 32 : index
    %swap3A_953 = tpu.vector_load %arg12[%swap3A_951, %swap3A_952] {strides = array<i32>} : memref<32x64xf32, #tpu.memory_space<vmem>>, vector<1x16xf32>,
    %swap3A_954 = vector.shape_cast %swap3A_953 : vector<1x16xf32> to vector<16xf32>
    %swap3A_955 = vector.shape_cast %broadcast_in_dim3A_949 : vector<16xf32> to vector<1x16xf32>
    tpu.vector_store %arg12[%swap3A_951, %swap3A_952], %swap3A_955 {strides = array<i32>} : memref<32x64xf32, #tpu.memory_space<vmem>>, vector<1x16xf32>,
    %broadcast_in_dim3A_956 = arith.constant 0.000000e+00 : f32
    %broadcast_in_dim3A_957 = vector.broadcast %broadcast_in_dim3A_956 : f32 to vector<16xf32>
    %swap3A_958 = arith.constant 1 : i32
    %swap3A_959 = arith.index_cast %swap3A_958 : i32 to index
    %swap3A_960 = arith.constant 48 : index
    %swap3A_961 = tpu.vector_load %arg12[%swap3A_959, %swap3A_960] {strides = array<i32>} : memref<32x64xf32, #tpu.memory_space<vmem>>, vector<1x16xf32>,
    %swap3A_962 = vector.shape_cast %swap3A_961 : vector<1x16xf32> to vector<16xf32>
    %swap3A_963 = vector.shape_cast %broadcast_in_dim3A_957 : vector<16xf32> to vector<1x16xf32>
    tpu.vector_store %arg12[%swap3A_959, %swap3A_960], %swap3A_963 {strides = array<i32>} : memref<32x64xf32, #tpu.memory_space<vmem>>, vector<1x16xf32>,
    %broadcast_in_dim3A_964 = arith.constant 0.000000e+00 : f32
    %broadcast_in_dim3A_965 = vector.broadcast %broadcast_in_dim3A_964 : f32 to vector<16xf32>
    %swap3A_966 = arith.constant 2 : i32
    %swap3A_967 = arith.index_cast %swap3A_966 : i32 to index
    %swap3A_968 = arith.constant 0 : index
    %swap3A_969 = tpu.vector_load %arg12[%swap3A_967, %swap3A_968] {strides = array<i32>} : memref<32x64xf32, #tpu.memory_space<vmem>>, vector<1x16xf32>,
    %swap3A_970 = vector.shape_cast %swap3A_969 : vector<1x16xf32> to vector<16xf32>
    %swap3A_971 = vector.shape_cast %broadcast_in_dim3A_965 : vector<16xf32> to vector<1x16xf32>
    tpu.vector_store %arg12[%swap3A_967, %swap3A_968], %swap3A_971 {strides = array<i32>} : memref<32x64xf32, #tpu.memory_space<vmem>>, vector<1x16xf32>,
    %broadcast_in_dim3A_972 = arith.constant 0.000000e+00 : f32
    %broadcast_in_dim3A_973 = vector.broadcast %broadcast_in_dim3A_972 : f32 to vector<16xf32>
    %swap3A_974 = arith.constant 2 : i32
    %swap3A_975 = arith.index_cast %swap3A_974 : i32 to index
    %swap3A_976 = arith.constant 16 : index
    %swap3A_977 = tpu.vector_load %arg12[%swap3A_975, %swap3A_976] {strides = array<i32>} : memref<32x64xf32, #tpu.memory_space<vmem>>, vector<1x16xf32>,
    %swap3A_978 = vector.shape_cast %swap3A_977 : vector<1x16xf32> to vector<16xf32>
    %swap3A_979 = vector.shape_cast %broadcast_in_dim3A_973 : vector<16xf32> to vector<1x16xf32>
    tpu.vector_store %arg12[%swap3A_975, %swap3A_976], %swap3A_979 {strides = array<i32>} : memref<32x64xf32, #tpu.memory_space<vmem>>, vector<1x16xf32>,
    %broadcast_in_dim3A_980 = arith.constant 0.000000e+00 : f32
    %broadcast_in_dim3A_981 = vector.broadcast %broadcast_in_dim3A_980 : f32 to vector<16xf32>
    %swap3A_982 = arith.constant 2 : i32
    %swap3A_983 = arith.index_cast %swap3A_982 : i32 to index
    %swap3A_984 = arith.constant 32 : index
    %swap3A_985 = tpu.vector_load %arg12[%swap3A_983, %swap3A_984] {strides = array<i32>} : memref<32x64xf32, #tpu.memory_space<vmem>>, vector<1x16xf32>,
    %swap3A_986 = vector.shape_cast %swap3A_985 : vector<1x16xf32> to vector<16xf32>
    %swap3A_987 = vector.shape_cast %broadcast_in_dim3A_981 : vector<16xf32> to vector<1x16xf32>
    tpu.vector_store %arg12[%swap3A_983, %swap3A_984], %swap3A_987 {strides = array<i32>} : memref<32x64xf32, #tpu.memory_space<vmem>>, vector<1x16xf32>,
    %broadcast_in_dim3A_988 = arith.constant 0.000000e+00 : f32
    %broadcast_in_dim3A_989 = vector.broadcast %broadcast_in_dim3A_988 : f32 to vector<16xf32>
    %swap3A_990 = arith.constant 2 : i32
    %swap3A_991 = arith.index_cast %swap3A_990 : i32 to index
    %swap3A_992 = arith.constant 48 : index
    %swap3A_993 = tpu.vector_load %arg12[%swap3A_991, %swap3A_992] {strides = array<i32>} : memref<32x64xf32, #tpu.memory_space<vmem>>, vector<1x16xf32>,
    %swap3A_994 = vector.shape_cast %swap3A_993 : vector<1x16xf32> to vector<16xf32>
    %swap3A_995 = vector.shape_cast %broadcast_in_dim3A_989 : vector<16xf32> to vector<1x16xf32>
    tpu.vector_store %arg12[%swap3A_991, %swap3A_992], %swap3A_995 {strides = array<i32>} : memref<32x64xf32, #tpu.memory_space<vmem>>, vector<1x16xf32>,
    %broadcast_in_dim3A_996 = arith.constant 0.000000e+00 : f32
    %broadcast_in_dim3A_997 = vector.broadcast %broadcast_in_dim3A_996 : f32 to vector<16xf32>
    %swap3A_998 = arith.constant 3 : i32
    %swap3A_999 = arith.index_cast %swap3A_998 : i32 to index
    %swap3A_1000 = arith.constant 0 : index
    %swap3A_1001 = tpu.vector_load %arg12[%swap3A_999, %swap3A_1000] {strides = array<i32>} : memref<32x64xf32, #tpu.memory_space<vmem>>, vector<1x16xf32>,
    %swap3A_1002 = vector.shape_cast %swap3A_1001 : vector<1x16xf32> to vector<16xf32>
    %swap3A_1003 = vector.shape_cast %broadcast_in_dim3A_997 : vector<16xf32> to vector<1x16xf32>
    tpu.vector_store %arg12[%swap3A_999, %swap3A_1000], %swap3A_1003 {strides = array<i32>} : memref<32x64xf32, #tpu.memory_space<vmem>>, vector<1x16xf32>,
    %broadcast_in_dim3A_1004 = arith.constant 0.000000e+00 : f32
    %broadcast_in_dim3A_1005 = vector.broadcast %broadcast_in_dim3A_1004 : f32 to vector<16xf32>
    %swap3A_1006 = arith.constant 3 : i32
    %swap3A_1007 = arith.index_cast %swap3A_1006 : i32 to index
    %swap3A_1008 = arith.constant 16 : index
    %swap3A_1009 = tpu.vector_load %arg12[%swap3A_1007, %swap3A_1008] {strides = array<i32>} : memref<32x64xf32, #tpu.memory_space<vmem>>, vector<1x16xf32>,
    %swap3A_1010 = vector.shape_cast %swap3A_1009 : vector<1x16xf32> to vector<16xf32>
    %swap3A_1011 = vector.shape_cast %broadcast_in_dim3A_1005 : vector<16xf32> to vector<1x16xf32>
    tpu.vector_store %arg12[%swap3A_1007, %swap3A_1008], %swap3A_1011 {strides = array<i32>} : memref<32x64xf32, #tpu.memory_space<vmem>>, vector<1x16xf32>,
    %broadcast_in_dim3A_1012 = arith.constant 0.000000e+00 : f32
    %broadcast_in_dim3A_1013 = vector.broadcast %broadcast_in_dim3A_1012 : f32 to vector<16xf32>
    %swap3A_1014 = arith.constant 3 : i32
    %swap3A_1015 = arith.index_cast %swap3A_1014 : i32 to index
    %swap3A_1016 = arith.constant 32 : index
    %swap3A_1017 = tpu.vector_load %arg12[%swap3A_1015, %swap3A_1016] {strides = array<i32>} : memref<32x64xf32, #tpu.memory_space<vmem>>, vector<1x16xf32>,
    %swap3A_1018 = vector.shape_cast %swap3A_1017 : vector<1x16xf32> to vector<16xf32>
    %swap3A_1019 = vector.shape_cast %broadcast_in_dim3A_1013 : vector<16xf32> to vector<1x16xf32>
    tpu.vector_store %arg12[%swap3A_1015, %swap3A_1016], %swap3A_1019 {strides = array<i32>} : memref<32x64xf32, #tpu.memory_space<vmem>>, vector<1x16xf32>,
    %broadcast_in_dim3A_1020 = arith.constant 0.000000e+00 : f32
    %broadcast_in_dim3A_1021 = vector.broadcast %broadcast_in_dim3A_1020 : f32 to vector<16xf32>
    %swap3A_1022 = arith.constant 3 : i32
    %swap3A_1023 = arith.index_cast %swap3A_1022 : i32 to index
    %swap3A_1024 = arith.constant 48 : index
    %swap3A_1025 = tpu.vector_load %arg12[%swap3A_1023, %swap3A_1024] {strides = array<i32>} : memref<32x64xf32, #tpu.memory_space<vmem>>, vector<1x16xf32>,
    %swap3A_1026 = vector.shape_cast %swap3A_1025 : vector<1x16xf32> to vector<16xf32>
    %swap3A_1027 = vector.shape_cast %broadcast_in_dim3A_1021 : vector<16xf32> to vector<1x16xf32>
    tpu.vector_store %arg12[%swap3A_1023, %swap3A_1024], %swap3A_1027 {strides = array<i32>} : memref<32x64xf32, #tpu.memory_space<vmem>>, vector<1x16xf32>,
    %broadcast_in_dim3A_1028 = arith.constant 0.000000e+00 : f32
    %broadcast_in_dim3A_1029 = vector.broadcast %broadcast_in_dim3A_1028 : f32 to vector<16xf32>
    %swap3A_1030 = arith.constant 4 : i32
    %swap3A_1031 = arith.index_cast %swap3A_1030 : i32 to index
    %swap3A_1032 = arith.constant 0 : index
    %swap3A_1033 = tpu.vector_load %arg12[%swap3A_1031, %swap3A_1032] {strides = array<i32>} : memref<32x64xf32, #tpu.memory_space<vmem>>, vector<1x16xf32>,
    %swap3A_1034 = vector.shape_cast %swap3A_1033 : vector<1x16xf32> to vector<16xf32>
    %swap3A_1035 = vector.shape_cast %broadcast_in_dim3A_1029 : vector<16xf32> to vector<1x16xf32>
    tpu.vector_store %arg12[%swap3A_1031, %swap3A_1032], %swap3A_1035 {strides = array<i32>} : memref<32x64xf32, #tpu.memory_space<vmem>>, vector<1x16xf32>,
    %broadcast_in_dim3A_1036 = arith.constant 0.000000e+00 : f32
    %broadcast_in_dim3A_1037 = vector.broadcast %broadcast_in_dim3A_1036 : f32 to vector<16xf32>
    %swap3A_1038 = arith.constant 4 : i32
    %swap3A_1039 = arith.index_cast %swap3A_1038 : i32 to index
    %swap3A_1040 = arith.constant 16 : index
    %swap3A_1041 = tpu.vector_load %arg12[%swap3A_1039, %swap3A_1040] {strides = array<i32>} : memref<32x64xf32, #tpu.memory_space<vmem>>, vector<1x16xf32>,
    %swap3A_1042 = vector.shape_cast %swap3A_1041 : vector<1x16xf32> to vector<16xf32>
    %swap3A_1043 = vector.shape_cast %broadcast_in_dim3A_1037 : vector<16xf32> to vector<1x16xf32>
    tpu.vector_store %arg12[%swap3A_1039, %swap3A_1040], %swap3A_1043 {strides = array<i32>} : memref<32x64xf32, #tpu.memory_space<vmem>>, vector<1x16xf32>,
    %broadcast_in_dim3A_1044 = arith.constant 0.000000e+00 : f32
    %broadcast_in_dim3A_1045 = vector.broadcast %broadcast_in_dim3A_1044 : f32 to vector<16xf32>
    %swap3A_1046 = arith.constant 4 : i32
    %swap3A_1047 = arith.index_cast %swap3A_1046 : i32 to index
    %swap3A_1048 = arith.constant 32 : index
    %swap3A_1049 = tpu.vector_load %arg12[%swap3A_1047, %swap3A_1048] {strides = array<i32>} : memref<32x64xf32, #tpu.memory_space<vmem>>, vector<1x16xf32>,
    %swap3A_1050 = vector.shape_cast %swap3A_1049 : vector<1x16xf32> to vector<16xf32>
    %swap3A_1051 = vector.shape_cast %broadcast_in_dim3A_1045 : vector<16xf32> to vector<1x16xf32>
    tpu.vector_store %arg12[%swap3A_1047, %swap3A_1048], %swap3A_1051 {strides = array<i32>} : memref<32x64xf32, #tpu.memory_space<vmem>>, vector<1x16xf32>,
    %broadcast_in_dim3A_1052 = arith.constant 0.000000e+00 : f32
    %broadcast_in_dim3A_1053 = vector.broadcast %broadcast_in_dim3A_1052 : f32 to vector<16xf32>
    %swap3A_1054 = arith.constant 4 : i32
    %swap3A_1055 = arith.index_cast %swap3A_1054 : i32 to index
    %swap3A_1056 = arith.constant 48 : index
    %swap3A_1057 = tpu.vector_load %arg12[%swap3A_1055, %swap3A_1056] {strides = array<i32>} : memref<32x64xf32, #tpu.memory_space<vmem>>, vector<1x16xf32>,
    %swap3A_1058 = vector.shape_cast %swap3A_1057 : vector<1x16xf32> to vector<16xf32>
    %swap3A_1059 = vector.shape_cast %broadcast_in_dim3A_1053 : vector<16xf32> to vector<1x16xf32>
    tpu.vector_store %arg12[%swap3A_1055, %swap3A_1056], %swap3A_1059 {strides = array<i32>} : memref<32x64xf32, #tpu.memory_space<vmem>>, vector<1x16xf32>,
    %broadcast_in_dim3A_1060 = arith.constant 0.000000e+00 : f32
    %broadcast_in_dim3A_1061 = vector.broadcast %broadcast_in_dim3A_1060 : f32 to vector<16xf32>
    %swap3A_1062 = arith.constant 5 : i32
    %swap3A_1063 = arith.index_cast %swap3A_1062 : i32 to index
    %swap3A_1064 = arith.constant 0 : index
    %swap3A_1065 = tpu.vector_load %arg12[%swap3A_1063, %swap3A_1064] {strides = array<i32>} : memref<32x64xf32, #tpu.memory_space<vmem>>, vector<1x16xf32>,
    %swap3A_1066 = vector.shape_cast %swap3A_1065 : vector<1x16xf32> to vector<16xf32>
    %swap3A_1067 = vector.shape_cast %broadcast_in_dim3A_1061 : vector<16xf32> to vector<1x16xf32>
    tpu.vector_store %arg12[%swap3A_1063, %swap3A_1064], %swap3A_1067 {strides = array<i32>} : memref<32x64xf32, #tpu.memory_space<vmem>>, vector<1x16xf32>,
    %broadcast_in_dim3A_1068 = arith.constant 0.000000e+00 : f32
    %broadcast_in_dim3A_1069 = vector.broadcast %broadcast_in_dim3A_1068 : f32 to vector<16xf32>
    %swap3A_1070 = arith.constant 5 : i32
    %swap3A_1071 = arith.index_cast %swap3A_1070 : i32 to index
    %swap3A_1072 = arith.constant 16 : index
    %swap3A_1073 = tpu.vector_load %arg12[%swap3A_1071, %swap3A_1072] {strides = array<i32>} : memref<32x64xf32, #tpu.memory_space<vmem>>, vector<1x16xf32>,
    %swap3A_1074 = vector.shape_cast %swap3A_1073 : vector<1x16xf32> to vector<16xf32>
    %swap3A_1075 = vector.shape_cast %broadcast_in_dim3A_1069 : vector<16xf32> to vector<1x16xf32>
    tpu.vector_store %arg12[%swap3A_1071, %swap3A_1072], %swap3A_1075 {strides = array<i32>} : memref<32x64xf32, #tpu.memory_space<vmem>>, vector<1x16xf32>,
    %broadcast_in_dim3A_1076 = arith.constant 0.000000e+00 : f32
    %broadcast_in_dim3A_1077 = vector.broadcast %broadcast_in_dim3A_1076 : f32 to vector<16xf32>
    %swap3A_1078 = arith.constant 5 : i32
    %swap3A_1079 = arith.index_cast %swap3A_1078 : i32 to index
    %swap3A_1080 = arith.constant 32 : index
    %swap3A_1081 = tpu.vector_load %arg12[%swap3A_1079, %swap3A_1080] {strides = array<i32>} : memref<32x64xf32, #tpu.memory_space<vmem>>, vector<1x16xf32>,
    %swap3A_1082 = vector.shape_cast %swap3A_1081 : vector<1x16xf32> to vector<16xf32>
    %swap3A_1083 = vector.shape_cast %broadcast_in_dim3A_1077 : vector<16xf32> to vector<1x16xf32>
    tpu.vector_store %arg12[%swap3A_1079, %swap3A_1080], %swap3A_1083 {strides = array<i32>} : memref<32x64xf32, #tpu.memory_space<vmem>>, vector<1x16xf32>,
    %broadcast_in_dim3A_1084 = arith.constant 0.000000e+00 : f32
    %broadcast_in_dim3A_1085 = vector.broadcast %broadcast_in_dim3A_1084 : f32 to vector<16xf32>
    %swap3A_1086 = arith.constant 5 : i32
    %swap3A_1087 = arith.index_cast %swap3A_1086 : i32 to index
    %swap3A_1088 = arith.constant 48 : index
    %swap3A_1089 = tpu.vector_load %arg12[%swap3A_1087, %swap3A_1088] {strides = array<i32>} : memref<32x64xf32, #tpu.memory_space<vmem>>, vector<1x16xf32>,
    %swap3A_1090 = vector.shape_cast %swap3A_1089 : vector<1x16xf32> to vector<16xf32>
    %swap3A_1091 = vector.shape_cast %broadcast_in_dim3A_1085 : vector<16xf32> to vector<1x16xf32>
    tpu.vector_store %arg12[%swap3A_1087, %swap3A_1088], %swap3A_1091 {strides = array<i32>} : memref<32x64xf32, #tpu.memory_space<vmem>>, vector<1x16xf32>,
    %broadcast_in_dim3A_1092 = arith.constant 0.000000e+00 : f32
    %broadcast_in_dim3A_1093 = vector.broadcast %broadcast_in_dim3A_1092 : f32 to vector<16xf32>
    %swap3A_1094 = arith.constant 6 : i32
    %swap3A_1095 = arith.index_cast %swap3A_1094 : i32 to index
    %swap3A_1096 = arith.constant 0 : index
    %swap3A_1097 = tpu.vector_load %arg12[%swap3A_1095, %swap3A_1096] {strides = array<i32>} : memref<32x64xf32, #tpu.memory_space<vmem>>, vector<1x16xf32>,
    %swap3A_1098 = vector.shape_cast %swap3A_1097 : vector<1x16xf32> to vector<16xf32>
    %swap3A_1099 = vector.shape_cast %broadcast_in_dim3A_1093 : vector<16xf32> to vector<1x16xf32>
    tpu.vector_store %arg12[%swap3A_1095, %swap3A_1096], %swap3A_1099 {strides = array<i32>} : memref<32x64xf32, #tpu.memory_space<vmem>>, vector<1x16xf32>,
    %broadcast_in_dim3A_1100 = arith.constant 0.000000e+00 : f32
    %broadcast_in_dim3A_1101 = vector.broadcast %broadcast_in_dim3A_1100 : f32 to vector<16xf32>
    %swap3A_1102 = arith.constant 6 : i32
    %swap3A_1103 = arith.index_cast %swap3A_1102 : i32 to index
    %swap3A_1104 = arith.constant 16 : index
    %swap3A_1105 = tpu.vector_load %arg12[%swap3A_1103, %swap3A_1104] {strides = array<i32>} : memref<32x64xf32, #tpu.memory_space<vmem>>, vector<1x16xf32>,
    %swap3A_1106 = vector.shape_cast %swap3A_1105 : vector<1x16xf32> to vector<16xf32>
    %swap3A_1107 = vector.shape_cast %broadcast_in_dim3A_1101 : vector<16xf32> to vector<1x16xf32>
    tpu.vector_store %arg12[%swap3A_1103, %swap3A_1104], %swap3A_1107 {strides = array<i32>} : memref<32x64xf32, #tpu.memory_space<vmem>>, vector<1x16xf32>,
    %broadcast_in_dim3A_1108 = arith.constant 0.000000e+00 : f32
    %broadcast_in_dim3A_1109 = vector.broadcast %broadcast_in_dim3A_1108 : f32 to vector<16xf32>
    %swap3A_1110 = arith.constant 6 : i32
    %swap3A_1111 = arith.index_cast %swap3A_1110 : i32 to index
    %swap3A_1112 = arith.constant 32 : index
    %swap3A_1113 = tpu.vector_load %arg12[%swap3A_1111, %swap3A_1112] {strides = array<i32>} : memref<32x64xf32, #tpu.memory_space<vmem>>, vector<1x16xf32>,
    %swap3A_1114 = vector.shape_cast %swap3A_1113 : vector<1x16xf32> to vector<16xf32>
    %swap3A_1115 = vector.shape_cast %broadcast_in_dim3A_1109 : vector<16xf32> to vector<1x16xf32>
    tpu.vector_store %arg12[%swap3A_1111, %swap3A_1112], %swap3A_1115 {strides = array<i32>} : memref<32x64xf32, #tpu.memory_space<vmem>>, vector<1x16xf32>,
    %broadcast_in_dim3A_1116 = arith.constant 0.000000e+00 : f32
    %broadcast_in_dim3A_1117 = vector.broadcast %broadcast_in_dim3A_1116 : f32 to vector<16xf32>
    %swap3A_1118 = arith.constant 6 : i32
    %swap3A_1119 = arith.index_cast %swap3A_1118 : i32 to index
    %swap3A_1120 = arith.constant 48 : index
    %swap3A_1121 = tpu.vector_load %arg12[%swap3A_1119, %swap3A_1120] {strides = array<i32>} : memref<32x64xf32, #tpu.memory_space<vmem>>, vector<1x16xf32>,
    %swap3A_1122 = vector.shape_cast %swap3A_1121 : vector<1x16xf32> to vector<16xf32>
    %swap3A_1123 = vector.shape_cast %broadcast_in_dim3A_1117 : vector<16xf32> to vector<1x16xf32>
    tpu.vector_store %arg12[%swap3A_1119, %swap3A_1120], %swap3A_1123 {strides = array<i32>} : memref<32x64xf32, #tpu.memory_space<vmem>>, vector<1x16xf32>,
    %broadcast_in_dim3A_1124 = arith.constant 0.000000e+00 : f32
    %broadcast_in_dim3A_1125 = vector.broadcast %broadcast_in_dim3A_1124 : f32 to vector<16xf32>
    %swap3A_1126 = arith.constant 7 : i32
    %swap3A_1127 = arith.index_cast %swap3A_1126 : i32 to index
    %swap3A_1128 = arith.constant 0 : index
    %swap3A_1129 = tpu.vector_load %arg12[%swap3A_1127, %swap3A_1128] {strides = array<i32>} : memref<32x64xf32, #tpu.memory_space<vmem>>, vector<1x16xf32>,
    %swap3A_1130 = vector.shape_cast %swap3A_1129 : vector<1x16xf32> to vector<16xf32>
    %swap3A_1131 = vector.shape_cast %broadcast_in_dim3A_1125 : vector<16xf32> to vector<1x16xf32>
    tpu.vector_store %arg12[%swap3A_1127, %swap3A_1128], %swap3A_1131 {strides = array<i32>} : memref<32x64xf32, #tpu.memory_space<vmem>>, vector<1x16xf32>,
    %broadcast_in_dim3A_1132 = arith.constant 0.000000e+00 : f32
    %broadcast_in_dim3A_1133 = vector.broadcast %broadcast_in_dim3A_1132 : f32 to vector<16xf32>
    %swap3A_1134 = arith.constant 7 : i32
    %swap3A_1135 = arith.index_cast %swap3A_1134 : i32 to index
    %swap3A_1136 = arith.constant 16 : index
    %swap3A_1137 = tpu.vector_load %arg12[%swap3A_1135, %swap3A_1136] {strides = array<i32>} : memref<32x64xf32, #tpu.memory_space<vmem>>, vector<1x16xf32>,
    %swap3A_1138 = vector.shape_cast %swap3A_1137 : vector<1x16xf32> to vector<16xf32>
    %swap3A_1139 = vector.shape_cast %broadcast_in_dim3A_1133 : vector<16xf32> to vector<1x16xf32>
    tpu.vector_store %arg12[%swap3A_1135, %swap3A_1136], %swap3A_1139 {strides = array<i32>} : memref<32x64xf32, #tpu.memory_space<vmem>>, vector<1x16xf32>,
    %broadcast_in_dim3A_1140 = arith.constant 0.000000e+00 : f32
    %broadcast_in_dim3A_1141 = vector.broadcast %broadcast_in_dim3A_1140 : f32 to vector<16xf32>
    %swap3A_1142 = arith.constant 7 : i32
    %swap3A_1143 = arith.index_cast %swap3A_1142 : i32 to index
    %swap3A_1144 = arith.constant 32 : index
    %swap3A_1145 = tpu.vector_load %arg12[%swap3A_1143, %swap3A_1144] {strides = array<i32>} : memref<32x64xf32, #tpu.memory_space<vmem>>, vector<1x16xf32>,
    %swap3A_1146 = vector.shape_cast %swap3A_1145 : vector<1x16xf32> to vector<16xf32>
    %swap3A_1147 = vector.shape_cast %broadcast_in_dim3A_1141 : vector<16xf32> to vector<1x16xf32>
    tpu.vector_store %arg12[%swap3A_1143, %swap3A_1144], %swap3A_1147 {strides = array<i32>} : memref<32x64xf32, #tpu.memory_space<vmem>>, vector<1x16xf32>,
    %broadcast_in_dim3A_1148 = arith.constant 0.000000e+00 : f32
    %broadcast_in_dim3A_1149 = vector.broadcast %broadcast_in_dim3A_1148 : f32 to vector<16xf32>
    %swap3A_1150 = arith.constant 7 : i32
    %swap3A_1151 = arith.index_cast %swap3A_1150 : i32 to index
    %swap3A_1152 = arith.constant 48 : index
    %swap3A_1153 = tpu.vector_load %arg12[%swap3A_1151, %swap3A_1152] {strides = array<i32>} : memref<32x64xf32, #tpu.memory_space<vmem>>, vector<1x16xf32>,
    %swap3A_1154 = vector.shape_cast %swap3A_1153 : vector<1x16xf32> to vector<16xf32>
    %swap3A_1155 = vector.shape_cast %broadcast_in_dim3A_1149 : vector<16xf32> to vector<1x16xf32>
    tpu.vector_store %arg12[%swap3A_1151, %swap3A_1152], %swap3A_1155 {strides = array<i32>} : memref<32x64xf32, #tpu.memory_space<vmem>>, vector<1x16xf32>,
    %broadcast_in_dim3A_1156 = arith.constant 0.000000e+00 : f32
    %broadcast_in_dim3A_1157 = vector.broadcast %broadcast_in_dim3A_1156 : f32 to vector<16xf32>
    %swap3A_1158 = arith.constant 8 : i32
    %swap3A_1159 = arith.index_cast %swap3A_1158 : i32 to index
    %swap3A_1160 = arith.constant 0 : index
    %swap3A_1161 = tpu.vector_load %arg12[%swap3A_1159, %swap3A_1160] {strides = array<i32>} : memref<32x64xf32, #tpu.memory_space<vmem>>, vector<1x16xf32>,
    %swap3A_1162 = vector.shape_cast %swap3A_1161 : vector<1x16xf32> to vector<16xf32>
    %swap3A_1163 = vector.shape_cast %broadcast_in_dim3A_1157 : vector<16xf32> to vector<1x16xf32>
    tpu.vector_store %arg12[%swap3A_1159, %swap3A_1160], %swap3A_1163 {strides = array<i32>} : memref<32x64xf32, #tpu.memory_space<vmem>>, vector<1x16xf32>,
    %broadcast_in_dim3A_1164 = arith.constant 0.000000e+00 : f32
    %broadcast_in_dim3A_1165 = vector.broadcast %broadcast_in_dim3A_1164 : f32 to vector<16xf32>
    %swap3A_1166 = arith.constant 8 : i32
    %swap3A_1167 = arith.index_cast %swap3A_1166 : i32 to index
    %swap3A_1168 = arith.constant 16 : index
    %swap3A_1169 = tpu.vector_load %arg12[%swap3A_1167, %swap3A_1168] {strides = array<i32>} : memref<32x64xf32, #tpu.memory_space<vmem>>, vector<1x16xf32>,
    %swap3A_1170 = vector.shape_cast %swap3A_1169 : vector<1x16xf32> to vector<16xf32>
    %swap3A_1171 = vector.shape_cast %broadcast_in_dim3A_1165 : vector<16xf32> to vector<1x16xf32>
    tpu.vector_store %arg12[%swap3A_1167, %swap3A_1168], %swap3A_1171 {strides = array<i32>} : memref<32x64xf32, #tpu.memory_space<vmem>>, vector<1x16xf32>,
    %broadcast_in_dim3A_1172 = arith.constant 0.000000e+00 : f32
    %broadcast_in_dim3A_1173 = vector.broadcast %broadcast_in_dim3A_1172 : f32 to vector<16xf32>
    %swap3A_1174 = arith.constant 8 : i32
    %swap3A_1175 = arith.index_cast %swap3A_1174 : i32 to index
    %swap3A_1176 = arith.constant 32 : index
    %swap3A_1177 = tpu.vector_load %arg12[%swap3A_1175, %swap3A_1176] {strides = array<i32>} : memref<32x64xf32, #tpu.memory_space<vmem>>, vector<1x16xf32>,
    %swap3A_1178 = vector.shape_cast %swap3A_1177 : vector<1x16xf32> to vector<16xf32>
    %swap3A_1179 = vector.shape_cast %broadcast_in_dim3A_1173 : vector<16xf32> to vector<1x16xf32>
    tpu.vector_store %arg12[%swap3A_1175, %swap3A_1176], %swap3A_1179 {strides = array<i32>} : memref<32x64xf32, #tpu.memory_space<vmem>>, vector<1x16xf32>,
    %broadcast_in_dim3A_1180 = arith.constant 0.000000e+00 : f32
    %broadcast_in_dim3A_1181 = vector.broadcast %broadcast_in_dim3A_1180 : f32 to vector<16xf32>
    %swap3A_1182 = arith.constant 8 : i32
    %swap3A_1183 = arith.index_cast %swap3A_1182 : i32 to index
    %swap3A_1184 = arith.constant 48 : index
    %swap3A_1185 = tpu.vector_load %arg12[%swap3A_1183, %swap3A_1184] {strides = array<i32>} : memref<32x64xf32, #tpu.memory_space<vmem>>, vector<1x16xf32>,
    %swap3A_1186 = vector.shape_cast %swap3A_1185 : vector<1x16xf32> to vector<16xf32>
    %swap3A_1187 = vector.shape_cast %broadcast_in_dim3A_1181 : vector<16xf32> to vector<1x16xf32>
    tpu.vector_store %arg12[%swap3A_1183, %swap3A_1184], %swap3A_1187 {strides = array<i32>} : memref<32x64xf32, #tpu.memory_space<vmem>>, vector<1x16xf32>,
    %broadcast_in_dim3A_1188 = arith.constant 0.000000e+00 : f32
    %broadcast_in_dim3A_1189 = vector.broadcast %broadcast_in_dim3A_1188 : f32 to vector<16xf32>
    %swap3A_1190 = arith.constant 9 : i32
    %swap3A_1191 = arith.index_cast %swap3A_1190 : i32 to index
    %swap3A_1192 = arith.constant 0 : index
    %swap3A_1193 = tpu.vector_load %arg12[%swap3A_1191, %swap3A_1192] {strides = array<i32>} : memref<32x64xf32, #tpu.memory_space<vmem>>, vector<1x16xf32>,
    %swap3A_1194 = vector.shape_cast %swap3A_1193 : vector<1x16xf32> to vector<16xf32>
    %swap3A_1195 = vector.shape_cast %broadcast_in_dim3A_1189 : vector<16xf32> to vector<1x16xf32>
    tpu.vector_store %arg12[%swap3A_1191, %swap3A_1192], %swap3A_1195 {strides = array<i32>} : memref<32x64xf32, #tpu.memory_space<vmem>>, vector<1x16xf32>,
    %broadcast_in_dim3A_1196 = arith.constant 0.000000e+00 : f32
    %broadcast_in_dim3A_1197 = vector.broadcast %broadcast_in_dim3A_1196 : f32 to vector<16xf32>
    %swap3A_1198 = arith.constant 9 : i32
    %swap3A_1199 = arith.index_cast %swap3A_1198 : i32 to index
    %swap3A_1200 = arith.constant 16 : index
    %swap3A_1201 = tpu.vector_load %arg12[%swap3A_1199, %swap3A_1200] {strides = array<i32>} : memref<32x64xf32, #tpu.memory_space<vmem>>, vector<1x16xf32>,
    %swap3A_1202 = vector.shape_cast %swap3A_1201 : vector<1x16xf32> to vector<16xf32>
    %swap3A_1203 = vector.shape_cast %broadcast_in_dim3A_1197 : vector<16xf32> to vector<1x16xf32>
    tpu.vector_store %arg12[%swap3A_1199, %swap3A_1200], %swap3A_1203 {strides = array<i32>} : memref<32x64xf32, #tpu.memory_space<vmem>>, vector<1x16xf32>,
    %broadcast_in_dim3A_1204 = arith.constant 0.000000e+00 : f32
    %broadcast_in_dim3A_1205 = vector.broadcast %broadcast_in_dim3A_1204 : f32 to vector<16xf32>
    %swap3A_1206 = arith.constant 9 : i32
    %swap3A_1207 = arith.index_cast %swap3A_1206 : i32 to index
    %swap3A_1208 = arith.constant 32 : index
    %swap3A_1209 = tpu.vector_load %arg12[%swap3A_1207, %swap3A_1208] {strides = array<i32>} : memref<32x64xf32, #tpu.memory_space<vmem>>, vector<1x16xf32>,
    %swap3A_1210 = vector.shape_cast %swap3A_1209 : vector<1x16xf32> to vector<16xf32>
    %swap3A_1211 = vector.shape_cast %broadcast_in_dim3A_1205 : vector<16xf32> to vector<1x16xf32>
    tpu.vector_store %arg12[%swap3A_1207, %swap3A_1208], %swap3A_1211 {strides = array<i32>} : memref<32x64xf32, #tpu.memory_space<vmem>>, vector<1x16xf32>,
    %broadcast_in_dim3A_1212 = arith.constant 0.000000e+00 : f32
    %broadcast_in_dim3A_1213 = vector.broadcast %broadcast_in_dim3A_1212 : f32 to vector<16xf32>
    %swap3A_1214 = arith.constant 9 : i32
    %swap3A_1215 = arith.index_cast %swap3A_1214 : i32 to index
    %swap3A_1216 = arith.constant 48 : index
    %swap3A_1217 = tpu.vector_load %arg12[%swap3A_1215, %swap3A_1216] {strides = array<i32>} : memref<32x64xf32, #tpu.memory_space<vmem>>, vector<1x16xf32>,
    %swap3A_1218 = vector.shape_cast %swap3A_1217 : vector<1x16xf32> to vector<16xf32>
    %swap3A_1219 = vector.shape_cast %broadcast_in_dim3A_1213 : vector<16xf32> to vector<1x16xf32>
    tpu.vector_store %arg12[%swap3A_1215, %swap3A_1216], %swap3A_1219 {strides = array<i32>} : memref<32x64xf32, #tpu.memory_space<vmem>>, vector<1x16xf32>,
    %broadcast_in_dim3A_1220 = arith.constant 0.000000e+00 : f32
    %broadcast_in_dim3A_1221 = vector.broadcast %broadcast_in_dim3A_1220 : f32 to vector<16xf32>
    %swap3A_1222 = arith.constant 10 : i32
    %swap3A_1223 = arith.index_cast %swap3A_1222 : i32 to index
    %swap3A_1224 = arith.constant 0 : index
    %swap3A_1225 = tpu.vector_load %arg12[%swap3A_1223, %swap3A_1224] {strides = array<i32>} : memref<32x64xf32, #tpu.memory_space<vmem>>, vector<1x16xf32>,
    %swap3A_1226 = vector.shape_cast %swap3A_1225 : vector<1x16xf32> to vector<16xf32>
    %swap3A_1227 = vector.shape_cast %broadcast_in_dim3A_1221 : vector<16xf32> to vector<1x16xf32>
    tpu.vector_store %arg12[%swap3A_1223, %swap3A_1224], %swap3A_1227 {strides = array<i32>} : memref<32x64xf32, #tpu.memory_space<vmem>>, vector<1x16xf32>,
    %broadcast_in_dim3A_1228 = arith.constant 0.000000e+00 : f32
    %broadcast_in_dim3A_1229 = vector.broadcast %broadcast_in_dim3A_1228 : f32 to vector<16xf32>
    %swap3A_1230 = arith.constant 10 : i32
    %swap3A_1231 = arith.index_cast %swap3A_1230 : i32 to index
    %swap3A_1232 = arith.constant 16 : index
    %swap3A_1233 = tpu.vector_load %arg12[%swap3A_1231, %swap3A_1232] {strides = array<i32>} : memref<32x64xf32, #tpu.memory_space<vmem>>, vector<1x16xf32>,
    %swap3A_1234 = vector.shape_cast %swap3A_1233 : vector<1x16xf32> to vector<16xf32>
    %swap3A_1235 = vector.shape_cast %broadcast_in_dim3A_1229 : vector<16xf32> to vector<1x16xf32>
    tpu.vector_store %arg12[%swap3A_1231, %swap3A_1232], %swap3A_1235 {strides = array<i32>} : memref<32x64xf32, #tpu.memory_space<vmem>>, vector<1x16xf32>,
    %broadcast_in_dim3A_1236 = arith.constant 0.000000e+00 : f32
    %broadcast_in_dim3A_1237 = vector.broadcast %broadcast_in_dim3A_1236 : f32 to vector<16xf32>
    %swap3A_1238 = arith.constant 10 : i32
    %swap3A_1239 = arith.index_cast %swap3A_1238 : i32 to index
    %swap3A_1240 = arith.constant 32 : index
    %swap3A_1241 = tpu.vector_load %arg12[%swap3A_1239, %swap3A_1240] {strides = array<i32>} : memref<32x64xf32, #tpu.memory_space<vmem>>, vector<1x16xf32>,
    %swap3A_1242 = vector.shape_cast %swap3A_1241 : vector<1x16xf32> to vector<16xf32>
    %swap3A_1243 = vector.shape_cast %broadcast_in_dim3A_1237 : vector<16xf32> to vector<1x16xf32>
    tpu.vector_store %arg12[%swap3A_1239, %swap3A_1240], %swap3A_1243 {strides = array<i32>} : memref<32x64xf32, #tpu.memory_space<vmem>>, vector<1x16xf32>,
    %broadcast_in_dim3A_1244 = arith.constant 0.000000e+00 : f32
    %broadcast_in_dim3A_1245 = vector.broadcast %broadcast_in_dim3A_1244 : f32 to vector<16xf32>
    %swap3A_1246 = arith.constant 10 : i32
    %swap3A_1247 = arith.index_cast %swap3A_1246 : i32 to index
    %swap3A_1248 = arith.constant 48 : index
    %swap3A_1249 = tpu.vector_load %arg12[%swap3A_1247, %swap3A_1248] {strides = array<i32>} : memref<32x64xf32, #tpu.memory_space<vmem>>, vector<1x16xf32>,
    %swap3A_1250 = vector.shape_cast %swap3A_1249 : vector<1x16xf32> to vector<16xf32>
    %swap3A_1251 = vector.shape_cast %broadcast_in_dim3A_1245 : vector<16xf32> to vector<1x16xf32>
    tpu.vector_store %arg12[%swap3A_1247, %swap3A_1248], %swap3A_1251 {strides = array<i32>} : memref<32x64xf32, #tpu.memory_space<vmem>>, vector<1x16xf32>,
    %broadcast_in_dim3A_1252 = arith.constant 0.000000e+00 : f32
    %broadcast_in_dim3A_1253 = vector.broadcast %broadcast_in_dim3A_1252 : f32 to vector<16xf32>
    %swap3A_1254 = arith.constant 11 : i32
    %swap3A_1255 = arith.index_cast %swap3A_1254 : i32 to index
    %swap3A_1256 = arith.constant 0 : index
    %swap3A_1257 = tpu.vector_load %arg12[%swap3A_1255, %swap3A_1256] {strides = array<i32>} : memref<32x64xf32, #tpu.memory_space<vmem>>, vector<1x16xf32>,
    %swap3A_1258 = vector.shape_cast %swap3A_1257 : vector<1x16xf32> to vector<16xf32>
    %swap3A_1259 = vector.shape_cast %broadcast_in_dim3A_1253 : vector<16xf32> to vector<1x16xf32>
    tpu.vector_store %arg12[%swap3A_1255, %swap3A_1256], %swap3A_1259 {strides = array<i32>} : memref<32x64xf32, #tpu.memory_space<vmem>>, vector<1x16xf32>,
    %broadcast_in_dim3A_1260 = arith.constant 0.000000e+00 : f32
    %broadcast_in_dim3A_1261 = vector.broadcast %broadcast_in_dim3A_1260 : f32 to vector<16xf32>
    %swap3A_1262 = arith.constant 11 : i32
    %swap3A_1263 = arith.index_cast %swap3A_1262 : i32 to index
    %swap3A_1264 = arith.constant 16 : index
    %swap3A_1265 = tpu.vector_load %arg12[%swap3A_1263, %swap3A_1264] {strides = array<i32>} : memref<32x64xf32, #tpu.memory_space<vmem>>, vector<1x16xf32>,
    %swap3A_1266 = vector.shape_cast %swap3A_1265 : vector<1x16xf32> to vector<16xf32>
    %swap3A_1267 = vector.shape_cast %broadcast_in_dim3A_1261 : vector<16xf32> to vector<1x16xf32>
    tpu.vector_store %arg12[%swap3A_1263, %swap3A_1264], %swap3A_1267 {strides = array<i32>} : memref<32x64xf32, #tpu.memory_space<vmem>>, vector<1x16xf32>,
    %broadcast_in_dim3A_1268 = arith.constant 0.000000e+00 : f32
    %broadcast_in_dim3A_1269 = vector.broadcast %broadcast_in_dim3A_1268 : f32 to vector<16xf32>
    %swap3A_1270 = arith.constant 11 : i32
    %swap3A_1271 = arith.index_cast %swap3A_1270 : i32 to index
    %swap3A_1272 = arith.constant 32 : index
    %swap3A_1273 = tpu.vector_load %arg12[%swap3A_1271, %swap3A_1272] {strides = array<i32>} : memref<32x64xf32, #tpu.memory_space<vmem>>, vector<1x16xf32>,
    %swap3A_1274 = vector.shape_cast %swap3A_1273 : vector<1x16xf32> to vector<16xf32>
    %swap3A_1275 = vector.shape_cast %broadcast_in_dim3A_1269 : vector<16xf32> to vector<1x16xf32>
    tpu.vector_store %arg12[%swap3A_1271, %swap3A_1272], %swap3A_1275 {strides = array<i32>} : memref<32x64xf32, #tpu.memory_space<vmem>>, vector<1x16xf32>,
    %broadcast_in_dim3A_1276 = arith.constant 0.000000e+00 : f32
    %broadcast_in_dim3A_1277 = vector.broadcast %broadcast_in_dim3A_1276 : f32 to vector<16xf32>
    %swap3A_1278 = arith.constant 11 : i32
    %swap3A_1279 = arith.index_cast %swap3A_1278 : i32 to index
    %swap3A_1280 = arith.constant 48 : index
    %swap3A_1281 = tpu.vector_load %arg12[%swap3A_1279, %swap3A_1280] {strides = array<i32>} : memref<32x64xf32, #tpu.memory_space<vmem>>, vector<1x16xf32>,
    %swap3A_1282 = vector.shape_cast %swap3A_1281 : vector<1x16xf32> to vector<16xf32>
    %swap3A_1283 = vector.shape_cast %broadcast_in_dim3A_1277 : vector<16xf32> to vector<1x16xf32>
    tpu.vector_store %arg12[%swap3A_1279, %swap3A_1280], %swap3A_1283 {strides = array<i32>} : memref<32x64xf32, #tpu.memory_space<vmem>>, vector<1x16xf32>,
    %broadcast_in_dim3A_1284 = arith.constant 0.000000e+00 : f32
    %broadcast_in_dim3A_1285 = vector.broadcast %broadcast_in_dim3A_1284 : f32 to vector<16xf32>
    %swap3A_1286 = arith.constant 12 : i32
    %swap3A_1287 = arith.index_cast %swap3A_1286 : i32 to index
    %swap3A_1288 = arith.constant 0 : index
    %swap3A_1289 = tpu.vector_load %arg12[%swap3A_1287, %swap3A_1288] {strides = array<i32>} : memref<32x64xf32, #tpu.memory_space<vmem>>, vector<1x16xf32>,
    %swap3A_1290 = vector.shape_cast %swap3A_1289 : vector<1x16xf32> to vector<16xf32>
    %swap3A_1291 = vector.shape_cast %broadcast_in_dim3A_1285 : vector<16xf32> to vector<1x16xf32>
    tpu.vector_store %arg12[%swap3A_1287, %swap3A_1288], %swap3A_1291 {strides = array<i32>} : memref<32x64xf32, #tpu.memory_space<vmem>>, vector<1x16xf32>,
    %broadcast_in_dim3A_1292 = arith.constant 0.000000e+00 : f32
    %broadcast_in_dim3A_1293 = vector.broadcast %broadcast_in_dim3A_1292 : f32 to vector<16xf32>
    %swap3A_1294 = arith.constant 12 : i32
    %swap3A_1295 = arith.index_cast %swap3A_1294 : i32 to index
    %swap3A_1296 = arith.constant 16 : index
    %swap3A_1297 = tpu.vector_load %arg12[%swap3A_1295, %swap3A_1296] {strides = array<i32>} : memref<32x64xf32, #tpu.memory_space<vmem>>, vector<1x16xf32>,
    %swap3A_1298 = vector.shape_cast %swap3A_1297 : vector<1x16xf32> to vector<16xf32>
    %swap3A_1299 = vector.shape_cast %broadcast_in_dim3A_1293 : vector<16xf32> to vector<1x16xf32>
    tpu.vector_store %arg12[%swap3A_1295, %swap3A_1296], %swap3A_1299 {strides = array<i32>} : memref<32x64xf32, #tpu.memory_space<vmem>>, vector<1x16xf32>,
    %broadcast_in_dim3A_1300 = arith.constant 0.000000e+00 : f32
    %broadcast_in_dim3A_1301 = vector.broadcast %broadcast_in_dim3A_1300 : f32 to vector<16xf32>
    %swap3A_1302 = arith.constant 12 : i32
    %swap3A_1303 = arith.index_cast %swap3A_1302 : i32 to index
    %swap3A_1304 = arith.constant 32 : index
    %swap3A_1305 = tpu.vector_load %arg12[%swap3A_1303, %swap3A_1304] {strides = array<i32>} : memref<32x64xf32, #tpu.memory_space<vmem>>, vector<1x16xf32>,
    %swap3A_1306 = vector.shape_cast %swap3A_1305 : vector<1x16xf32> to vector<16xf32>
    %swap3A_1307 = vector.shape_cast %broadcast_in_dim3A_1301 : vector<16xf32> to vector<1x16xf32>
    tpu.vector_store %arg12[%swap3A_1303, %swap3A_1304], %swap3A_1307 {strides = array<i32>} : memref<32x64xf32, #tpu.memory_space<vmem>>, vector<1x16xf32>,
    %broadcast_in_dim3A_1308 = arith.constant 0.000000e+00 : f32
    %broadcast_in_dim3A_1309 = vector.broadcast %broadcast_in_dim3A_1308 : f32 to vector<16xf32>
    %swap3A_1310 = arith.constant 12 : i32
    %swap3A_1311 = arith.index_cast %swap3A_1310 : i32 to index
    %swap3A_1312 = arith.constant 48 : index
    %swap3A_1313 = tpu.vector_load %arg12[%swap3A_1311, %swap3A_1312] {strides = array<i32>} : memref<32x64xf32, #tpu.memory_space<vmem>>, vector<1x16xf32>,
    %swap3A_1314 = vector.shape_cast %swap3A_1313 : vector<1x16xf32> to vector<16xf32>
    %swap3A_1315 = vector.shape_cast %broadcast_in_dim3A_1309 : vector<16xf32> to vector<1x16xf32>
    tpu.vector_store %arg12[%swap3A_1311, %swap3A_1312], %swap3A_1315 {strides = array<i32>} : memref<32x64xf32, #tpu.memory_space<vmem>>, vector<1x16xf32>,
    %broadcast_in_dim3A_1316 = arith.constant 0.000000e+00 : f32
    %broadcast_in_dim3A_1317 = vector.broadcast %broadcast_in_dim3A_1316 : f32 to vector<16xf32>
    %swap3A_1318 = arith.constant 13 : i32
    %swap3A_1319 = arith.index_cast %swap3A_1318 : i32 to index
    %swap3A_1320 = arith.constant 0 : index
    %swap3A_1321 = tpu.vector_load %arg12[%swap3A_1319, %swap3A_1320] {strides = array<i32>} : memref<32x64xf32, #tpu.memory_space<vmem>>, vector<1x16xf32>,
    %swap3A_1322 = vector.shape_cast %swap3A_1321 : vector<1x16xf32> to vector<16xf32>
    %swap3A_1323 = vector.shape_cast %broadcast_in_dim3A_1317 : vector<16xf32> to vector<1x16xf32>
    tpu.vector_store %arg12[%swap3A_1319, %swap3A_1320], %swap3A_1323 {strides = array<i32>} : memref<32x64xf32, #tpu.memory_space<vmem>>, vector<1x16xf32>,
    %broadcast_in_dim3A_1324 = arith.constant 0.000000e+00 : f32
    %broadcast_in_dim3A_1325 = vector.broadcast %broadcast_in_dim3A_1324 : f32 to vector<16xf32>
    %swap3A_1326 = arith.constant 13 : i32
    %swap3A_1327 = arith.index_cast %swap3A_1326 : i32 to index
    %swap3A_1328 = arith.constant 16 : index
    %swap3A_1329 = tpu.vector_load %arg12[%swap3A_1327, %swap3A_1328] {strides = array<i32>} : memref<32x64xf32, #tpu.memory_space<vmem>>, vector<1x16xf32>,
    %swap3A_1330 = vector.shape_cast %swap3A_1329 : vector<1x16xf32> to vector<16xf32>
    %swap3A_1331 = vector.shape_cast %broadcast_in_dim3A_1325 : vector<16xf32> to vector<1x16xf32>
    tpu.vector_store %arg12[%swap3A_1327, %swap3A_1328], %swap3A_1331 {strides = array<i32>} : memref<32x64xf32, #tpu.memory_space<vmem>>, vector<1x16xf32>,
    %broadcast_in_dim3A_1332 = arith.constant 0.000000e+00 : f32
    %broadcast_in_dim3A_1333 = vector.broadcast %broadcast_in_dim3A_1332 : f32 to vector<16xf32>
    %swap3A_1334 = arith.constant 13 : i32
    %swap3A_1335 = arith.index_cast %swap3A_1334 : i32 to index
    %swap3A_1336 = arith.constant 32 : index
    %swap3A_1337 = tpu.vector_load %arg12[%swap3A_1335, %swap3A_1336] {strides = array<i32>} : memref<32x64xf32, #tpu.memory_space<vmem>>, vector<1x16xf32>,
    %swap3A_1338 = vector.shape_cast %swap3A_1337 : vector<1x16xf32> to vector<16xf32>
    %swap3A_1339 = vector.shape_cast %broadcast_in_dim3A_1333 : vector<16xf32> to vector<1x16xf32>
    tpu.vector_store %arg12[%swap3A_1335, %swap3A_1336], %swap3A_1339 {strides = array<i32>} : memref<32x64xf32, #tpu.memory_space<vmem>>, vector<1x16xf32>,
    %broadcast_in_dim3A_1340 = arith.constant 0.000000e+00 : f32
    %broadcast_in_dim3A_1341 = vector.broadcast %broadcast_in_dim3A_1340 : f32 to vector<16xf32>
    %swap3A_1342 = arith.constant 13 : i32
    %swap3A_1343 = arith.index_cast %swap3A_1342 : i32 to index
    %swap3A_1344 = arith.constant 48 : index
    %swap3A_1345 = tpu.vector_load %arg12[%swap3A_1343, %swap3A_1344] {strides = array<i32>} : memref<32x64xf32, #tpu.memory_space<vmem>>, vector<1x16xf32>,
    %swap3A_1346 = vector.shape_cast %swap3A_1345 : vector<1x16xf32> to vector<16xf32>
    %swap3A_1347 = vector.shape_cast %broadcast_in_dim3A_1341 : vector<16xf32> to vector<1x16xf32>
    tpu.vector_store %arg12[%swap3A_1343, %swap3A_1344], %swap3A_1347 {strides = array<i32>} : memref<32x64xf32, #tpu.memory_space<vmem>>, vector<1x16xf32>,
    %broadcast_in_dim3A_1348 = arith.constant 0.000000e+00 : f32
    %broadcast_in_dim3A_1349 = vector.broadcast %broadcast_in_dim3A_1348 : f32 to vector<16xf32>
    %swap3A_1350 = arith.constant 14 : i32
    %swap3A_1351 = arith.index_cast %swap3A_1350 : i32 to index
    %swap3A_1352 = arith.constant 0 : index
    %swap3A_1353 = tpu.vector_load %arg12[%swap3A_1351, %swap3A_1352] {strides = array<i32>} : memref<32x64xf32, #tpu.memory_space<vmem>>, vector<1x16xf32>,
    %swap3A_1354 = vector.shape_cast %swap3A_1353 : vector<1x16xf32> to vector<16xf32>
    %swap3A_1355 = vector.shape_cast %broadcast_in_dim3A_1349 : vector<16xf32> to vector<1x16xf32>
    tpu.vector_store %arg12[%swap3A_1351, %swap3A_1352], %swap3A_1355 {strides = array<i32>} : memref<32x64xf32, #tpu.memory_space<vmem>>, vector<1x16xf32>,
    %broadcast_in_dim3A_1356 = arith.constant 0.000000e+00 : f32
    %broadcast_in_dim3A_1357 = vector.broadcast %broadcast_in_dim3A_1356 : f32 to vector<16xf32>
    %swap3A_1358 = arith.constant 14 : i32
    %swap3A_1359 = arith.index_cast %swap3A_1358 : i32 to index
    %swap3A_1360 = arith.constant 16 : index
    %swap3A_1361 = tpu.vector_load %arg12[%swap3A_1359, %swap3A_1360] {strides = array<i32>} : memref<32x64xf32, #tpu.memory_space<vmem>>, vector<1x16xf32>,
    %swap3A_1362 = vector.shape_cast %swap3A_1361 : vector<1x16xf32> to vector<16xf32>
    %swap3A_1363 = vector.shape_cast %broadcast_in_dim3A_1357 : vector<16xf32> to vector<1x16xf32>
    tpu.vector_store %arg12[%swap3A_1359, %swap3A_1360], %swap3A_1363 {strides = array<i32>} : memref<32x64xf32, #tpu.memory_space<vmem>>, vector<1x16xf32>,
    %broadcast_in_dim3A_1364 = arith.constant 0.000000e+00 : f32
    %broadcast_in_dim3A_1365 = vector.broadcast %broadcast_in_dim3A_1364 : f32 to vector<16xf32>
    %swap3A_1366 = arith.constant 14 : i32
    %swap3A_1367 = arith.index_cast %swap3A_1366 : i32 to index
    %swap3A_1368 = arith.constant 32 : index
    %swap3A_1369 = tpu.vector_load %arg12[%swap3A_1367, %swap3A_1368] {strides = array<i32>} : memref<32x64xf32, #tpu.memory_space<vmem>>, vector<1x16xf32>,
    %swap3A_1370 = vector.shape_cast %swap3A_1369 : vector<1x16xf32> to vector<16xf32>
    %swap3A_1371 = vector.shape_cast %broadcast_in_dim3A_1365 : vector<16xf32> to vector<1x16xf32>
    tpu.vector_store %arg12[%swap3A_1367, %swap3A_1368], %swap3A_1371 {strides = array<i32>} : memref<32x64xf32, #tpu.memory_space<vmem>>, vector<1x16xf32>,
    %broadcast_in_dim3A_1372 = arith.constant 0.000000e+00 : f32
    %broadcast_in_dim3A_1373 = vector.broadcast %broadcast_in_dim3A_1372 : f32 to vector<16xf32>
    %swap3A_1374 = arith.constant 14 : i32
    %swap3A_1375 = arith.index_cast %swap3A_1374 : i32 to index
    %swap3A_1376 = arith.constant 48 : index
    %swap3A_1377 = tpu.vector_load %arg12[%swap3A_1375, %swap3A_1376] {strides = array<i32>} : memref<32x64xf32, #tpu.memory_space<vmem>>, vector<1x16xf32>,
    %swap3A_1378 = vector.shape_cast %swap3A_1377 : vector<1x16xf32> to vector<16xf32>
    %swap3A_1379 = vector.shape_cast %broadcast_in_dim3A_1373 : vector<16xf32> to vector<1x16xf32>
    tpu.vector_store %arg12[%swap3A_1375, %swap3A_1376], %swap3A_1379 {strides = array<i32>} : memref<32x64xf32, #tpu.memory_space<vmem>>, vector<1x16xf32>,
    %broadcast_in_dim3A_1380 = arith.constant 0.000000e+00 : f32
    %broadcast_in_dim3A_1381 = vector.broadcast %broadcast_in_dim3A_1380 : f32 to vector<16xf32>
    %swap3A_1382 = arith.constant 15 : i32
    %swap3A_1383 = arith.index_cast %swap3A_1382 : i32 to index
    %swap3A_1384 = arith.constant 0 : index
    %swap3A_1385 = tpu.vector_load %arg12[%swap3A_1383, %swap3A_1384] {strides = array<i32>} : memref<32x64xf32, #tpu.memory_space<vmem>>, vector<1x16xf32>,
    %swap3A_1386 = vector.shape_cast %swap3A_1385 : vector<1x16xf32> to vector<16xf32>
    %swap3A_1387 = vector.shape_cast %broadcast_in_dim3A_1381 : vector<16xf32> to vector<1x16xf32>
    tpu.vector_store %arg12[%swap3A_1383, %swap3A_1384], %swap3A_1387 {strides = array<i32>} : memref<32x64xf32, #tpu.memory_space<vmem>>, vector<1x16xf32>,
    %broadcast_in_dim3A_1388 = arith.constant 0.000000e+00 : f32
    %broadcast_in_dim3A_1389 = vector.broadcast %broadcast_in_dim3A_1388 : f32 to vector<16xf32>
    %swap3A_1390 = arith.constant 15 : i32
    %swap3A_1391 = arith.index_cast %swap3A_1390 : i32 to index
    %swap3A_1392 = arith.constant 16 : index
    %swap3A_1393 = tpu.vector_load %arg12[%swap3A_1391, %swap3A_1392] {strides = array<i32>} : memref<32x64xf32, #tpu.memory_space<vmem>>, vector<1x16xf32>,
    %swap3A_1394 = vector.shape_cast %swap3A_1393 : vector<1x16xf32> to vector<16xf32>
    %swap3A_1395 = vector.shape_cast %broadcast_in_dim3A_1389 : vector<16xf32> to vector<1x16xf32>
    tpu.vector_store %arg12[%swap3A_1391, %swap3A_1392], %swap3A_1395 {strides = array<i32>} : memref<32x64xf32, #tpu.memory_space<vmem>>, vector<1x16xf32>,
    %broadcast_in_dim3A_1396 = arith.constant 0.000000e+00 : f32
    %broadcast_in_dim3A_1397 = vector.broadcast %broadcast_in_dim3A_1396 : f32 to vector<16xf32>
    %swap3A_1398 = arith.constant 15 : i32
    %swap3A_1399 = arith.index_cast %swap3A_1398 : i32 to index
    %swap3A_1400 = arith.constant 32 : index
    %swap3A_1401 = tpu.vector_load %arg12[%swap3A_1399, %swap3A_1400] {strides = array<i32>} : memref<32x64xf32, #tpu.memory_space<vmem>>, vector<1x16xf32>,
    %swap3A_1402 = vector.shape_cast %swap3A_1401 : vector<1x16xf32> to vector<16xf32>
    %swap3A_1403 = vector.shape_cast %broadcast_in_dim3A_1397 : vector<16xf32> to vector<1x16xf32>
    tpu.vector_store %arg12[%swap3A_1399, %swap3A_1400], %swap3A_1403 {strides = array<i32>} : memref<32x64xf32, #tpu.memory_space<vmem>>, vector<1x16xf32>,
    %broadcast_in_dim3A_1404 = arith.constant 0.000000e+00 : f32
    %broadcast_in_dim3A_1405 = vector.broadcast %broadcast_in_dim3A_1404 : f32 to vector<16xf32>
    %swap3A_1406 = arith.constant 15 : i32
    %swap3A_1407 = arith.index_cast %swap3A_1406 : i32 to index
    %swap3A_1408 = arith.constant 48 : index
    %swap3A_1409 = tpu.vector_load %arg12[%swap3A_1407, %swap3A_1408] {strides = array<i32>} : memref<32x64xf32, #tpu.memory_space<vmem>>, vector<1x16xf32>,
    %swap3A_1410 = vector.shape_cast %swap3A_1409 : vector<1x16xf32> to vector<16xf32>
    %swap3A_1411 = vector.shape_cast %broadcast_in_dim3A_1405 : vector<16xf32> to vector<1x16xf32>
    tpu.vector_store %arg12[%swap3A_1407, %swap3A_1408], %swap3A_1411 {strides = array<i32>} : memref<32x64xf32, #tpu.memory_space<vmem>>, vector<1x16xf32>,
    %broadcast_in_dim3A_1412 = arith.constant 0.000000e+00 : f32
    %broadcast_in_dim3A_1413 = vector.broadcast %broadcast_in_dim3A_1412 : f32 to vector<16xf32>
    %swap3A_1414 = arith.constant 16 : i32
    %swap3A_1415 = arith.index_cast %swap3A_1414 : i32 to index
    %swap3A_1416 = arith.constant 0 : index
    %swap3A_1417 = tpu.vector_load %arg12[%swap3A_1415, %swap3A_1416] {strides = array<i32>} : memref<32x64xf32, #tpu.memory_space<vmem>>, vector<1x16xf32>,
    %swap3A_1418 = vector.shape_cast %swap3A_1417 : vector<1x16xf32> to vector<16xf32>
    %swap3A_1419 = vector.shape_cast %broadcast_in_dim3A_1413 : vector<16xf32> to vector<1x16xf32>
    tpu.vector_store %arg12[%swap3A_1415, %swap3A_1416], %swap3A_1419 {strides = array<i32>} : memref<32x64xf32, #tpu.memory_space<vmem>>, vector<1x16xf32>,
    %broadcast_in_dim3A_1420 = arith.constant 0.000000e+00 : f32
    %broadcast_in_dim3A_1421 = vector.broadcast %broadcast_in_dim3A_1420 : f32 to vector<16xf32>
    %swap3A_1422 = arith.constant 16 : i32
    %swap3A_1423 = arith.index_cast %swap3A_1422 : i32 to index
    %swap3A_1424 = arith.constant 16 : index
    %swap3A_1425 = tpu.vector_load %arg12[%swap3A_1423, %swap3A_1424] {strides = array<i32>} : memref<32x64xf32, #tpu.memory_space<vmem>>, vector<1x16xf32>,
    %swap3A_1426 = vector.shape_cast %swap3A_1425 : vector<1x16xf32> to vector<16xf32>
    %swap3A_1427 = vector.shape_cast %broadcast_in_dim3A_1421 : vector<16xf32> to vector<1x16xf32>
    tpu.vector_store %arg12[%swap3A_1423, %swap3A_1424], %swap3A_1427 {strides = array<i32>} : memref<32x64xf32, #tpu.memory_space<vmem>>, vector<1x16xf32>,
    %broadcast_in_dim3A_1428 = arith.constant 0.000000e+00 : f32
    %broadcast_in_dim3A_1429 = vector.broadcast %broadcast_in_dim3A_1428 : f32 to vector<16xf32>
    %swap3A_1430 = arith.constant 16 : i32
    %swap3A_1431 = arith.index_cast %swap3A_1430 : i32 to index
    %swap3A_1432 = arith.constant 32 : index
    %swap3A_1433 = tpu.vector_load %arg12[%swap3A_1431, %swap3A_1432] {strides = array<i32>} : memref<32x64xf32, #tpu.memory_space<vmem>>, vector<1x16xf32>,
    %swap3A_1434 = vector.shape_cast %swap3A_1433 : vector<1x16xf32> to vector<16xf32>
    %swap3A_1435 = vector.shape_cast %broadcast_in_dim3A_1429 : vector<16xf32> to vector<1x16xf32>
    tpu.vector_store %arg12[%swap3A_1431, %swap3A_1432], %swap3A_1435 {strides = array<i32>} : memref<32x64xf32, #tpu.memory_space<vmem>>, vector<1x16xf32>,
    %broadcast_in_dim3A_1436 = arith.constant 0.000000e+00 : f32
    %broadcast_in_dim3A_1437 = vector.broadcast %broadcast_in_dim3A_1436 : f32 to vector<16xf32>
    %swap3A_1438 = arith.constant 16 : i32
    %swap3A_1439 = arith.index_cast %swap3A_1438 : i32 to index
    %swap3A_1440 = arith.constant 48 : index
    %swap3A_1441 = tpu.vector_load %arg12[%swap3A_1439, %swap3A_1440] {strides = array<i32>} : memref<32x64xf32, #tpu.memory_space<vmem>>, vector<1x16xf32>,
    %swap3A_1442 = vector.shape_cast %swap3A_1441 : vector<1x16xf32> to vector<16xf32>
    %swap3A_1443 = vector.shape_cast %broadcast_in_dim3A_1437 : vector<16xf32> to vector<1x16xf32>
    tpu.vector_store %arg12[%swap3A_1439, %swap3A_1440], %swap3A_1443 {strides = array<i32>} : memref<32x64xf32, #tpu.memory_space<vmem>>, vector<1x16xf32>,
    %broadcast_in_dim3A_1444 = arith.constant 0.000000e+00 : f32
    %broadcast_in_dim3A_1445 = vector.broadcast %broadcast_in_dim3A_1444 : f32 to vector<16xf32>
    %swap3A_1446 = arith.constant 17 : i32
    %swap3A_1447 = arith.index_cast %swap3A_1446 : i32 to index
    %swap3A_1448 = arith.constant 0 : index
    %swap3A_1449 = tpu.vector_load %arg12[%swap3A_1447, %swap3A_1448] {strides = array<i32>} : memref<32x64xf32, #tpu.memory_space<vmem>>, vector<1x16xf32>,
    %swap3A_1450 = vector.shape_cast %swap3A_1449 : vector<1x16xf32> to vector<16xf32>
    %swap3A_1451 = vector.shape_cast %broadcast_in_dim3A_1445 : vector<16xf32> to vector<1x16xf32>
    tpu.vector_store %arg12[%swap3A_1447, %swap3A_1448], %swap3A_1451 {strides = array<i32>} : memref<32x64xf32, #tpu.memory_space<vmem>>, vector<1x16xf32>,
    %broadcast_in_dim3A_1452 = arith.constant 0.000000e+00 : f32
    %broadcast_in_dim3A_1453 = vector.broadcast %broadcast_in_dim3A_1452 : f32 to vector<16xf32>
    %swap3A_1454 = arith.constant 17 : i32
    %swap3A_1455 = arith.index_cast %swap3A_1454 : i32 to index
    %swap3A_1456 = arith.constant 16 : index
    %swap3A_1457 = tpu.vector_load %arg12[%swap3A_1455, %swap3A_1456] {strides = array<i32>} : memref<32x64xf32, #tpu.memory_space<vmem>>, vector<1x16xf32>,
    %swap3A_1458 = vector.shape_cast %swap3A_1457 : vector<1x16xf32> to vector<16xf32>
    %swap3A_1459 = vector.shape_cast %broadcast_in_dim3A_1453 : vector<16xf32> to vector<1x16xf32>
    tpu.vector_store %arg12[%swap3A_1455, %swap3A_1456], %swap3A_1459 {strides = array<i32>} : memref<32x64xf32, #tpu.memory_space<vmem>>, vector<1x16xf32>,
    %broadcast_in_dim3A_1460 = arith.constant 0.000000e+00 : f32
    %broadcast_in_dim3A_1461 = vector.broadcast %broadcast_in_dim3A_1460 : f32 to vector<16xf32>
    %swap3A_1462 = arith.constant 17 : i32
    %swap3A_1463 = arith.index_cast %swap3A_1462 : i32 to index
    %swap3A_1464 = arith.constant 32 : index
    %swap3A_1465 = tpu.vector_load %arg12[%swap3A_1463, %swap3A_1464] {strides = array<i32>} : memref<32x64xf32, #tpu.memory_space<vmem>>, vector<1x16xf32>,
    %swap3A_1466 = vector.shape_cast %swap3A_1465 : vector<1x16xf32> to vector<16xf32>
    %swap3A_1467 = vector.shape_cast %broadcast_in_dim3A_1461 : vector<16xf32> to vector<1x16xf32>
    tpu.vector_store %arg12[%swap3A_1463, %swap3A_1464], %swap3A_1467 {strides = array<i32>} : memref<32x64xf32, #tpu.memory_space<vmem>>, vector<1x16xf32>,
    %broadcast_in_dim3A_1468 = arith.constant 0.000000e+00 : f32
    %broadcast_in_dim3A_1469 = vector.broadcast %broadcast_in_dim3A_1468 : f32 to vector<16xf32>
    %swap3A_1470 = arith.constant 17 : i32
    %swap3A_1471 = arith.index_cast %swap3A_1470 : i32 to index
    %swap3A_1472 = arith.constant 48 : index
    %swap3A_1473 = tpu.vector_load %arg12[%swap3A_1471, %swap3A_1472] {strides = array<i32>} : memref<32x64xf32, #tpu.memory_space<vmem>>, vector<1x16xf32>,
    %swap3A_1474 = vector.shape_cast %swap3A_1473 : vector<1x16xf32> to vector<16xf32>
    %swap3A_1475 = vector.shape_cast %broadcast_in_dim3A_1469 : vector<16xf32> to vector<1x16xf32>
    tpu.vector_store %arg12[%swap3A_1471, %swap3A_1472], %swap3A_1475 {strides = array<i32>} : memref<32x64xf32, #tpu.memory_space<vmem>>, vector<1x16xf32>,
    %broadcast_in_dim3A_1476 = arith.constant 0.000000e+00 : f32
    %broadcast_in_dim3A_1477 = vector.broadcast %broadcast_in_dim3A_1476 : f32 to vector<16xf32>
    %swap3A_1478 = arith.constant 18 : i32
    %swap3A_1479 = arith.index_cast %swap3A_1478 : i32 to index
    %swap3A_1480 = arith.constant 0 : index
    %swap3A_1481 = tpu.vector_load %arg12[%swap3A_1479, %swap3A_1480] {strides = array<i32>} : memref<32x64xf32, #tpu.memory_space<vmem>>, vector<1x16xf32>,
    %swap3A_1482 = vector.shape_cast %swap3A_1481 : vector<1x16xf32> to vector<16xf32>
    %swap3A_1483 = vector.shape_cast %broadcast_in_dim3A_1477 : vector<16xf32> to vector<1x16xf32>
    tpu.vector_store %arg12[%swap3A_1479, %swap3A_1480], %swap3A_1483 {strides = array<i32>} : memref<32x64xf32, #tpu.memory_space<vmem>>, vector<1x16xf32>,
    %broadcast_in_dim3A_1484 = arith.constant 0.000000e+00 : f32
    %broadcast_in_dim3A_1485 = vector.broadcast %broadcast_in_dim3A_1484 : f32 to vector<16xf32>
    %swap3A_1486 = arith.constant 18 : i32
    %swap3A_1487 = arith.index_cast %swap3A_1486 : i32 to index
    %swap3A_1488 = arith.constant 16 : index
    %swap3A_1489 = tpu.vector_load %arg12[%swap3A_1487, %swap3A_1488] {strides = array<i32>} : memref<32x64xf32, #tpu.memory_space<vmem>>, vector<1x16xf32>,
    %swap3A_1490 = vector.shape_cast %swap3A_1489 : vector<1x16xf32> to vector<16xf32>
    %swap3A_1491 = vector.shape_cast %broadcast_in_dim3A_1485 : vector<16xf32> to vector<1x16xf32>
    tpu.vector_store %arg12[%swap3A_1487, %swap3A_1488], %swap3A_1491 {strides = array<i32>} : memref<32x64xf32, #tpu.memory_space<vmem>>, vector<1x16xf32>,
    %broadcast_in_dim3A_1492 = arith.constant 0.000000e+00 : f32
    %broadcast_in_dim3A_1493 = vector.broadcast %broadcast_in_dim3A_1492 : f32 to vector<16xf32>
    %swap3A_1494 = arith.constant 18 : i32
    %swap3A_1495 = arith.index_cast %swap3A_1494 : i32 to index
    %swap3A_1496 = arith.constant 32 : index
    %swap3A_1497 = tpu.vector_load %arg12[%swap3A_1495, %swap3A_1496] {strides = array<i32>} : memref<32x64xf32, #tpu.memory_space<vmem>>, vector<1x16xf32>,
    %swap3A_1498 = vector.shape_cast %swap3A_1497 : vector<1x16xf32> to vector<16xf32>
    %swap3A_1499 = vector.shape_cast %broadcast_in_dim3A_1493 : vector<16xf32> to vector<1x16xf32>
    tpu.vector_store %arg12[%swap3A_1495, %swap3A_1496], %swap3A_1499 {strides = array<i32>} : memref<32x64xf32, #tpu.memory_space<vmem>>, vector<1x16xf32>,
    %broadcast_in_dim3A_1500 = arith.constant 0.000000e+00 : f32
    %broadcast_in_dim3A_1501 = vector.broadcast %broadcast_in_dim3A_1500 : f32 to vector<16xf32>
    %swap3A_1502 = arith.constant 18 : i32
    %swap3A_1503 = arith.index_cast %swap3A_1502 : i32 to index
    %swap3A_1504 = arith.constant 48 : index
    %swap3A_1505 = tpu.vector_load %arg12[%swap3A_1503, %swap3A_1504] {strides = array<i32>} : memref<32x64xf32, #tpu.memory_space<vmem>>, vector<1x16xf32>,
    %swap3A_1506 = vector.shape_cast %swap3A_1505 : vector<1x16xf32> to vector<16xf32>
    %swap3A_1507 = vector.shape_cast %broadcast_in_dim3A_1501 : vector<16xf32> to vector<1x16xf32>
    tpu.vector_store %arg12[%swap3A_1503, %swap3A_1504], %swap3A_1507 {strides = array<i32>} : memref<32x64xf32, #tpu.memory_space<vmem>>, vector<1x16xf32>,
    %broadcast_in_dim3A_1508 = arith.constant 0.000000e+00 : f32
    %broadcast_in_dim3A_1509 = vector.broadcast %broadcast_in_dim3A_1508 : f32 to vector<16xf32>
    %swap3A_1510 = arith.constant 19 : i32
    %swap3A_1511 = arith.index_cast %swap3A_1510 : i32 to index
    %swap3A_1512 = arith.constant 0 : index
    %swap3A_1513 = tpu.vector_load %arg12[%swap3A_1511, %swap3A_1512] {strides = array<i32>} : memref<32x64xf32, #tpu.memory_space<vmem>>, vector<1x16xf32>,
    %swap3A_1514 = vector.shape_cast %swap3A_1513 : vector<1x16xf32> to vector<16xf32>
    %swap3A_1515 = vector.shape_cast %broadcast_in_dim3A_1509 : vector<16xf32> to vector<1x16xf32>
    tpu.vector_store %arg12[%swap3A_1511, %swap3A_1512], %swap3A_1515 {strides = array<i32>} : memref<32x64xf32, #tpu.memory_space<vmem>>, vector<1x16xf32>,
    %broadcast_in_dim3A_1516 = arith.constant 0.000000e+00 : f32
    %broadcast_in_dim3A_1517 = vector.broadcast %broadcast_in_dim3A_1516 : f32 to vector<16xf32>
    %swap3A_1518 = arith.constant 19 : i32
    %swap3A_1519 = arith.index_cast %swap3A_1518 : i32 to index
    %swap3A_1520 = arith.constant 16 : index
    %swap3A_1521 = tpu.vector_load %arg12[%swap3A_1519, %swap3A_1520] {strides = array<i32>} : memref<32x64xf32, #tpu.memory_space<vmem>>, vector<1x16xf32>,
    %swap3A_1522 = vector.shape_cast %swap3A_1521 : vector<1x16xf32> to vector<16xf32>
    %swap3A_1523 = vector.shape_cast %broadcast_in_dim3A_1517 : vector<16xf32> to vector<1x16xf32>
    tpu.vector_store %arg12[%swap3A_1519, %swap3A_1520], %swap3A_1523 {strides = array<i32>} : memref<32x64xf32, #tpu.memory_space<vmem>>, vector<1x16xf32>,
    %broadcast_in_dim3A_1524 = arith.constant 0.000000e+00 : f32
    %broadcast_in_dim3A_1525 = vector.broadcast %broadcast_in_dim3A_1524 : f32 to vector<16xf32>
    %swap3A_1526 = arith.constant 19 : i32
    %swap3A_1527 = arith.index_cast %swap3A_1526 : i32 to index
    %swap3A_1528 = arith.constant 32 : index
    %swap3A_1529 = tpu.vector_load %arg12[%swap3A_1527, %swap3A_1528] {strides = array<i32>} : memref<32x64xf32, #tpu.memory_space<vmem>>, vector<1x16xf32>,
    %swap3A_1530 = vector.shape_cast %swap3A_1529 : vector<1x16xf32> to vector<16xf32>
    %swap3A_1531 = vector.shape_cast %broadcast_in_dim3A_1525 : vector<16xf32> to vector<1x16xf32>
    tpu.vector_store %arg12[%swap3A_1527, %swap3A_1528], %swap3A_1531 {strides = array<i32>} : memref<32x64xf32, #tpu.memory_space<vmem>>, vector<1x16xf32>,
    %broadcast_in_dim3A_1532 = arith.constant 0.000000e+00 : f32
    %broadcast_in_dim3A_1533 = vector.broadcast %broadcast_in_dim3A_1532 : f32 to vector<16xf32>
    %swap3A_1534 = arith.constant 19 : i32
    %swap3A_1535 = arith.index_cast %swap3A_1534 : i32 to index
    %swap3A_1536 = arith.constant 48 : index
    %swap3A_1537 = tpu.vector_load %arg12[%swap3A_1535, %swap3A_1536] {strides = array<i32>} : memref<32x64xf32, #tpu.memory_space<vmem>>, vector<1x16xf32>,
    %swap3A_1538 = vector.shape_cast %swap3A_1537 : vector<1x16xf32> to vector<16xf32>
    %swap3A_1539 = vector.shape_cast %broadcast_in_dim3A_1533 : vector<16xf32> to vector<1x16xf32>
    tpu.vector_store %arg12[%swap3A_1535, %swap3A_1536], %swap3A_1539 {strides = array<i32>} : memref<32x64xf32, #tpu.memory_space<vmem>>, vector<1x16xf32>,
    %broadcast_in_dim3A_1540 = arith.constant 0.000000e+00 : f32
    %broadcast_in_dim3A_1541 = vector.broadcast %broadcast_in_dim3A_1540 : f32 to vector<16xf32>
    %swap3A_1542 = arith.constant 20 : i32
    %swap3A_1543 = arith.index_cast %swap3A_1542 : i32 to index
    %swap3A_1544 = arith.constant 0 : index
    %swap3A_1545 = tpu.vector_load %arg12[%swap3A_1543, %swap3A_1544] {strides = array<i32>} : memref<32x64xf32, #tpu.memory_space<vmem>>, vector<1x16xf32>,
    %swap3A_1546 = vector.shape_cast %swap3A_1545 : vector<1x16xf32> to vector<16xf32>
    %swap3A_1547 = vector.shape_cast %broadcast_in_dim3A_1541 : vector<16xf32> to vector<1x16xf32>
    tpu.vector_store %arg12[%swap3A_1543, %swap3A_1544], %swap3A_1547 {strides = array<i32>} : memref<32x64xf32, #tpu.memory_space<vmem>>, vector<1x16xf32>,
    %broadcast_in_dim3A_1548 = arith.constant 0.000000e+00 : f32
    %broadcast_in_dim3A_1549 = vector.broadcast %broadcast_in_dim3A_1548 : f32 to vector<16xf32>
    %swap3A_1550 = arith.constant 20 : i32
    %swap3A_1551 = arith.index_cast %swap3A_1550 : i32 to index
    %swap3A_1552 = arith.constant 16 : index
    %swap3A_1553 = tpu.vector_load %arg12[%swap3A_1551, %swap3A_1552] {strides = array<i32>} : memref<32x64xf32, #tpu.memory_space<vmem>>, vector<1x16xf32>,
    %swap3A_1554 = vector.shape_cast %swap3A_1553 : vector<1x16xf32> to vector<16xf32>
    %swap3A_1555 = vector.shape_cast %broadcast_in_dim3A_1549 : vector<16xf32> to vector<1x16xf32>
    tpu.vector_store %arg12[%swap3A_1551, %swap3A_1552], %swap3A_1555 {strides = array<i32>} : memref<32x64xf32, #tpu.memory_space<vmem>>, vector<1x16xf32>,
    %broadcast_in_dim3A_1556 = arith.constant 0.000000e+00 : f32
    %broadcast_in_dim3A_1557 = vector.broadcast %broadcast_in_dim3A_1556 : f32 to vector<16xf32>
    %swap3A_1558 = arith.constant 20 : i32
    %swap3A_1559 = arith.index_cast %swap3A_1558 : i32 to index
    %swap3A_1560 = arith.constant 32 : index
    %swap3A_1561 = tpu.vector_load %arg12[%swap3A_1559, %swap3A_1560] {strides = array<i32>} : memref<32x64xf32, #tpu.memory_space<vmem>>, vector<1x16xf32>,
    %swap3A_1562 = vector.shape_cast %swap3A_1561 : vector<1x16xf32> to vector<16xf32>
    %swap3A_1563 = vector.shape_cast %broadcast_in_dim3A_1557 : vector<16xf32> to vector<1x16xf32>
    tpu.vector_store %arg12[%swap3A_1559, %swap3A_1560], %swap3A_1563 {strides = array<i32>} : memref<32x64xf32, #tpu.memory_space<vmem>>, vector<1x16xf32>,
    %broadcast_in_dim3A_1564 = arith.constant 0.000000e+00 : f32
    %broadcast_in_dim3A_1565 = vector.broadcast %broadcast_in_dim3A_1564 : f32 to vector<16xf32>
    %swap3A_1566 = arith.constant 20 : i32
    %swap3A_1567 = arith.index_cast %swap3A_1566 : i32 to index
    %swap3A_1568 = arith.constant 48 : index
    %swap3A_1569 = tpu.vector_load %arg12[%swap3A_1567, %swap3A_1568] {strides = array<i32>} : memref<32x64xf32, #tpu.memory_space<vmem>>, vector<1x16xf32>,
    %swap3A_1570 = vector.shape_cast %swap3A_1569 : vector<1x16xf32> to vector<16xf32>
    %swap3A_1571 = vector.shape_cast %broadcast_in_dim3A_1565 : vector<16xf32> to vector<1x16xf32>
    tpu.vector_store %arg12[%swap3A_1567, %swap3A_1568], %swap3A_1571 {strides = array<i32>} : memref<32x64xf32, #tpu.memory_space<vmem>>, vector<1x16xf32>,
    %broadcast_in_dim3A_1572 = arith.constant 0.000000e+00 : f32
    %broadcast_in_dim3A_1573 = vector.broadcast %broadcast_in_dim3A_1572 : f32 to vector<16xf32>
    %swap3A_1574 = arith.constant 21 : i32
    %swap3A_1575 = arith.index_cast %swap3A_1574 : i32 to index
    %swap3A_1576 = arith.constant 0 : index
    %swap3A_1577 = tpu.vector_load %arg12[%swap3A_1575, %swap3A_1576] {strides = array<i32>} : memref<32x64xf32, #tpu.memory_space<vmem>>, vector<1x16xf32>,
    %swap3A_1578 = vector.shape_cast %swap3A_1577 : vector<1x16xf32> to vector<16xf32>
    %swap3A_1579 = vector.shape_cast %broadcast_in_dim3A_1573 : vector<16xf32> to vector<1x16xf32>
    tpu.vector_store %arg12[%swap3A_1575, %swap3A_1576], %swap3A_1579 {strides = array<i32>} : memref<32x64xf32, #tpu.memory_space<vmem>>, vector<1x16xf32>,
    %broadcast_in_dim3A_1580 = arith.constant 0.000000e+00 : f32
    %broadcast_in_dim3A_1581 = vector.broadcast %broadcast_in_dim3A_1580 : f32 to vector<16xf32>
    %swap3A_1582 = arith.constant 21 : i32
    %swap3A_1583 = arith.index_cast %swap3A_1582 : i32 to index
    %swap3A_1584 = arith.constant 16 : index
    %swap3A_1585 = tpu.vector_load %arg12[%swap3A_1583, %swap3A_1584] {strides = array<i32>} : memref<32x64xf32, #tpu.memory_space<vmem>>, vector<1x16xf32>,
    %swap3A_1586 = vector.shape_cast %swap3A_1585 : vector<1x16xf32> to vector<16xf32>
    %swap3A_1587 = vector.shape_cast %broadcast_in_dim3A_1581 : vector<16xf32> to vector<1x16xf32>
    tpu.vector_store %arg12[%swap3A_1583, %swap3A_1584], %swap3A_1587 {strides = array<i32>} : memref<32x64xf32, #tpu.memory_space<vmem>>, vector<1x16xf32>,
    %broadcast_in_dim3A_1588 = arith.constant 0.000000e+00 : f32
    %broadcast_in_dim3A_1589 = vector.broadcast %broadcast_in_dim3A_1588 : f32 to vector<16xf32>
    %swap3A_1590 = arith.constant 21 : i32
    %swap3A_1591 = arith.index_cast %swap3A_1590 : i32 to index
    %swap3A_1592 = arith.constant 32 : index
    %swap3A_1593 = tpu.vector_load %arg12[%swap3A_1591, %swap3A_1592] {strides = array<i32>} : memref<32x64xf32, #tpu.memory_space<vmem>>, vector<1x16xf32>,
    %swap3A_1594 = vector.shape_cast %swap3A_1593 : vector<1x16xf32> to vector<16xf32>
    %swap3A_1595 = vector.shape_cast %broadcast_in_dim3A_1589 : vector<16xf32> to vector<1x16xf32>
    tpu.vector_store %arg12[%swap3A_1591, %swap3A_1592], %swap3A_1595 {strides = array<i32>} : memref<32x64xf32, #tpu.memory_space<vmem>>, vector<1x16xf32>,
    %broadcast_in_dim3A_1596 = arith.constant 0.000000e+00 : f32
    %broadcast_in_dim3A_1597 = vector.broadcast %broadcast_in_dim3A_1596 : f32 to vector<16xf32>
    %swap3A_1598 = arith.constant 21 : i32
    %swap3A_1599 = arith.index_cast %swap3A_1598 : i32 to index
    %swap3A_1600 = arith.constant 48 : index
    %swap3A_1601 = tpu.vector_load %arg12[%swap3A_1599, %swap3A_1600] {strides = array<i32>} : memref<32x64xf32, #tpu.memory_space<vmem>>, vector<1x16xf32>,
    %swap3A_1602 = vector.shape_cast %swap3A_1601 : vector<1x16xf32> to vector<16xf32>
    %swap3A_1603 = vector.shape_cast %broadcast_in_dim3A_1597 : vector<16xf32> to vector<1x16xf32>
    tpu.vector_store %arg12[%swap3A_1599, %swap3A_1600], %swap3A_1603 {strides = array<i32>} : memref<32x64xf32, #tpu.memory_space<vmem>>, vector<1x16xf32>,
    %broadcast_in_dim3A_1604 = arith.constant 0.000000e+00 : f32
    %broadcast_in_dim3A_1605 = vector.broadcast %broadcast_in_dim3A_1604 : f32 to vector<16xf32>
    %swap3A_1606 = arith.constant 22 : i32
    %swap3A_1607 = arith.index_cast %swap3A_1606 : i32 to index
    %swap3A_1608 = arith.constant 0 : index
    %swap3A_1609 = tpu.vector_load %arg12[%swap3A_1607, %swap3A_1608] {strides = array<i32>} : memref<32x64xf32, #tpu.memory_space<vmem>>, vector<1x16xf32>,
    %swap3A_1610 = vector.shape_cast %swap3A_1609 : vector<1x16xf32> to vector<16xf32>
    %swap3A_1611 = vector.shape_cast %broadcast_in_dim3A_1605 : vector<16xf32> to vector<1x16xf32>
    tpu.vector_store %arg12[%swap3A_1607, %swap3A_1608], %swap3A_1611 {strides = array<i32>} : memref<32x64xf32, #tpu.memory_space<vmem>>, vector<1x16xf32>,
    %broadcast_in_dim3A_1612 = arith.constant 0.000000e+00 : f32
    %broadcast_in_dim3A_1613 = vector.broadcast %broadcast_in_dim3A_1612 : f32 to vector<16xf32>
    %swap3A_1614 = arith.constant 22 : i32
    %swap3A_1615 = arith.index_cast %swap3A_1614 : i32 to index
    %swap3A_1616 = arith.constant 16 : index
    %swap3A_1617 = tpu.vector_load %arg12[%swap3A_1615, %swap3A_1616] {strides = array<i32>} : memref<32x64xf32, #tpu.memory_space<vmem>>, vector<1x16xf32>,
    %swap3A_1618 = vector.shape_cast %swap3A_1617 : vector<1x16xf32> to vector<16xf32>
    %swap3A_1619 = vector.shape_cast %broadcast_in_dim3A_1613 : vector<16xf32> to vector<1x16xf32>
    tpu.vector_store %arg12[%swap3A_1615, %swap3A_1616], %swap3A_1619 {strides = array<i32>} : memref<32x64xf32, #tpu.memory_space<vmem>>, vector<1x16xf32>,
    %broadcast_in_dim3A_1620 = arith.constant 0.000000e+00 : f32
    %broadcast_in_dim3A_1621 = vector.broadcast %broadcast_in_dim3A_1620 : f32 to vector<16xf32>
    %swap3A_1622 = arith.constant 22 : i32
    %swap3A_1623 = arith.index_cast %swap3A_1622 : i32 to index
    %swap3A_1624 = arith.constant 32 : index
    %swap3A_1625 = tpu.vector_load %arg12[%swap3A_1623, %swap3A_1624] {strides = array<i32>} : memref<32x64xf32, #tpu.memory_space<vmem>>, vector<1x16xf32>,
    %swap3A_1626 = vector.shape_cast %swap3A_1625 : vector<1x16xf32> to vector<16xf32>
    %swap3A_1627 = vector.shape_cast %broadcast_in_dim3A_1621 : vector<16xf32> to vector<1x16xf32>
    tpu.vector_store %arg12[%swap3A_1623, %swap3A_1624], %swap3A_1627 {strides = array<i32>} : memref<32x64xf32, #tpu.memory_space<vmem>>, vector<1x16xf32>,
    %broadcast_in_dim3A_1628 = arith.constant 0.000000e+00 : f32
    %broadcast_in_dim3A_1629 = vector.broadcast %broadcast_in_dim3A_1628 : f32 to vector<16xf32>
    %swap3A_1630 = arith.constant 22 : i32
    %swap3A_1631 = arith.index_cast %swap3A_1630 : i32 to index
    %swap3A_1632 = arith.constant 48 : index
    %swap3A_1633 = tpu.vector_load %arg12[%swap3A_1631, %swap3A_1632] {strides = array<i32>} : memref<32x64xf32, #tpu.memory_space<vmem>>, vector<1x16xf32>,
    %swap3A_1634 = vector.shape_cast %swap3A_1633 : vector<1x16xf32> to vector<16xf32>
    %swap3A_1635 = vector.shape_cast %broadcast_in_dim3A_1629 : vector<16xf32> to vector<1x16xf32>
    tpu.vector_store %arg12[%swap3A_1631, %swap3A_1632], %swap3A_1635 {strides = array<i32>} : memref<32x64xf32, #tpu.memory_space<vmem>>, vector<1x16xf32>,
    %broadcast_in_dim3A_1636 = arith.constant 0.000000e+00 : f32
    %broadcast_in_dim3A_1637 = vector.broadcast %broadcast_in_dim3A_1636 : f32 to vector<16xf32>
    %swap3A_1638 = arith.constant 23 : i32
    %swap3A_1639 = arith.index_cast %swap3A_1638 : i32 to index
    %swap3A_1640 = arith.constant 0 : index
    %swap3A_1641 = tpu.vector_load %arg12[%swap3A_1639, %swap3A_1640] {strides = array<i32>} : memref<32x64xf32, #tpu.memory_space<vmem>>, vector<1x16xf32>,
    %swap3A_1642 = vector.shape_cast %swap3A_1641 : vector<1x16xf32> to vector<16xf32>
    %swap3A_1643 = vector.shape_cast %broadcast_in_dim3A_1637 : vector<16xf32> to vector<1x16xf32>
    tpu.vector_store %arg12[%swap3A_1639, %swap3A_1640], %swap3A_1643 {strides = array<i32>} : memref<32x64xf32, #tpu.memory_space<vmem>>, vector<1x16xf32>,
    %broadcast_in_dim3A_1644 = arith.constant 0.000000e+00 : f32
    %broadcast_in_dim3A_1645 = vector.broadcast %broadcast_in_dim3A_1644 : f32 to vector<16xf32>
    %swap3A_1646 = arith.constant 23 : i32
    %swap3A_1647 = arith.index_cast %swap3A_1646 : i32 to index
    %swap3A_1648 = arith.constant 16 : index
    %swap3A_1649 = tpu.vector_load %arg12[%swap3A_1647, %swap3A_1648] {strides = array<i32>} : memref<32x64xf32, #tpu.memory_space<vmem>>, vector<1x16xf32>,
    %swap3A_1650 = vector.shape_cast %swap3A_1649 : vector<1x16xf32> to vector<16xf32>
    %swap3A_1651 = vector.shape_cast %broadcast_in_dim3A_1645 : vector<16xf32> to vector<1x16xf32>
    tpu.vector_store %arg12[%swap3A_1647, %swap3A_1648], %swap3A_1651 {strides = array<i32>} : memref<32x64xf32, #tpu.memory_space<vmem>>, vector<1x16xf32>,
    %broadcast_in_dim3A_1652 = arith.constant 0.000000e+00 : f32
    %broadcast_in_dim3A_1653 = vector.broadcast %broadcast_in_dim3A_1652 : f32 to vector<16xf32>
    %swap3A_1654 = arith.constant 23 : i32
    %swap3A_1655 = arith.index_cast %swap3A_1654 : i32 to index
    %swap3A_1656 = arith.constant 32 : index
    %swap3A_1657 = tpu.vector_load %arg12[%swap3A_1655, %swap3A_1656] {strides = array<i32>} : memref<32x64xf32, #tpu.memory_space<vmem>>, vector<1x16xf32>,
    %swap3A_1658 = vector.shape_cast %swap3A_1657 : vector<1x16xf32> to vector<16xf32>
    %swap3A_1659 = vector.shape_cast %broadcast_in_dim3A_1653 : vector<16xf32> to vector<1x16xf32>
    tpu.vector_store %arg12[%swap3A_1655, %swap3A_1656], %swap3A_1659 {strides = array<i32>} : memref<32x64xf32, #tpu.memory_space<vmem>>, vector<1x16xf32>,
    %broadcast_in_dim3A_1660 = arith.constant 0.000000e+00 : f32
    %broadcast_in_dim3A_1661 = vector.broadcast %broadcast_in_dim3A_1660 : f32 to vector<16xf32>
    %swap3A_1662 = arith.constant 23 : i32
    %swap3A_1663 = arith.index_cast %swap3A_1662 : i32 to index
    %swap3A_1664 = arith.constant 48 : index
    %swap3A_1665 = tpu.vector_load %arg12[%swap3A_1663, %swap3A_1664] {strides = array<i32>} : memref<32x64xf32, #tpu.memory_space<vmem>>, vector<1x16xf32>,
    %swap3A_1666 = vector.shape_cast %swap3A_1665 : vector<1x16xf32> to vector<16xf32>
    %swap3A_1667 = vector.shape_cast %broadcast_in_dim3A_1661 : vector<16xf32> to vector<1x16xf32>
    tpu.vector_store %arg12[%swap3A_1663, %swap3A_1664], %swap3A_1667 {strides = array<i32>} : memref<32x64xf32, #tpu.memory_space<vmem>>, vector<1x16xf32>,
    %broadcast_in_dim3A_1668 = arith.constant 0.000000e+00 : f32
    %broadcast_in_dim3A_1669 = vector.broadcast %broadcast_in_dim3A_1668 : f32 to vector<16xf32>
    %swap3A_1670 = arith.constant 24 : i32
    %swap3A_1671 = arith.index_cast %swap3A_1670 : i32 to index
    %swap3A_1672 = arith.constant 0 : index
    %swap3A_1673 = tpu.vector_load %arg12[%swap3A_1671, %swap3A_1672] {strides = array<i32>} : memref<32x64xf32, #tpu.memory_space<vmem>>, vector<1x16xf32>,
    %swap3A_1674 = vector.shape_cast %swap3A_1673 : vector<1x16xf32> to vector<16xf32>
    %swap3A_1675 = vector.shape_cast %broadcast_in_dim3A_1669 : vector<16xf32> to vector<1x16xf32>
    tpu.vector_store %arg12[%swap3A_1671, %swap3A_1672], %swap3A_1675 {strides = array<i32>} : memref<32x64xf32, #tpu.memory_space<vmem>>, vector<1x16xf32>,
    %broadcast_in_dim3A_1676 = arith.constant 0.000000e+00 : f32
    %broadcast_in_dim3A_1677 = vector.broadcast %broadcast_in_dim3A_1676 : f32 to vector<16xf32>
    %swap3A_1678 = arith.constant 24 : i32
    %swap3A_1679 = arith.index_cast %swap3A_1678 : i32 to index
    %swap3A_1680 = arith.constant 16 : index
    %swap3A_1681 = tpu.vector_load %arg12[%swap3A_1679, %swap3A_1680] {strides = array<i32>} : memref<32x64xf32, #tpu.memory_space<vmem>>, vector<1x16xf32>,
    %swap3A_1682 = vector.shape_cast %swap3A_1681 : vector<1x16xf32> to vector<16xf32>
    %swap3A_1683 = vector.shape_cast %broadcast_in_dim3A_1677 : vector<16xf32> to vector<1x16xf32>
    tpu.vector_store %arg12[%swap3A_1679, %swap3A_1680], %swap3A_1683 {strides = array<i32>} : memref<32x64xf32, #tpu.memory_space<vmem>>, vector<1x16xf32>,
    %broadcast_in_dim3A_1684 = arith.constant 0.000000e+00 : f32
    %broadcast_in_dim3A_1685 = vector.broadcast %broadcast_in_dim3A_1684 : f32 to vector<16xf32>
    %swap3A_1686 = arith.constant 24 : i32
    %swap3A_1687 = arith.index_cast %swap3A_1686 : i32 to index
    %swap3A_1688 = arith.constant 32 : index
    %swap3A_1689 = tpu.vector_load %arg12[%swap3A_1687, %swap3A_1688] {strides = array<i32>} : memref<32x64xf32, #tpu.memory_space<vmem>>, vector<1x16xf32>,
    %swap3A_1690 = vector.shape_cast %swap3A_1689 : vector<1x16xf32> to vector<16xf32>
    %swap3A_1691 = vector.shape_cast %broadcast_in_dim3A_1685 : vector<16xf32> to vector<1x16xf32>
    tpu.vector_store %arg12[%swap3A_1687, %swap3A_1688], %swap3A_1691 {strides = array<i32>} : memref<32x64xf32, #tpu.memory_space<vmem>>, vector<1x16xf32>,
    %broadcast_in_dim3A_1692 = arith.constant 0.000000e+00 : f32
    %broadcast_in_dim3A_1693 = vector.broadcast %broadcast_in_dim3A_1692 : f32 to vector<16xf32>
    %swap3A_1694 = arith.constant 24 : i32
    %swap3A_1695 = arith.index_cast %swap3A_1694 : i32 to index
    %swap3A_1696 = arith.constant 48 : index
    %swap3A_1697 = tpu.vector_load %arg12[%swap3A_1695, %swap3A_1696] {strides = array<i32>} : memref<32x64xf32, #tpu.memory_space<vmem>>, vector<1x16xf32>,
    %swap3A_1698 = vector.shape_cast %swap3A_1697 : vector<1x16xf32> to vector<16xf32>
    %swap3A_1699 = vector.shape_cast %broadcast_in_dim3A_1693 : vector<16xf32> to vector<1x16xf32>
    tpu.vector_store %arg12[%swap3A_1695, %swap3A_1696], %swap3A_1699 {strides = array<i32>} : memref<32x64xf32, #tpu.memory_space<vmem>>, vector<1x16xf32>,
    %broadcast_in_dim3A_1700 = arith.constant 0.000000e+00 : f32
    %broadcast_in_dim3A_1701 = vector.broadcast %broadcast_in_dim3A_1700 : f32 to vector<16xf32>
    %swap3A_1702 = arith.constant 25 : i32
    %swap3A_1703 = arith.index_cast %swap3A_1702 : i32 to index
    %swap3A_1704 = arith.constant 0 : index
    %swap3A_1705 = tpu.vector_load %arg12[%swap3A_1703, %swap3A_1704] {strides = array<i32>} : memref<32x64xf32, #tpu.memory_space<vmem>>, vector<1x16xf32>,
    %swap3A_1706 = vector.shape_cast %swap3A_1705 : vector<1x16xf32> to vector<16xf32>
    %swap3A_1707 = vector.shape_cast %broadcast_in_dim3A_1701 : vector<16xf32> to vector<1x16xf32>
    tpu.vector_store %arg12[%swap3A_1703, %swap3A_1704], %swap3A_1707 {strides = array<i32>} : memref<32x64xf32, #tpu.memory_space<vmem>>, vector<1x16xf32>,
    %broadcast_in_dim3A_1708 = arith.constant 0.000000e+00 : f32
    %broadcast_in_dim3A_1709 = vector.broadcast %broadcast_in_dim3A_1708 : f32 to vector<16xf32>
    %swap3A_1710 = arith.constant 25 : i32
    %swap3A_1711 = arith.index_cast %swap3A_1710 : i32 to index
    %swap3A_1712 = arith.constant 16 : index
    %swap3A_1713 = tpu.vector_load %arg12[%swap3A_1711, %swap3A_1712] {strides = array<i32>} : memref<32x64xf32, #tpu.memory_space<vmem>>, vector<1x16xf32>,
    %swap3A_1714 = vector.shape_cast %swap3A_1713 : vector<1x16xf32> to vector<16xf32>
    %swap3A_1715 = vector.shape_cast %broadcast_in_dim3A_1709 : vector<16xf32> to vector<1x16xf32>
    tpu.vector_store %arg12[%swap3A_1711, %swap3A_1712], %swap3A_1715 {strides = array<i32>} : memref<32x64xf32, #tpu.memory_space<vmem>>, vector<1x16xf32>,
    %broadcast_in_dim3A_1716 = arith.constant 0.000000e+00 : f32
    %broadcast_in_dim3A_1717 = vector.broadcast %broadcast_in_dim3A_1716 : f32 to vector<16xf32>
    %swap3A_1718 = arith.constant 25 : i32
    %swap3A_1719 = arith.index_cast %swap3A_1718 : i32 to index
    %swap3A_1720 = arith.constant 32 : index
    %swap3A_1721 = tpu.vector_load %arg12[%swap3A_1719, %swap3A_1720] {strides = array<i32>} : memref<32x64xf32, #tpu.memory_space<vmem>>, vector<1x16xf32>,
    %swap3A_1722 = vector.shape_cast %swap3A_1721 : vector<1x16xf32> to vector<16xf32>
    %swap3A_1723 = vector.shape_cast %broadcast_in_dim3A_1717 : vector<16xf32> to vector<1x16xf32>
    tpu.vector_store %arg12[%swap3A_1719, %swap3A_1720], %swap3A_1723 {strides = array<i32>} : memref<32x64xf32, #tpu.memory_space<vmem>>, vector<1x16xf32>,
    %broadcast_in_dim3A_1724 = arith.constant 0.000000e+00 : f32
    %broadcast_in_dim3A_1725 = vector.broadcast %broadcast_in_dim3A_1724 : f32 to vector<16xf32>
    %swap3A_1726 = arith.constant 25 : i32
    %swap3A_1727 = arith.index_cast %swap3A_1726 : i32 to index
    %swap3A_1728 = arith.constant 48 : index
    %swap3A_1729 = tpu.vector_load %arg12[%swap3A_1727, %swap3A_1728] {strides = array<i32>} : memref<32x64xf32, #tpu.memory_space<vmem>>, vector<1x16xf32>,
    %swap3A_1730 = vector.shape_cast %swap3A_1729 : vector<1x16xf32> to vector<16xf32>
    %swap3A_1731 = vector.shape_cast %broadcast_in_dim3A_1725 : vector<16xf32> to vector<1x16xf32>
    tpu.vector_store %arg12[%swap3A_1727, %swap3A_1728], %swap3A_1731 {strides = array<i32>} : memref<32x64xf32, #tpu.memory_space<vmem>>, vector<1x16xf32>,
    %broadcast_in_dim3A_1732 = arith.constant 0.000000e+00 : f32
    %broadcast_in_dim3A_1733 = vector.broadcast %broadcast_in_dim3A_1732 : f32 to vector<16xf32>
    %swap3A_1734 = arith.constant 26 : i32
    %swap3A_1735 = arith.index_cast %swap3A_1734 : i32 to index
    %swap3A_1736 = arith.constant 0 : index
    %swap3A_1737 = tpu.vector_load %arg12[%swap3A_1735, %swap3A_1736] {strides = array<i32>} : memref<32x64xf32, #tpu.memory_space<vmem>>, vector<1x16xf32>,
    %swap3A_1738 = vector.shape_cast %swap3A_1737 : vector<1x16xf32> to vector<16xf32>
    %swap3A_1739 = vector.shape_cast %broadcast_in_dim3A_1733 : vector<16xf32> to vector<1x16xf32>
    tpu.vector_store %arg12[%swap3A_1735, %swap3A_1736], %swap3A_1739 {strides = array<i32>} : memref<32x64xf32, #tpu.memory_space<vmem>>, vector<1x16xf32>,
    %broadcast_in_dim3A_1740 = arith.constant 0.000000e+00 : f32
    %broadcast_in_dim3A_1741 = vector.broadcast %broadcast_in_dim3A_1740 : f32 to vector<16xf32>
    %swap3A_1742 = arith.constant 26 : i32
    %swap3A_1743 = arith.index_cast %swap3A_1742 : i32 to index
    %swap3A_1744 = arith.constant 16 : index
    %swap3A_1745 = tpu.vector_load %arg12[%swap3A_1743, %swap3A_1744] {strides = array<i32>} : memref<32x64xf32, #tpu.memory_space<vmem>>, vector<1x16xf32>,
    %swap3A_1746 = vector.shape_cast %swap3A_1745 : vector<1x16xf32> to vector<16xf32>
    %swap3A_1747 = vector.shape_cast %broadcast_in_dim3A_1741 : vector<16xf32> to vector<1x16xf32>
    tpu.vector_store %arg12[%swap3A_1743, %swap3A_1744], %swap3A_1747 {strides = array<i32>} : memref<32x64xf32, #tpu.memory_space<vmem>>, vector<1x16xf32>,
    %broadcast_in_dim3A_1748 = arith.constant 0.000000e+00 : f32
    %broadcast_in_dim3A_1749 = vector.broadcast %broadcast_in_dim3A_1748 : f32 to vector<16xf32>
    %swap3A_1750 = arith.constant 26 : i32
    %swap3A_1751 = arith.index_cast %swap3A_1750 : i32 to index
    %swap3A_1752 = arith.constant 32 : index
    %swap3A_1753 = tpu.vector_load %arg12[%swap3A_1751, %swap3A_1752] {strides = array<i32>} : memref<32x64xf32, #tpu.memory_space<vmem>>, vector<1x16xf32>,
    %swap3A_1754 = vector.shape_cast %swap3A_1753 : vector<1x16xf32> to vector<16xf32>
    %swap3A_1755 = vector.shape_cast %broadcast_in_dim3A_1749 : vector<16xf32> to vector<1x16xf32>
    tpu.vector_store %arg12[%swap3A_1751, %swap3A_1752], %swap3A_1755 {strides = array<i32>} : memref<32x64xf32, #tpu.memory_space<vmem>>, vector<1x16xf32>,
    %broadcast_in_dim3A_1756 = arith.constant 0.000000e+00 : f32
    %broadcast_in_dim3A_1757 = vector.broadcast %broadcast_in_dim3A_1756 : f32 to vector<16xf32>
    %swap3A_1758 = arith.constant 26 : i32
    %swap3A_1759 = arith.index_cast %swap3A_1758 : i32 to index
    %swap3A_1760 = arith.constant 48 : index
    %swap3A_1761 = tpu.vector_load %arg12[%swap3A_1759, %swap3A_1760] {strides = array<i32>} : memref<32x64xf32, #tpu.memory_space<vmem>>, vector<1x16xf32>,
    %swap3A_1762 = vector.shape_cast %swap3A_1761 : vector<1x16xf32> to vector<16xf32>
    %swap3A_1763 = vector.shape_cast %broadcast_in_dim3A_1757 : vector<16xf32> to vector<1x16xf32>
    tpu.vector_store %arg12[%swap3A_1759, %swap3A_1760], %swap3A_1763 {strides = array<i32>} : memref<32x64xf32, #tpu.memory_space<vmem>>, vector<1x16xf32>,
    %broadcast_in_dim3A_1764 = arith.constant 0.000000e+00 : f32
    %broadcast_in_dim3A_1765 = vector.broadcast %broadcast_in_dim3A_1764 : f32 to vector<16xf32>
    %swap3A_1766 = arith.constant 27 : i32
    %swap3A_1767 = arith.index_cast %swap3A_1766 : i32 to index
    %swap3A_1768 = arith.constant 0 : index
    %swap3A_1769 = tpu.vector_load %arg12[%swap3A_1767, %swap3A_1768] {strides = array<i32>} : memref<32x64xf32, #tpu.memory_space<vmem>>, vector<1x16xf32>,
    %swap3A_1770 = vector.shape_cast %swap3A_1769 : vector<1x16xf32> to vector<16xf32>
    %swap3A_1771 = vector.shape_cast %broadcast_in_dim3A_1765 : vector<16xf32> to vector<1x16xf32>
    tpu.vector_store %arg12[%swap3A_1767, %swap3A_1768], %swap3A_1771 {strides = array<i32>} : memref<32x64xf32, #tpu.memory_space<vmem>>, vector<1x16xf32>,
    %broadcast_in_dim3A_1772 = arith.constant 0.000000e+00 : f32
    %broadcast_in_dim3A_1773 = vector.broadcast %broadcast_in_dim3A_1772 : f32 to vector<16xf32>
    %swap3A_1774 = arith.constant 27 : i32
    %swap3A_1775 = arith.index_cast %swap3A_1774 : i32 to index
    %swap3A_1776 = arith.constant 16 : index
    %swap3A_1777 = tpu.vector_load %arg12[%swap3A_1775, %swap3A_1776] {strides = array<i32>} : memref<32x64xf32, #tpu.memory_space<vmem>>, vector<1x16xf32>,
    %swap3A_1778 = vector.shape_cast %swap3A_1777 : vector<1x16xf32> to vector<16xf32>
    %swap3A_1779 = vector.shape_cast %broadcast_in_dim3A_1773 : vector<16xf32> to vector<1x16xf32>
    tpu.vector_store %arg12[%swap3A_1775, %swap3A_1776], %swap3A_1779 {strides = array<i32>} : memref<32x64xf32, #tpu.memory_space<vmem>>, vector<1x16xf32>,
    %broadcast_in_dim3A_1780 = arith.constant 0.000000e+00 : f32
    %broadcast_in_dim3A_1781 = vector.broadcast %broadcast_in_dim3A_1780 : f32 to vector<16xf32>
    %swap3A_1782 = arith.constant 27 : i32
    %swap3A_1783 = arith.index_cast %swap3A_1782 : i32 to index
    %swap3A_1784 = arith.constant 32 : index
    %swap3A_1785 = tpu.vector_load %arg12[%swap3A_1783, %swap3A_1784] {strides = array<i32>} : memref<32x64xf32, #tpu.memory_space<vmem>>, vector<1x16xf32>,
    %swap3A_1786 = vector.shape_cast %swap3A_1785 : vector<1x16xf32> to vector<16xf32>
    %swap3A_1787 = vector.shape_cast %broadcast_in_dim3A_1781 : vector<16xf32> to vector<1x16xf32>
    tpu.vector_store %arg12[%swap3A_1783, %swap3A_1784], %swap3A_1787 {strides = array<i32>} : memref<32x64xf32, #tpu.memory_space<vmem>>, vector<1x16xf32>,
    %broadcast_in_dim3A_1788 = arith.constant 0.000000e+00 : f32
    %broadcast_in_dim3A_1789 = vector.broadcast %broadcast_in_dim3A_1788 : f32 to vector<16xf32>
    %swap3A_1790 = arith.constant 27 : i32
    %swap3A_1791 = arith.index_cast %swap3A_1790 : i32 to index
    %swap3A_1792 = arith.constant 48 : index
    %swap3A_1793 = tpu.vector_load %arg12[%swap3A_1791, %swap3A_1792] {strides = array<i32>} : memref<32x64xf32, #tpu.memory_space<vmem>>, vector<1x16xf32>,
    %swap3A_1794 = vector.shape_cast %swap3A_1793 : vector<1x16xf32> to vector<16xf32>
    %swap3A_1795 = vector.shape_cast %broadcast_in_dim3A_1789 : vector<16xf32> to vector<1x16xf32>
    tpu.vector_store %arg12[%swap3A_1791, %swap3A_1792], %swap3A_1795 {strides = array<i32>} : memref<32x64xf32, #tpu.memory_space<vmem>>, vector<1x16xf32>,
    %broadcast_in_dim3A_1796 = arith.constant 0.000000e+00 : f32
    %broadcast_in_dim3A_1797 = vector.broadcast %broadcast_in_dim3A_1796 : f32 to vector<16xf32>
    %swap3A_1798 = arith.constant 28 : i32
    %swap3A_1799 = arith.index_cast %swap3A_1798 : i32 to index
    %swap3A_1800 = arith.constant 0 : index
    %swap3A_1801 = tpu.vector_load %arg12[%swap3A_1799, %swap3A_1800] {strides = array<i32>} : memref<32x64xf32, #tpu.memory_space<vmem>>, vector<1x16xf32>,
    %swap3A_1802 = vector.shape_cast %swap3A_1801 : vector<1x16xf32> to vector<16xf32>
    %swap3A_1803 = vector.shape_cast %broadcast_in_dim3A_1797 : vector<16xf32> to vector<1x16xf32>
    tpu.vector_store %arg12[%swap3A_1799, %swap3A_1800], %swap3A_1803 {strides = array<i32>} : memref<32x64xf32, #tpu.memory_space<vmem>>, vector<1x16xf32>,
    %broadcast_in_dim3A_1804 = arith.constant 0.000000e+00 : f32
    %broadcast_in_dim3A_1805 = vector.broadcast %broadcast_in_dim3A_1804 : f32 to vector<16xf32>
    %swap3A_1806 = arith.constant 28 : i32
    %swap3A_1807 = arith.index_cast %swap3A_1806 : i32 to index
    %swap3A_1808 = arith.constant 16 : index
    %swap3A_1809 = tpu.vector_load %arg12[%swap3A_1807, %swap3A_1808] {strides = array<i32>} : memref<32x64xf32, #tpu.memory_space<vmem>>, vector<1x16xf32>,
    %swap3A_1810 = vector.shape_cast %swap3A_1809 : vector<1x16xf32> to vector<16xf32>
    %swap3A_1811 = vector.shape_cast %broadcast_in_dim3A_1805 : vector<16xf32> to vector<1x16xf32>
    tpu.vector_store %arg12[%swap3A_1807, %swap3A_1808], %swap3A_1811 {strides = array<i32>} : memref<32x64xf32, #tpu.memory_space<vmem>>, vector<1x16xf32>,
    %broadcast_in_dim3A_1812 = arith.constant 0.000000e+00 : f32
    %broadcast_in_dim3A_1813 = vector.broadcast %broadcast_in_dim3A_1812 : f32 to vector<16xf32>
    %swap3A_1814 = arith.constant 28 : i32
    %swap3A_1815 = arith.index_cast %swap3A_1814 : i32 to index
    %swap3A_1816 = arith.constant 32 : index
    %swap3A_1817 = tpu.vector_load %arg12[%swap3A_1815, %swap3A_1816] {strides = array<i32>} : memref<32x64xf32, #tpu.memory_space<vmem>>, vector<1x16xf32>,
    %swap3A_1818 = vector.shape_cast %swap3A_1817 : vector<1x16xf32> to vector<16xf32>
    %swap3A_1819 = vector.shape_cast %broadcast_in_dim3A_1813 : vector<16xf32> to vector<1x16xf32>
    tpu.vector_store %arg12[%swap3A_1815, %swap3A_1816], %swap3A_1819 {strides = array<i32>} : memref<32x64xf32, #tpu.memory_space<vmem>>, vector<1x16xf32>,
    %broadcast_in_dim3A_1820 = arith.constant 0.000000e+00 : f32
    %broadcast_in_dim3A_1821 = vector.broadcast %broadcast_in_dim3A_1820 : f32 to vector<16xf32>
    %swap3A_1822 = arith.constant 28 : i32
    %swap3A_1823 = arith.index_cast %swap3A_1822 : i32 to index
    %swap3A_1824 = arith.constant 48 : index
    %swap3A_1825 = tpu.vector_load %arg12[%swap3A_1823, %swap3A_1824] {strides = array<i32>} : memref<32x64xf32, #tpu.memory_space<vmem>>, vector<1x16xf32>,
    %swap3A_1826 = vector.shape_cast %swap3A_1825 : vector<1x16xf32> to vector<16xf32>
    %swap3A_1827 = vector.shape_cast %broadcast_in_dim3A_1821 : vector<16xf32> to vector<1x16xf32>
    tpu.vector_store %arg12[%swap3A_1823, %swap3A_1824], %swap3A_1827 {strides = array<i32>} : memref<32x64xf32, #tpu.memory_space<vmem>>, vector<1x16xf32>,
    %broadcast_in_dim3A_1828 = arith.constant 0.000000e+00 : f32
    %broadcast_in_dim3A_1829 = vector.broadcast %broadcast_in_dim3A_1828 : f32 to vector<16xf32>
    %swap3A_1830 = arith.constant 29 : i32
    %swap3A_1831 = arith.index_cast %swap3A_1830 : i32 to index
    %swap3A_1832 = arith.constant 0 : index
    %swap3A_1833 = tpu.vector_load %arg12[%swap3A_1831, %swap3A_1832] {strides = array<i32>} : memref<32x64xf32, #tpu.memory_space<vmem>>, vector<1x16xf32>,
    %swap3A_1834 = vector.shape_cast %swap3A_1833 : vector<1x16xf32> to vector<16xf32>
    %swap3A_1835 = vector.shape_cast %broadcast_in_dim3A_1829 : vector<16xf32> to vector<1x16xf32>
    tpu.vector_store %arg12[%swap3A_1831, %swap3A_1832], %swap3A_1835 {strides = array<i32>} : memref<32x64xf32, #tpu.memory_space<vmem>>, vector<1x16xf32>,
    %broadcast_in_dim3A_1836 = arith.constant 0.000000e+00 : f32
    %broadcast_in_dim3A_1837 = vector.broadcast %broadcast_in_dim3A_1836 : f32 to vector<16xf32>
    %swap3A_1838 = arith.constant 29 : i32
    %swap3A_1839 = arith.index_cast %swap3A_1838 : i32 to index
    %swap3A_1840 = arith.constant 16 : index
    %swap3A_1841 = tpu.vector_load %arg12[%swap3A_1839, %swap3A_1840] {strides = array<i32>} : memref<32x64xf32, #tpu.memory_space<vmem>>, vector<1x16xf32>,
    %swap3A_1842 = vector.shape_cast %swap3A_1841 : vector<1x16xf32> to vector<16xf32>
    %swap3A_1843 = vector.shape_cast %broadcast_in_dim3A_1837 : vector<16xf32> to vector<1x16xf32>
    tpu.vector_store %arg12[%swap3A_1839, %swap3A_1840], %swap3A_1843 {strides = array<i32>} : memref<32x64xf32, #tpu.memory_space<vmem>>, vector<1x16xf32>,
    %broadcast_in_dim3A_1844 = arith.constant 0.000000e+00 : f32
    %broadcast_in_dim3A_1845 = vector.broadcast %broadcast_in_dim3A_1844 : f32 to vector<16xf32>
    %swap3A_1846 = arith.constant 29 : i32
    %swap3A_1847 = arith.index_cast %swap3A_1846 : i32 to index
    %swap3A_1848 = arith.constant 32 : index
    %swap3A_1849 = tpu.vector_load %arg12[%swap3A_1847, %swap3A_1848] {strides = array<i32>} : memref<32x64xf32, #tpu.memory_space<vmem>>, vector<1x16xf32>,
    %swap3A_1850 = vector.shape_cast %swap3A_1849 : vector<1x16xf32> to vector<16xf32>
    %swap3A_1851 = vector.shape_cast %broadcast_in_dim3A_1845 : vector<16xf32> to vector<1x16xf32>
    tpu.vector_store %arg12[%swap3A_1847, %swap3A_1848], %swap3A_1851 {strides = array<i32>} : memref<32x64xf32, #tpu.memory_space<vmem>>, vector<1x16xf32>,
    %broadcast_in_dim3A_1852 = arith.constant 0.000000e+00 : f32
    %broadcast_in_dim3A_1853 = vector.broadcast %broadcast_in_dim3A_1852 : f32 to vector<16xf32>
    %swap3A_1854 = arith.constant 29 : i32
    %swap3A_1855 = arith.index_cast %swap3A_1854 : i32 to index
    %swap3A_1856 = arith.constant 48 : index
    %swap3A_1857 = tpu.vector_load %arg12[%swap3A_1855, %swap3A_1856] {strides = array<i32>} : memref<32x64xf32, #tpu.memory_space<vmem>>, vector<1x16xf32>,
    %swap3A_1858 = vector.shape_cast %swap3A_1857 : vector<1x16xf32> to vector<16xf32>
    %swap3A_1859 = vector.shape_cast %broadcast_in_dim3A_1853 : vector<16xf32> to vector<1x16xf32>
    tpu.vector_store %arg12[%swap3A_1855, %swap3A_1856], %swap3A_1859 {strides = array<i32>} : memref<32x64xf32, #tpu.memory_space<vmem>>, vector<1x16xf32>,
    %broadcast_in_dim3A_1860 = arith.constant 0.000000e+00 : f32
    %broadcast_in_dim3A_1861 = vector.broadcast %broadcast_in_dim3A_1860 : f32 to vector<16xf32>
    %swap3A_1862 = arith.constant 30 : i32
    %swap3A_1863 = arith.index_cast %swap3A_1862 : i32 to index
    %swap3A_1864 = arith.constant 0 : index
    %swap3A_1865 = tpu.vector_load %arg12[%swap3A_1863, %swap3A_1864] {strides = array<i32>} : memref<32x64xf32, #tpu.memory_space<vmem>>, vector<1x16xf32>,
    %swap3A_1866 = vector.shape_cast %swap3A_1865 : vector<1x16xf32> to vector<16xf32>
    %swap3A_1867 = vector.shape_cast %broadcast_in_dim3A_1861 : vector<16xf32> to vector<1x16xf32>
    tpu.vector_store %arg12[%swap3A_1863, %swap3A_1864], %swap3A_1867 {strides = array<i32>} : memref<32x64xf32, #tpu.memory_space<vmem>>, vector<1x16xf32>,
    %broadcast_in_dim3A_1868 = arith.constant 0.000000e+00 : f32
    %broadcast_in_dim3A_1869 = vector.broadcast %broadcast_in_dim3A_1868 : f32 to vector<16xf32>
    %swap3A_1870 = arith.constant 30 : i32
    %swap3A_1871 = arith.index_cast %swap3A_1870 : i32 to index
    %swap3A_1872 = arith.constant 16 : index
    %swap3A_1873 = tpu.vector_load %arg12[%swap3A_1871, %swap3A_1872] {strides = array<i32>} : memref<32x64xf32, #tpu.memory_space<vmem>>, vector<1x16xf32>,
    %swap3A_1874 = vector.shape_cast %swap3A_1873 : vector<1x16xf32> to vector<16xf32>
    %swap3A_1875 = vector.shape_cast %broadcast_in_dim3A_1869 : vector<16xf32> to vector<1x16xf32>
    tpu.vector_store %arg12[%swap3A_1871, %swap3A_1872], %swap3A_1875 {strides = array<i32>} : memref<32x64xf32, #tpu.memory_space<vmem>>, vector<1x16xf32>,
    %broadcast_in_dim3A_1876 = arith.constant 0.000000e+00 : f32
    %broadcast_in_dim3A_1877 = vector.broadcast %broadcast_in_dim3A_1876 : f32 to vector<16xf32>
    %swap3A_1878 = arith.constant 30 : i32
    %swap3A_1879 = arith.index_cast %swap3A_1878 : i32 to index
    %swap3A_1880 = arith.constant 32 : index
    %swap3A_1881 = tpu.vector_load %arg12[%swap3A_1879, %swap3A_1880] {strides = array<i32>} : memref<32x64xf32, #tpu.memory_space<vmem>>, vector<1x16xf32>,
    %swap3A_1882 = vector.shape_cast %swap3A_1881 : vector<1x16xf32> to vector<16xf32>
    %swap3A_1883 = vector.shape_cast %broadcast_in_dim3A_1877 : vector<16xf32> to vector<1x16xf32>
    tpu.vector_store %arg12[%swap3A_1879, %swap3A_1880], %swap3A_1883 {strides = array<i32>} : memref<32x64xf32, #tpu.memory_space<vmem>>, vector<1x16xf32>,
    %broadcast_in_dim3A_1884 = arith.constant 0.000000e+00 : f32
    %broadcast_in_dim3A_1885 = vector.broadcast %broadcast_in_dim3A_1884 : f32 to vector<16xf32>
    %swap3A_1886 = arith.constant 30 : i32
    %swap3A_1887 = arith.index_cast %swap3A_1886 : i32 to index
    %swap3A_1888 = arith.constant 48 : index
    %swap3A_1889 = tpu.vector_load %arg12[%swap3A_1887, %swap3A_1888] {strides = array<i32>} : memref<32x64xf32, #tpu.memory_space<vmem>>, vector<1x16xf32>,
    %swap3A_1890 = vector.shape_cast %swap3A_1889 : vector<1x16xf32> to vector<16xf32>
    %swap3A_1891 = vector.shape_cast %broadcast_in_dim3A_1885 : vector<16xf32> to vector<1x16xf32>
    tpu.vector_store %arg12[%swap3A_1887, %swap3A_1888], %swap3A_1891 {strides = array<i32>} : memref<32x64xf32, #tpu.memory_space<vmem>>, vector<1x16xf32>,
    %broadcast_in_dim3A_1892 = arith.constant 0.000000e+00 : f32
    %broadcast_in_dim3A_1893 = vector.broadcast %broadcast_in_dim3A_1892 : f32 to vector<16xf32>
    %swap3A_1894 = arith.constant 31 : i32
    %swap3A_1895 = arith.index_cast %swap3A_1894 : i32 to index
    %swap3A_1896 = arith.constant 0 : index
    %swap3A_1897 = tpu.vector_load %arg12[%swap3A_1895, %swap3A_1896] {strides = array<i32>} : memref<32x64xf32, #tpu.memory_space<vmem>>, vector<1x16xf32>,
    %swap3A_1898 = vector.shape_cast %swap3A_1897 : vector<1x16xf32> to vector<16xf32>
    %swap3A_1899 = vector.shape_cast %broadcast_in_dim3A_1893 : vector<16xf32> to vector<1x16xf32>
    tpu.vector_store %arg12[%swap3A_1895, %swap3A_1896], %swap3A_1899 {strides = array<i32>} : memref<32x64xf32, #tpu.memory_space<vmem>>, vector<1x16xf32>,
    %broadcast_in_dim3A_1900 = arith.constant 0.000000e+00 : f32
    %broadcast_in_dim3A_1901 = vector.broadcast %broadcast_in_dim3A_1900 : f32 to vector<16xf32>
    %swap3A_1902 = arith.constant 31 : i32
    %swap3A_1903 = arith.index_cast %swap3A_1902 : i32 to index
    %swap3A_1904 = arith.constant 16 : index
    %swap3A_1905 = tpu.vector_load %arg12[%swap3A_1903, %swap3A_1904] {strides = array<i32>} : memref<32x64xf32, #tpu.memory_space<vmem>>, vector<1x16xf32>,
    %swap3A_1906 = vector.shape_cast %swap3A_1905 : vector<1x16xf32> to vector<16xf32>
    %swap3A_1907 = vector.shape_cast %broadcast_in_dim3A_1901 : vector<16xf32> to vector<1x16xf32>
    tpu.vector_store %arg12[%swap3A_1903, %swap3A_1904], %swap3A_1907 {strides = array<i32>} : memref<32x64xf32, #tpu.memory_space<vmem>>, vector<1x16xf32>,
    %broadcast_in_dim3A_1908 = arith.constant 0.000000e+00 : f32
    %broadcast_in_dim3A_1909 = vector.broadcast %broadcast_in_dim3A_1908 : f32 to vector<16xf32>
    %swap3A_1910 = arith.constant 31 : i32
    %swap3A_1911 = arith.index_cast %swap3A_1910 : i32 to index
    %swap3A_1912 = arith.constant 32 : index
    %swap3A_1913 = tpu.vector_load %arg12[%swap3A_1911, %swap3A_1912] {strides = array<i32>} : memref<32x64xf32, #tpu.memory_space<vmem>>, vector<1x16xf32>,
    %swap3A_1914 = vector.shape_cast %swap3A_1913 : vector<1x16xf32> to vector<16xf32>
    %swap3A_1915 = vector.shape_cast %broadcast_in_dim3A_1909 : vector<16xf32> to vector<1x16xf32>
    tpu.vector_store %arg12[%swap3A_1911, %swap3A_1912], %swap3A_1915 {strides = array<i32>} : memref<32x64xf32, #tpu.memory_space<vmem>>, vector<1x16xf32>,
    %broadcast_in_dim3A_1916 = arith.constant 0.000000e+00 : f32
    %broadcast_in_dim3A_1917 = vector.broadcast %broadcast_in_dim3A_1916 : f32 to vector<16xf32>
    %swap3A_1918 = arith.constant 31 : i32
    %swap3A_1919 = arith.index_cast %swap3A_1918 : i32 to index
    %swap3A_1920 = arith.constant 48 : index
    %swap3A_1921 = tpu.vector_load %arg12[%swap3A_1919, %swap3A_1920] {strides = array<i32>} : memref<32x64xf32, #tpu.memory_space<vmem>>, vector<1x16xf32>,
    %swap3A_1922 = vector.shape_cast %swap3A_1921 : vector<1x16xf32> to vector<16xf32>
    %swap3A_1923 = vector.shape_cast %broadcast_in_dim3A_1917 : vector<16xf32> to vector<1x16xf32>
    tpu.vector_store %arg12[%swap3A_1919, %swap3A_1920], %swap3A_1923 {strides = array<i32>} : memref<32x64xf32, #tpu.memory_space<vmem>>, vector<1x16xf32>,
    %scan3A = arith.constant 0 : i32
    %scan3A_1924 = arith.constant 0 : i32
    %scan3A_1925 = arith.constant 16 : i32
    %scan3A_1926 = arith.addi %scan3A_1924, %scan3A_1925 : i32
    %scan3A_1927 = arith.constant 1 : i32
    scf.for %scan3A_1935 = %scan3A_1924 to %scan3A_1926 step %scan3A_1927  : i32 {
      %mul3A_1936 = arith.constant 512 : i32
      %mul3A_1937 = arith.muli %add3A, %mul3A_1936 : i32
      %mul3A_1938 = arith.constant 32 : i32
      %mul3A_1939 = arith.muli %scan3A_1935, %mul3A_1938 : i32
      %add3A_1940 = arith.addi %mul3A_1937, %mul3A_1939 : i32
      %mul3A_1941 = arith.constant 50 : i32
      %mul3A_1942 = arith.muli %add3A_1940, %mul3A_1941 : i32
      "tpu.region"() ({
        %run_scoped3A = tpu.sem_alloc : memref<!tpu.dma_semaphore, #tpu.memory_space<semaphore_mem>>
        %dma_start3A_1951 = tpu.memref_slice %arg2[%mul3A_1942] : memref<819200xi32, #tpu.memory_space<hbm>> -> memref<1600xi32, #tpu.memory_space<hbm>>
        %dma_start3A_1952 = tpu.memref_slice %arg2[%mul3A_1942] : memref<819200xi32, #tpu.memory_space<hbm>> -> memref<1600xi32, #tpu.memory_space<hbm>>
        tpu.enqueue_dma source(%dma_start3A_1952 : memref<1600xi32, #tpu.memory_space<hbm>>) target(%arg9 : memref<1600xi32, #tpu.memory_space<vmem>>) target_semaphore(%run_scoped3A : memref<!tpu.dma_semaphore, #tpu.memory_space<semaphore_mem>>)
        %dma_wait3A_1953 = tpu.memref_slice %arg2[%mul3A_1942] : memref<819200xi32, #tpu.memory_space<hbm>> -> memref<1600xi32, #tpu.memory_space<hbm>>
        %dma_wait3A_1954 = tpu.memref_slice %arg2[%mul3A_1942] : memref<819200xi32, #tpu.memory_space<hbm>> -> memref<1600xi32, #tpu.memory_space<hbm>>
        tpu.wait_dma2 semaphore(%run_scoped3A : memref<!tpu.dma_semaphore, #tpu.memory_space<semaphore_mem>>) src(%dma_wait3A_1954 : memref<1600xi32, #tpu.memory_space<hbm>>) dst(%arg9 : memref<1600xi32, #tpu.memory_space<vmem>>)
        tpu.yield
      }) : () -> ()
      %dma_start3A = arith.constant 0 : i32
      %dma_start3A_1943 = arith.constant 0 : i32
      %dma_start3A_1944 = tpu.memref_slice %arg4[%dma_start3A, %dma_start3A_1943] : memref<1000000x64xf32, #tpu.memory_space<hbm>> -> memref<1000000x64xf32, #tpu.memory_space<hbm>>
      tpu.enqueue_indirect_dma source(%dma_start3A_1944 : memref<1000000x64xf32, #tpu.memory_space<hbm>>) target(%arg10 : memref<1600x64xf32, #tpu.memory_space<vmem>>) offsets(%arg9 : memref<1600xi32, #tpu.memory_space<vmem>>) semaphore(%arg14 : memref<!tpu.dma_semaphore, #tpu.memory_space<semaphore_mem>>)
      %dma_wait3A = arith.constant 0 : i32
      %dma_wait3A_1945 = arith.constant 0 : i32
      %dma_wait3A_1946 = tpu.memref_slice %arg4[%dma_wait3A, %dma_wait3A_1945] : memref<1000000x64xf32, #tpu.memory_space<hbm>> -> memref<1000000x64xf32, #tpu.memory_space<hbm>>
      tpu.wait_indirect_dma semaphore(%arg14 : memref<!tpu.dma_semaphore, #tpu.memory_space<semaphore_mem>>) src(%dma_wait3A_1946 : memref<1000000x64xf32, #tpu.memory_space<hbm>>) dst(%arg10 : memref<1600x64xf32, #tpu.memory_space<vmem>>)
      %mul3A_1947 = arith.constant 32 : i32
      %mul3A_1948 = arith.muli %arg1, %mul3A_1947 : i32
      "tpu.region"() ({
        %run_scoped3A = tpu.sem_alloc : memref<!tpu.dma_semaphore, #tpu.memory_space<semaphore_mem>>
        %dma_start3A_1951 = arith.constant 0 : i32
        %dma_start3A_1952 = tpu.memref_slice %arg13[%mul3A_1948, %dma_start3A_1951] : memref<512x64xf32, #tpu.memory_space<vmem_shared>> -> memref<32x64xf32, #tpu.memory_space<vmem_shared>>
        %dma_start3A_1953 = arith.constant 0 : i32
        %dma_start3A_1954 = tpu.memref_slice %arg13[%mul3A_1948, %dma_start3A_1953] : memref<512x64xf32, #tpu.memory_space<vmem_shared>> -> memref<32x64xf32, #tpu.memory_space<vmem_shared>>
        tpu.enqueue_dma source(%arg12 : memref<32x64xf32, #tpu.memory_space<vmem>>) target(%dma_start3A_1954 : memref<32x64xf32, #tpu.memory_space<vmem_shared>>) target_semaphore(%run_scoped3A : memref<!tpu.dma_semaphore, #tpu.memory_space<semaphore_mem>>)
        %dma_wait3A_1955 = arith.constant 0 : i32
        %dma_wait3A_1956 = tpu.memref_slice %arg13[%mul3A_1948, %dma_wait3A_1955] : memref<512x64xf32, #tpu.memory_space<vmem_shared>> -> memref<32x64xf32, #tpu.memory_space<vmem_shared>>
        %dma_wait3A_1957 = arith.constant 0 : i32
        %dma_wait3A_1958 = tpu.memref_slice %arg13[%mul3A_1948, %dma_wait3A_1957] : memref<512x64xf32, #tpu.memory_space<vmem_shared>> -> memref<32x64xf32, #tpu.memory_space<vmem_shared>>
        tpu.wait_dma2 semaphore(%run_scoped3A : memref<!tpu.dma_semaphore, #tpu.memory_space<semaphore_mem>>) src(%arg12 : memref<32x64xf32, #tpu.memory_space<vmem>>) dst(%dma_wait3A_1958 : memref<32x64xf32, #tpu.memory_space<vmem_shared>>)
        tpu.yield
      }) : () -> ()
      "tpu.region"() ({
        %run_scoped3A = tpu.sem_alloc : memref<!tpu.dma_semaphore, #tpu.memory_space<semaphore_mem>>
        %dma_start3A_1951 = arith.constant 0 : i32
        %dma_start3A_1952 = arith.constant 0 : i32
        %dma_start3A_1953 = tpu.memref_slice %arg13[%dma_start3A_1951, %dma_start3A_1952] : memref<512x64xf32, #tpu.memory_space<vmem_shared>> -> memref<512x64xf32, #tpu.memory_space<vmem_shared>>
        tpu.enqueue_indirect_dma source(%arg10 : memref<1600x64xf32, #tpu.memory_space<vmem>>) target(%dma_start3A_1953 : memref<512x64xf32, #tpu.memory_space<vmem_shared>>) offsets(%arg11 : memref<1600xi32, #tpu.memory_space<vmem>>) semaphore(%run_scoped3A : memref<!tpu.dma_semaphore, #tpu.memory_space<semaphore_mem>>) {add = true}
        %dma_wait3A_1954 = arith.constant 0 : i32
        %dma_wait3A_1955 = arith.constant 0 : i32
        %dma_wait3A_1956 = tpu.memref_slice %arg13[%dma_wait3A_1954, %dma_wait3A_1955] : memref<512x64xf32, #tpu.memory_space<vmem_shared>> -> memref<512x64xf32, #tpu.memory_space<vmem_shared>>
        tpu.wait_indirect_dma semaphore(%run_scoped3A : memref<!tpu.dma_semaphore, #tpu.memory_space<semaphore_mem>>) src(%arg10 : memref<1600x64xf32, #tpu.memory_space<vmem>>) dst(%dma_wait3A_1956 : memref<512x64xf32, #tpu.memory_space<vmem_shared>>)
        tpu.yield
      }) : () -> ()
      %mul3A_1949 = arith.constant 32 : i32
      %mul3A_1950 = arith.muli %arg1, %mul3A_1949 : i32
      "tpu.region"() ({
        %run_scoped3A = tpu.sem_alloc : memref<!tpu.dma_semaphore, #tpu.memory_space<semaphore_mem>>
        %dma_start3A_1951 = arith.constant 0 : i32
        %dma_start3A_1952 = tpu.memref_slice %arg7[%add3A_1940, %dma_start3A_1951] : memref<16384x64xf32, #tpu.memory_space<hbm>> -> memref<32x64xf32, #tpu.memory_space<hbm>>
        %dma_start3A_1953 = arith.constant 0 : i32
        %dma_start3A_1954 = tpu.memref_slice %arg13[%mul3A_1950, %dma_start3A_1953] : memref<512x64xf32, #tpu.memory_space<vmem_shared>> -> memref<32x64xf32, #tpu.memory_space<vmem_shared>>
        tpu.enqueue_dma source(%dma_start3A_1954 : memref<32x64xf32, #tpu.memory_space<vmem_shared>>) target(%dma_start3A_1952 : memref<32x64xf32, #tpu.memory_space<hbm>>) target_semaphore(%run_scoped3A : memref<!tpu.dma_semaphore, #tpu.memory_space<semaphore_mem>>)
        %dma_wait3A_1955 = arith.constant 0 : i32
        %dma_wait3A_1956 = tpu.memref_slice %arg7[%add3A_1940, %dma_wait3A_1955] : memref<16384x64xf32, #tpu.memory_space<hbm>> -> memref<32x64xf32, #tpu.memory_space<hbm>>
        %dma_wait3A_1957 = arith.constant 0 : i32
        %dma_wait3A_1958 = tpu.memref_slice %arg13[%mul3A_1950, %dma_wait3A_1957] : memref<512x64xf32, #tpu.memory_space<vmem_shared>> -> memref<32x64xf32, #tpu.memory_space<vmem_shared>>
        tpu.wait_dma2 semaphore(%run_scoped3A : memref<!tpu.dma_semaphore, #tpu.memory_space<semaphore_mem>>) src(%dma_wait3A_1958 : memref<32x64xf32, #tpu.memory_space<vmem_shared>>) dst(%dma_wait3A_1956 : memref<32x64xf32, #tpu.memory_space<hbm>>)
        tpu.yield
      }) : () -> ()
    }
    %scan3A_1928 = arith.constant 16 : i32
    %scan3A_1929 = arith.constant 0 : i32
    %scan3A_1930 = arith.constant 0 : i32
    %scan3A_1931 = arith.constant 16 : i32
    %scan3A_1932 = arith.addi %scan3A_1930, %scan3A_1931 : i32
    %scan3A_1933 = arith.constant 1 : i32
    scf.for %scan3A_1935 = %scan3A_1930 to %scan3A_1932 step %scan3A_1933  : i32 {
      %mul3A_1936 = arith.constant 512 : i32
      %mul3A_1937 = arith.muli %add3A, %mul3A_1936 : i32
      %mul3A_1938 = arith.constant 32 : i32
      %mul3A_1939 = arith.muli %scan3A_1935, %mul3A_1938 : i32
      %add3A_1940 = arith.addi %mul3A_1937, %mul3A_1939 : i32
      %mul3A_1941 = arith.constant 50 : i32
      %mul3A_1942 = arith.muli %add3A_1940, %mul3A_1941 : i32
      "tpu.region"() ({
        %run_scoped3A = tpu.sem_alloc : memref<!tpu.dma_semaphore, #tpu.memory_space<semaphore_mem>>
        %dma_start3A_1951 = tpu.memref_slice %arg3[%mul3A_1942] : memref<819200xi32, #tpu.memory_space<hbm>> -> memref<1600xi32, #tpu.memory_space<hbm>>
        %dma_start3A_1952 = tpu.memref_slice %arg3[%mul3A_1942] : memref<819200xi32, #tpu.memory_space<hbm>> -> memref<1600xi32, #tpu.memory_space<hbm>>
        tpu.enqueue_dma source(%dma_start3A_1952 : memref<1600xi32, #tpu.memory_space<hbm>>) target(%arg9 : memref<1600xi32, #tpu.memory_space<vmem>>) target_semaphore(%run_scoped3A : memref<!tpu.dma_semaphore, #tpu.memory_space<semaphore_mem>>)
        %dma_wait3A_1953 = tpu.memref_slice %arg3[%mul3A_1942] : memref<819200xi32, #tpu.memory_space<hbm>> -> memref<1600xi32, #tpu.memory_space<hbm>>
        %dma_wait3A_1954 = tpu.memref_slice %arg3[%mul3A_1942] : memref<819200xi32, #tpu.memory_space<hbm>> -> memref<1600xi32, #tpu.memory_space<hbm>>
        tpu.wait_dma2 semaphore(%run_scoped3A : memref<!tpu.dma_semaphore, #tpu.memory_space<semaphore_mem>>) src(%dma_wait3A_1954 : memref<1600xi32, #tpu.memory_space<hbm>>) dst(%arg9 : memref<1600xi32, #tpu.memory_space<vmem>>)
        tpu.yield
      }) : () -> ()
      %dma_start3A = arith.constant 0 : i32
      %dma_start3A_1943 = arith.constant 0 : i32
      %dma_start3A_1944 = tpu.memref_slice %arg5[%dma_start3A, %dma_start3A_1943] : memref<1000000x64xf32, #tpu.memory_space<hbm>> -> memref<1000000x64xf32, #tpu.memory_space<hbm>>
      tpu.enqueue_indirect_dma source(%dma_start3A_1944 : memref<1000000x64xf32, #tpu.memory_space<hbm>>) target(%arg10 : memref<1600x64xf32, #tpu.memory_space<vmem>>) offsets(%arg9 : memref<1600xi32, #tpu.memory_space<vmem>>) semaphore(%arg14 : memref<!tpu.dma_semaphore, #tpu.memory_space<semaphore_mem>>)
      %dma_wait3A = arith.constant 0 : i32
      %dma_wait3A_1945 = arith.constant 0 : i32
      %dma_wait3A_1946 = tpu.memref_slice %arg5[%dma_wait3A, %dma_wait3A_1945] : memref<1000000x64xf32, #tpu.memory_space<hbm>> -> memref<1000000x64xf32, #tpu.memory_space<hbm>>
      tpu.wait_indirect_dma semaphore(%arg14 : memref<!tpu.dma_semaphore, #tpu.memory_space<semaphore_mem>>) src(%dma_wait3A_1946 : memref<1000000x64xf32, #tpu.memory_space<hbm>>) dst(%arg10 : memref<1600x64xf32, #tpu.memory_space<vmem>>)
      %mul3A_1947 = arith.constant 32 : i32
      %mul3A_1948 = arith.muli %arg1, %mul3A_1947 : i32
      "tpu.region"() ({
        %run_scoped3A = tpu.sem_alloc : memref<!tpu.dma_semaphore, #tpu.memory_space<semaphore_mem>>
        %dma_start3A_1951 = arith.constant 0 : i32
        %dma_start3A_1952 = tpu.memref_slice %arg13[%mul3A_1948, %dma_start3A_1951] : memref<512x64xf32, #tpu.memory_space<vmem_shared>> -> memref<32x64xf32, #tpu.memory_space<vmem_shared>>
        %dma_start3A_1953 = arith.constant 0 : i32
        %dma_start3A_1954 = tpu.memref_slice %arg13[%mul3A_1948, %dma_start3A_1953] : memref<512x64xf32, #tpu.memory_space<vmem_shared>> -> memref<32x64xf32, #tpu.memory_space<vmem_shared>>
        tpu.enqueue_dma source(%arg12 : memref<32x64xf32, #tpu.memory_space<vmem>>) target(%dma_start3A_1954 : memref<32x64xf32, #tpu.memory_space<vmem_shared>>) target_semaphore(%run_scoped3A : memref<!tpu.dma_semaphore, #tpu.memory_space<semaphore_mem>>)
        %dma_wait3A_1955 = arith.constant 0 : i32
        %dma_wait3A_1956 = tpu.memref_slice %arg13[%mul3A_1948, %dma_wait3A_1955] : memref<512x64xf32, #tpu.memory_space<vmem_shared>> -> memref<32x64xf32, #tpu.memory_space<vmem_shared>>
        %dma_wait3A_1957 = arith.constant 0 : i32
        %dma_wait3A_1958 = tpu.memref_slice %arg13[%mul3A_1948, %dma_wait3A_1957] : memref<512x64xf32, #tpu.memory_space<vmem_shared>> -> memref<32x64xf32, #tpu.memory_space<vmem_shared>>
        tpu.wait_dma2 semaphore(%run_scoped3A : memref<!tpu.dma_semaphore, #tpu.memory_space<semaphore_mem>>) src(%arg12 : memref<32x64xf32, #tpu.memory_space<vmem>>) dst(%dma_wait3A_1958 : memref<32x64xf32, #tpu.memory_space<vmem_shared>>)
        tpu.yield
      }) : () -> ()
      "tpu.region"() ({
        %run_scoped3A = tpu.sem_alloc : memref<!tpu.dma_semaphore, #tpu.memory_space<semaphore_mem>>
        %dma_start3A_1951 = arith.constant 0 : i32
        %dma_start3A_1952 = arith.constant 0 : i32
        %dma_start3A_1953 = tpu.memref_slice %arg13[%dma_start3A_1951, %dma_start3A_1952] : memref<512x64xf32, #tpu.memory_space<vmem_shared>> -> memref<512x64xf32, #tpu.memory_space<vmem_shared>>
        tpu.enqueue_indirect_dma source(%arg10 : memref<1600x64xf32, #tpu.memory_space<vmem>>) target(%dma_start3A_1953 : memref<512x64xf32, #tpu.memory_space<vmem_shared>>) offsets(%arg11 : memref<1600xi32, #tpu.memory_space<vmem>>) semaphore(%run_scoped3A : memref<!tpu.dma_semaphore, #tpu.memory_space<semaphore_mem>>) {add = true}
        %dma_wait3A_1954 = arith.constant 0 : i32
        %dma_wait3A_1955 = arith.constant 0 : i32
        %dma_wait3A_1956 = tpu.memref_slice %arg13[%dma_wait3A_1954, %dma_wait3A_1955] : memref<512x64xf32, #tpu.memory_space<vmem_shared>> -> memref<512x64xf32, #tpu.memory_space<vmem_shared>>
        tpu.wait_indirect_dma semaphore(%run_scoped3A : memref<!tpu.dma_semaphore, #tpu.memory_space<semaphore_mem>>) src(%arg10 : memref<1600x64xf32, #tpu.memory_space<vmem>>) dst(%dma_wait3A_1956 : memref<512x64xf32, #tpu.memory_space<vmem_shared>>)
        tpu.yield
      }) : () -> ()
      %mul3A_1949 = arith.constant 32 : i32
      %mul3A_1950 = arith.muli %arg1, %mul3A_1949 : i32
      "tpu.region"() ({
        %run_scoped3A = tpu.sem_alloc : memref<!tpu.dma_semaphore, #tpu.memory_space<semaphore_mem>>
        %dma_start3A_1951 = arith.constant 0 : i32
        %dma_start3A_1952 = tpu.memref_slice %arg8[%add3A_1940, %dma_start3A_1951] : memref<16384x64xf32, #tpu.memory_space<hbm>> -> memref<32x64xf32, #tpu.memory_space<hbm>>
        %dma_start3A_1953 = arith.constant 0 : i32
        %dma_start3A_1954 = tpu.memref_slice %arg13[%mul3A_1950, %dma_start3A_1953] : memref<512x64xf32, #tpu.memory_space<vmem_shared>> -> memref<32x64xf32, #tpu.memory_space<vmem_shared>>
        tpu.enqueue_dma source(%dma_start3A_1954 : memref<32x64xf32, #tpu.memory_space<vmem_shared>>) target(%dma_start3A_1952 : memref<32x64xf32, #tpu.memory_space<hbm>>) target_semaphore(%run_scoped3A : memref<!tpu.dma_semaphore, #tpu.memory_space<semaphore_mem>>)
        %dma_wait3A_1955 = arith.constant 0 : i32
        %dma_wait3A_1956 = tpu.memref_slice %arg8[%add3A_1940, %dma_wait3A_1955] : memref<16384x64xf32, #tpu.memory_space<hbm>> -> memref<32x64xf32, #tpu.memory_space<hbm>>
        %dma_wait3A_1957 = arith.constant 0 : i32
        %dma_wait3A_1958 = tpu.memref_slice %arg13[%mul3A_1950, %dma_wait3A_1957] : memref<512x64xf32, #tpu.memory_space<vmem_shared>> -> memref<32x64xf32, #tpu.memory_space<vmem_shared>>
        tpu.wait_dma2 semaphore(%run_scoped3A : memref<!tpu.dma_semaphore, #tpu.memory_space<semaphore_mem>>) src(%dma_wait3A_1958 : memref<32x64xf32, #tpu.memory_space<vmem_shared>>) dst(%dma_wait3A_1956 : memref<32x64xf32, #tpu.memory_space<hbm>>)
        tpu.yield
      }) : () -> ()
    }
    %scan3A_1934 = arith.constant 16 : i32
    return
  }
}

module attributes {stable_mosaic.version = 14 : i64} {
  func.func @body(%arg0: i32, %arg1: memref<2048x64xf32, #tpu.memory_space<vmem>>, %arg2: memref<2048x64xf32, #tpu.memory_space<vmem>>, %arg3: memref<128x3xf32, #tpu.memory_space<vmem>>, %arg4: memref<1x3xf32, #tpu.memory_space<vmem>>, %arg5: memref<2048x3xf32, #tpu.memory_space<vmem>>) attributes {dimension_semantics = [#tpu.dimension_semantics<arbitrary>], iteration_bounds = array<i64: 8>, scalar_prefetch = 0 : i64, scratch_operands = 0 : i64, tpu.core_type = #tpu.core_type<tc>, window_params = [{transform_indices = @transform_0, window_bounds = array<i64: 2048, 64>}, {transform_indices = @transform_1, window_bounds = array<i64: 2048, 64>}, {pipeline_mode = #tpu.pipeline_mode<synchronous>, transform_indices = @transform_2, window_bounds = array<i64: 128, 3>}, {pipeline_mode = #tpu.pipeline_mode<synchronous>, transform_indices = @transform_3, window_bounds = array<i64: 1, 3>}, {transform_indices = @transform_4, window_bounds = array<i64: 2048, 3>}]} {
    %get3A = arith.constant 0 : index
    %get3A_0 = arith.constant 0 : index
    %get3A_1 = vector.load %arg3[%get3A, %get3A_0] : memref<128x3xf32, #tpu.memory_space<vmem>>, vector<128x3xf32>
    %mul3A = arith.constant 2.000000e-02 : f32
    %mul3A_2 = vector.broadcast %mul3A : f32 to vector<128x3xf32>
    %mul3A_3 = arith.mulf %get3A_1, %mul3A_2 : vector<128x3xf32>
    %get3A_4 = arith.constant 0 : index
    %get3A_5 = arith.constant 0 : index
    %get3A_6 = vector.load %arg1[%get3A_4, %get3A_5] : memref<2048x64xf32, #tpu.memory_space<vmem>>, vector<2048x64xf32>
    %slice3A = vector.extract_strided_slice %mul3A_3 {offsets = [0, 0], sizes = [64, 3], strides = [1, 1]} : vector<128x3xf32> to vector<64x3xf32>
    %dot_general3A = arith.constant dense<0.000000e+00> : vector<2048x3xf32>
    %dot_general3A_7 = tpu.matmul %get3A_6, %slice3A, %dot_general3A {dimension_numbers = #tpu.dot_dimension_numbers<[1], [0], [0], [1], [0, 0, 1, 1], [], []>, transpose_lhs_hint = false} : vector<2048x64xf32>, vector<64x3xf32>, vector<2048x3xf32> -> vector<2048x3xf32>
    %get3A_8 = arith.constant 0 : index
    %get3A_9 = arith.constant 0 : index
    %get3A_10 = vector.load %arg2[%get3A_8, %get3A_9] : memref<2048x64xf32, #tpu.memory_space<vmem>>, vector<2048x64xf32>
    %slice3A_11 = vector.extract_strided_slice %mul3A_3 {offsets = [64, 0], sizes = [64, 3], strides = [1, 1]} : vector<128x3xf32> to vector<64x3xf32>
    %dot_general3A_12 = arith.constant dense<0.000000e+00> : vector<2048x3xf32>
    %dot_general3A_13 = tpu.matmul %get3A_10, %slice3A_11, %dot_general3A_12 {dimension_numbers = #tpu.dot_dimension_numbers<[1], [0], [0], [1], [0, 0, 1, 1], [], []>, transpose_lhs_hint = false} : vector<2048x64xf32>, vector<64x3xf32>, vector<2048x3xf32> -> vector<2048x3xf32>
    %add3A = arith.addf %dot_general3A_7, %dot_general3A_13 : vector<2048x3xf32>
    %get3A_14 = arith.constant 0 : index
    %get3A_15 = arith.constant 0 : index
    %get3A_16 = vector.load %arg4[%get3A_14, %get3A_15] : memref<1x3xf32, #tpu.memory_space<vmem>>, vector<1x3xf32>
    %add3A_17 = vector.broadcast %get3A_16 : vector<1x3xf32> to vector<2048x3xf32>
    %add3A_18 = arith.addf %add3A, %add3A_17 : vector<2048x3xf32>
    %swap3A = arith.constant 0 : index
    %swap3A_19 = arith.constant 0 : index
    %swap3A_20 = vector.load %arg5[%swap3A, %swap3A_19] : memref<2048x3xf32, #tpu.memory_space<vmem>>, vector<2048x3xf32>
    tpu.vector_store %arg5[%swap3A, %swap3A_19], %add3A_18 {strides = array<i32>} : memref<2048x3xf32, #tpu.memory_space<vmem>>, vector<2048x3xf32>,
    return
  }
  func.func @transform_0(%arg0: i32) -> (i32, i32) {
    %c0_i32 = arith.constant 0 : i32
    %c0_i32_0 = arith.constant 0 : i32
    return %arg0, %c0_i32 : i32, i32
  }
  func.func @transform_1(%arg0: i32) -> (i32, i32) {
    %c0_i32 = arith.constant 0 : i32
    %c0_i32_0 = arith.constant 0 : i32
    return %arg0, %c0_i32 : i32, i32
  }
  func.func @transform_2(%arg0: i32) -> (i32, i32) {
    %c0_i32 = arith.constant 0 : i32
    %c0_i32_0 = arith.constant 0 : i32
    %c0_i32_1 = arith.constant 0 : i32
    return %c0_i32, %c0_i32_0 : i32, i32
  }
  func.func @transform_3(%arg0: i32) -> (i32, i32) {
    %c0_i32 = arith.constant 0 : i32
    %c0_i32_0 = arith.constant 0 : i32
    %c0_i32_1 = arith.constant 0 : i32
    return %c0_i32, %c0_i32_0 : i32, i32
  }
  func.func @transform_4(%arg0: i32) -> (i32, i32) {
    %c0_i32 = arith.constant 0 : i32
    %c0_i32_0 = arith.constant 0 : i32
    return %arg0, %c0_i32 : i32, i32
  }
}

</mosaic_0001>

<sc_bundles>
// kernel: kernel.4.cloned.1.call-start
scs
__scs_entry_jumppad:
0x0: {  	(pc) =	sbr.rel $0x88, $3  }
0x1: {  	(tag) =	ssettag $0x0;
	lr =	simm.s32 $0x1  }
0x2: {  	[smem:$0x3F9B] =	sst lr;
	_ =	strace $0xD0000000  }
0x3: {  	_ = 	snop  }
0x4: {  	_ = 	snop  }
0x5: {  	_ = 	snop  }
0x6: {  	_ = 	snop  }
0x7: {  	_ = 	snop  }
__scs_overlays_trampoline_lowered:
0x8: {  	[smem:$0x3FAA] =	sst s0  }
0x9: {  	[smem:$0x3FAB] =	sst s1  }
0xa: {  	[smem:$0x3FAC] =	sst s2  }
0xb: {  	[smem:$0x3FAD] =	sst s3  }
0xc: {  	[smem:$0x3FAE] =	sst s4  }
0xd: {  	[smem:$0x3FAF] =	sst s5  }
0xe: {  	[smem:$0x3FB0] =	sst s6  }
0xf: {  	[smem:$0x3FB1] =	sst s7  }
0x10: {  	[smem:$0x3FB2] =	sst s8  }
0x11: {  	[smem:$0x3FB3] =	sst s9;
	s0 =	simm.s32 @!p0 $0x0  }
0x12: {  	s1 =	sld [smem:$0x3F99];
	s0 =	simm.s32 @p0 $0x1  }
0x13: {  	[smem:$0x3FB4] =	sst s0;
	s0 =	simm.s32 @!p1 $0x0  }
0x14: {  	s2 =	sld [smem:$0x3F98];
	s0 =	simm.s32 @p1 $0x1  }
0x15: {  	[smem:$0x3FB5] =	sst s0;
	s0 =	simm.s32 @!p2 $0x0  }
0x16: {  	s3 =	sld [smem:$0x3FDB];
	s0 =	simm.s32 @p2 $0x1  }
0x17: {  	s4 =	simm.s32 $0x1BF5;
	[smem:$0x3FB7] =	sst s0  }
0x18: {  	s0 =	sld [smem:$0x3F9A];
	_ =	swait.ge [sflag:s4], $0x0  }
0x19: {  	s7 =	sld [smem:$0x3F9B]  }
0x1a: {  	s8 =	sadd.s32 $0xFFFFE003, lr  }
0x1b: {  	s9 =	sadd.s32 $0xFFFFFEF7, lr;
	s5 =	simm.s32 $0xFFFFFFFF;
	p2 =	slt.u32 s8, $0xFFFFF086  }
0x1c: {  	p1 =	slt.u32 s9, $0xF7A;
	s5 =	simm.s32 @!p2 $0x0  }
0x1d: {  	s5 =	simm.s32 @p1 $0x1;
	p0 =	seq.s32 s7, s2  }
0x1e: {  	s7 =	smul.u32 @!p0 $0xF7A, s2;
	p2 =	seq.s32 @!p0 s5, $0x0  }
0x1f: {  	s9 =	smul.u32 $0xF7A, s1;
	s8 =	simm.s32 @!p0 $0x1BF5;
	p2 =	por !p2, p0  }
0x20: {  	[sflag:s8] =	ssyncset.s32 @!p0 $0xFFFFF086;
	s6 =	sadd.s32 @!p0 s3, s7;
	s7 =	simm.s32 @!p0 $0x108  }
0x21: {  	s3 =	sadd.s32 s3, s9;
	s6 =	sadd.s32 @!p0 $0x88, s6;
	s7 =	simm.s32 @p2 $0x1082  }
0x22: {  	[simem:s7], [sflag:s8] =	dma.local @!p0 [hbm:s6], $0xF7A  }
0x23: {  	s9 =	sor.u32 $0xD0000000, s2;
	s6 =	simm.s32 $0x108;
	_ =	swait.ge @!p0 [sflag:s8], $0x0  }
0x24: {  	s3 =	sadd.s32 $0x88, s3;
	s6 =	simm.s32 @!p1 $0x1082;
	[sflag:s4] =	ssyncset.s32 $0xFFFFF086  }
0x25: {  	[simem:s6], [sflag:s4] =	dma.local [hbm:s3], $0xF7A  }
0x26: {  	[smem:$0x3F9B] =	sst s1;
	(tag) =	ssettag s2;
	_ =	strace s9  }
0x27: {  	s1 =	sld [smem:$0x3FAB]  }
0x28: {  	s2 =	sld [smem:$0x3FAC]  }
0x29: {  	s4 =	sld [smem:$0x3FAE]  }
0x2a: {  	p0 =	seq.s32 s5, $0x0;
	s5 =	sld [smem:$0x3FAF]  }
0x2b: {  	s6 =	sld [smem:$0x3FB0]  }
0x2c: {  	s7 =	sld [smem:$0x3FB1]  }
0x2d: {  	s3 =	simm.s32 $0x108;
	s8 =	sld [smem:$0x3FB2]  }
0x2e: {  	s3 =	simm.s32 @!p0 $0x1082;
	s9 =	sld [smem:$0x3FB3]  }
0x2f: {  	lr =	sadd.s32 s0, s3;
	s0 =	sld [smem:$0x3FAA]  }
0x30: {  	s3 =	sld [smem:$0x3FAD]  }
0x31: {  	[smem:$0x3FB6] =	sst s10  }
0x32: {  	s10 =	sld [smem:$0x3FB4];
	_ =	sdelay $0x3  }
0x33: {  	p0 =	seq.s32 s10, $0x1;
	s10 =	sld [smem:$0x3FB6];
	_ =	sdelay $0x3  }
0x34: {  	[smem:$0x3FB6] =	sst s10  }
0x35: {  	s10 =	sld [smem:$0x3FB5];
	_ =	sdelay $0x3  }
0x36: {  	p1 =	seq.s32 s10, $0x1;
	s10 =	sld [smem:$0x3FB6];
	_ =	sdelay $0x3  }
0x37: {  	[smem:$0x3FB6] =	sst s10  }
0x38: {  	s10 =	sld [smem:$0x3FB7]  }
0x39: {  	_ = 	snop;
	(pc) =	sbr.ind lr, $3  }
0x3a: {  	_ = 	snop  }
0x3b: {  	_ = 	snop  }
0x3c: {  	p2 =	seq.s32 s10, $0x1;
	s10 =	sld [smem:$0x3FB6]  }
0x3d: {  	_ =	shalt  }
0x3e: {  	_ =	shalt  }
0x3f: {  	_ =	shalt  }
0x40: {  	_ =	shalt  }
0x41: {  	_ =	shalt  }
0x42: {  	_ =	shalt  }
0x43: {  	_ =	shalt  }
0x44: {  	_ =	shalt  }
0x45: {  	_ =	shalt  }
0x46: {  	_ =	shalt  }
0x47: {  	_ =	shalt  }
0x48: {  	_ =	shalt  }
0x49: {  	_ =	shalt  }
0x4a: {  	_ =	shalt  }
0x4b: {  	_ =	shalt  }
0x4c: {  	_ =	shalt  }
0x4d: {  	_ =	shalt  }
0x4e: {  	_ =	shalt  }
0x4f: {  	_ =	shalt  }
0x50: {  	_ =	shalt  }
0x51: {  	_ =	shalt  }
0x52: {  	_ =	shalt  }
0x53: {  	_ =	shalt  }
0x54: {  	_ =	shalt  }
0x55: {  	_ =	shalt  }
0x56: {  	_ =	shalt  }
0x57: {  	_ =	shalt  }
0x58: {  	_ =	shalt  }
0x59: {  	_ =	shalt  }
0x5a: {  	_ =	shalt  }
0x5b: {  	_ =	shalt  }
0x5c: {  	_ =	shalt  }
0x5d: {  	_ =	shalt  }
0x5e: {  	_ =	shalt  }
0x5f: {  	_ =	shalt  }
0x60: {  	_ =	shalt  }
0x61: {  	_ =	shalt  }
0x62: {  	_ =	shalt  }
0x63: {  	_ =	shalt  }
0x64: {  	_ =	shalt  }
0x65: {  	_ =	shalt  }
0x66: {  	_ =	shalt  }
0x67: {  	_ =	shalt  }
0x68: {  	_ =	shalt  }
0x69: {  	_ =	shalt  }
0x6a: {  	_ =	shalt  }
0x6b: {  	_ =	shalt  }
0x6c: {  	_ =	shalt  }
0x6d: {  	_ =	shalt  }
0x6e: {  	_ =	shalt  }
0x6f: {  	_ =	shalt  }
0x70: {  	_ =	shalt  }
0x71: {  	_ =	shalt  }
0x72: {  	_ =	shalt  }
0x73: {  	_ =	shalt  }
0x74: {  	_ =	shalt  }
0x75: {  	_ =	shalt  }
0x76: {  	_ =	shalt  }
0x77: {  	_ =	shalt  }
0x78: {  	_ =	shalt  }
0x79: {  	_ =	shalt  }
0x7a: {  	_ =	shalt  }
0x7b: {  	_ =	shalt  }
0x7c: {  	_ =	shalt  }
0x7d: {  	_ =	shalt  }
0x7e: {  	_ =	shalt  }
0x7f: {  	_ =	shalt  }
0x80: {  	_ =	shalt  }
0x81: {  	_ =	shalt  }
0x82: {  	_ =	shalt  }
0x83: {  	_ =	shalt  }
0x84: {  	_ =	shalt  }
0x85: {  	_ =	shalt  }
0x86: {  	_ =	shalt  }
0x87: {  	_ =	shalt  }
.Lfunc_end0:
.L_simem_size_0:
called_computation_lowered:
.L_overlay_start_0:
0x88: {  	s2 =	sld [smem:$0x3FD9]  }
0x89: {  	s3 =	sld [smem:$0x3FFE];
	_ =	sdelay $0x1  }
0x8a: {  	s1 =	srdreg.scid  }
0x8b: {  	s0 =	sand.u32 $0x1, s1  }
0x8c: {  	s17 =	sshll.u32 s0, $0xA;
	s2 =	sadd.s32 s3, s2  }
0x8d: {  	s2 =	sadd.s32 s2, s17  }
0x8e: {  	[smem:$0x3FC2] =	sst s2  }
0x8f: {  	_ = 	snop  }
0x90: {  	s2 =	sld [smem:$0x3FD0];
	(tm) =	ssettm $0x1  }
0x91: {  	s18 =	sld [smem:$0x3FFB];
	_ =	sdelay $0x3  }
0x92: {  	_ =	strace s18  }
0x93: {  	s3 =	sld [smem:$0x3FFC];
	_ =	sdelay $0x3  }
0x94: {  	_ =	strace s3  }
0x95: {  	s3 =	sld [smem:$0x3FFD];
	_ =	sdelay $0x3  }
0x96: {  	_ =	strace s3  }
0x97: {  	_ =	strace $0x8FFFFFFF  }
0x98: {  	s19 =	sld [smem:$0x3FDB];
	_ =	sdelay $0x1  }
0x99: {  	s4 =	simm.s32 $_scs_section_size  }
0x9a: {  	s5 =	simm.s32 $_size__tile_overlayer_lowered;
	s6 =	simm.s32 $_tile_overlayer_lowered  }
0x9b: {  	s22 =	simm.s32 $0x1BFF;
	s21 =	sshll.u32 s6, $0x1;
	s3 =	sadd.s32 s4, s19  }
0x9c: {  	s7 =	simm.s32 $0x0;
	s20 =	sshll.u32 s5, $0x1;
	s5 =	sadd.s32 s21, s3  }
0x9d: {  	[timem:s7], [sflag:s22] =	dma.local [hbm:s5], s20  }
0x9e: {  	_ =	swait.ge [sflag:s22], s20  }
0x9f: {  	s4 =	ssub.s32 $0x0, s20;
	[sflag:s22] =	ssyncset.done $0x0  }
0xa0: {  	[sflag:s22] =	ssyncadd.s32 s4;
	_ =	sdelay $0x1  }
0xa1: {  	s23 =	simm.s32 $0x1B8B  }
0xa2: {  	_ =	swait.ge [sflag:s23], $0x1  }
0xa3: {  	[sflag:s23] =	ssyncset.done $0x0  }
0xa4: {  	s25 =	simm.s32 $0x1B8E;
	s24 =	sld [smem:$0x3FFE];
	[sflag:s23] =	ssyncadd.s32 $0xFFFFFFFF  }
0xa5: {  	s26 =	simm.s32 $execute0_lowered;
	[smem:$0x3FD2] =	sst s25  }
0xa6: {  	s5 =	sshll.u32 s26, $0x1;
	_ =	strace $0x80000046;
	[dreg:$0x1] =	wrdreg $0xFFFFFFFF  }
0xa7: {  	s28 =	simm.s32 $_size_execute0_lowered;
	s3 =	sadd.s32 s3, s5;
	[dreg:$0x0] =	wrdreg $0x0  }
0xa8: {  	s5 =	sshll.u32 s28, $0x1;
	[dreg:$0x2] =	wrdreg s3  }
0xa9: {  	[dreg:$0x3] =	wrdreg s5  }
0xaa: {  	[dreg:$0x4] =	wrdreg $0xC0  }
0xab: {  	_ =	task [dreg:s7], $0x5FFFF  }
0xac: {  	[dreg:$0x1] =	wrdreg $0xFFFFFFFF  }
0xad: {  	[dreg:$0x0] =	wrdreg $0x60  }
0xae: {  	[dreg:$0x2] =	wrdreg s24  }
0xaf: {  	[dreg:$0x3] =	wrdreg s2  }
0xb0: {  	[dreg:$0x4] =	wrdreg $0x1A4800  }
0xb1: {  	[dreg:$0x5] =	wrdreg $0x9  }
0xb2: {  	_ =	task.clear_ibuf [dreg:s7], $0x6FFFF;
	_ =	strace $0x90000046  }
0xb3: {  	s29 =	simm.s32 $0x9;
	_ =	strace $0x80000048  }
0xb4: {  	_ =	swait.ge [sflag:s29], $0x1  }
0xb5: {  	[sflag:s29] =	ssyncadd.s32 $0xFFFFFFFF  }
0xb6: {  	_ =	strace $0x90000048  }
0xb7: {  	_ =	sfence  }
0xb8: {  	s30 =	sld [smem:$0x0];
	_ =	sdelay $0x2  }
0xb9: {  	s31 =	sshll.u32 s1, $0xD;
	s1 =	sshrl.u32 s1, $0x2  }
0xba: {  	s3 =	sand.u32 $0x4000, s31;
	s1 =	sadd.s32 s1, s30  }
0xbb: {  	s0 =	sor.u32 s3, s0;
	s1 =	sshll.u32 s1, $0x11  }
0xbc: {  	s0 =	sor.u32 s1, s0  }
0xbd: {  	s0 =	sadd.s32 $0x8F2B, s0  }
0xbe: {  	[sflag:s0] =	ssyncadd.remote.s32 $0x1  }
0xbf: {  	_ =	sfence.sel $0xFFFF  }
0xc0: {  	[dreg:$0x0] =	wrdreg $0xFFFFFFFF;
	(pc) =	sbr.abs _section_cstart, $3  }
0xc1: {  	[dreg:$0x1] =	wrdreg $0xFFFFFFFF  }
0xc2: {  	_ =	task.clear_ibuf [dreg:s7], $0x2FFFF;
	_ =	strace $0x9FFFFFFF  }
0xc3: {  	(tm) =	ssettm $0x7FFFFFFF  }
tec
execute0_lowered:
.L_overlay_start_1:
0x0: {  	(tag) =	ssettag $0x1  }
0x1: {  	s7 =	rddreg [dreg:$0x0]  }
0x2: {  	s1 =	srdreg.scid;
	s2 =	rddreg [dreg:$0x1]  }
0x3: {  	s0 =	stileid.u32;
	s3 =	rddreg [dreg:$0x2]  }
0x4: {  	s4 =	simm.s32 $0x0;
	s13 =	simm.s32 $0x19640;
	s14 =	simm.s32 $0x2  }
0x5: {  	s15 =	simm.s32 $0x640;
	s16 =	simm.s32 $0x1;
	s17 =	simm.s32 $0x19C80  }
0x6: {  	s8 =	sand.u32 $0x1, s1;
	s5 =	smul.u32 $0xC800, s0;
	s1 =	rddreg [dreg:$0x3]  }
0x7: {  	s20 =	simm.s32 $0x0;
	[smem:$0x7FF] =	sst s4;
	s6 =	smul.u32 $0x6400, s8  }
0x8: {  	s10 =	sshll.u32 s0, $0xD;
	s18 =	sshll.u32 s0, $0x5;
	s19 =	sshll.u32 s0, $0x6  }
0x9: {  	_ =	strace $0x80000047;
	s9 =	ssub.s32 $0x2, s8;
	s5 =	sadd.s32 s6, s5  }
0xa: {  	s8 =	sshll.u32 s8, $0xC;
	v0 =	vmov s18;
	s18 =	sor.u32 $0x1C02, s19;
	s5 =	sshrl.u32 s5, $0x3  }
0xb: {  	s11 =	sshrl.u32 s9, $0x1;
	s6 =	sadd.s32 $0xF43600, s7;
	s12 =	sadd.s32 s5, s7  }
0xc: {  	s5 =	sadd.s32 $0x16E4800, s7;
	s7 =	sadd.s32 s10, s7;
	s10 =	sshrl.u32 s10, $0x2  }
0xd: {  	s9 =	ssub.s32 s9, s11;
	s31 =	sadd.s32 s8, s7;
	s7 =	sadd.s32 s10, s3  }
0xe: {  	s8 =	smax.u32 s9, $0x1;
	s10 =	sadd.s32 $0x1A200, s12;
	s12 =	sadd.s32 $0x1200, s12  }
0xf: {  	v1 =	vimm.f32 $0.0e+00;
	s9 =	sadd.s32 $0x53200, s31;
	s11 =	sadd.s32 $0x33200, s31;
	s19 =	sshrl.u32 s7, $0x3  }
.LBB2_1:
0x10: {  	[tilespmem:s13], [sflag:$0x2] =	stream.linear.gather [hbm4b:s2+s4], $0x640, $0x38;
	[tilespmem:$0x1AC80] =	vst v63  }
0x11: {  	_ =	swait.ge [sflag:s14], $0x640  }
0x12: {  	[sflag:s14] =	ssyncset.done $0x0  }
0x13: {  	[sflag:s14] =	ssyncadd.s32 $0xFFFFF9C0  }
0x14: {  	[tilespmem:$0x19C80] =	vst v1  }
0x15: {  	[tilespmem:$0x19C90] =	vst v1  }
0x16: {  	[tilespmem:$0x19CA0] =	vst v1  }
0x17: {  	[tilespmem:$0x19CB0] =	vst v1  }
0x18: {  	[tilespmem:$0x19CC0] =	vst v1  }
0x19: {  	[tilespmem:$0x19CD0] =	vst v1  }
0x1a: {  	[tilespmem:$0x19CE0] =	vst v1  }
0x1b: {  	[tilespmem:$0x19CF0] =	vst v1  }
0x1c: {  	[tilespmem:$0x19D00] =	vst v1  }
0x1d: {  	[tilespmem:$0x19D10] =	vst v1  }
0x1e: {  	[tilespmem:$0x19D20] =	vst v1  }
0x1f: {  	[tilespmem:$0x19D30] =	vst v1  }
0x20: {  	[tilespmem:$0x19D40] =	vst v1  }
0x21: {  	[tilespmem:$0x19D50] =	vst v1  }
0x22: {  	[tilespmem:$0x19D60] =	vst v1  }
0x23: {  	[tilespmem:$0x19D70] =	vst v1  }
0x24: {  	[tilespmem:$0x19D80] =	vst v1  }
0x25: {  	[tilespmem:$0x19D90] =	vst v1  }
0x26: {  	[tilespmem:$0x19DA0] =	vst v1  }
0x27: {  	[tilespmem:$0x19DB0] =	vst v1  }
0x28: {  	[tilespmem:$0x19DC0] =	vst v1  }
0x29: {  	[tilespmem:$0x19DD0] =	vst v1  }
0x2a: {  	[tilespmem:$0x19DE0] =	vst v1  }
0x2b: {  	[tilespmem:$0x19DF0] =	vst v1  }
0x2c: {  	[tilespmem:$0x19E00] =	vst v1  }
0x2d: {  	[tilespmem:$0x19E10] =	vst v1  }
0x2e: {  	[tilespmem:$0x19E20] =	vst v1  }
0x2f: {  	[tilespmem:$0x19E30] =	vst v1  }
0x30: {  	[tilespmem:$0x19E40] =	vst v1  }
0x31: {  	[tilespmem:$0x19E50] =	vst v1  }
0x32: {  	[tilespmem:$0x19E60] =	vst v1  }
0x33: {  	[tilespmem:$0x19E70] =	vst v1  }
0x34: {  	[tilespmem:$0x19E80] =	vst v1  }
0x35: {  	[tilespmem:$0x19E90] =	vst v1  }
0x36: {  	[tilespmem:$0x19EA0] =	vst v1  }
0x37: {  	[tilespmem:$0x19EB0] =	vst v1  }
0x38: {  	[tilespmem:$0x19EC0] =	vst v1  }
0x39: {  	[tilespmem:$0x19ED0] =	vst v1  }
0x3a: {  	[tilespmem:$0x19EE0] =	vst v1  }
0x3b: {  	[tilespmem:$0x19EF0] =	vst v1  }
0x3c: {  	[tilespmem:$0x19F00] =	vst v1  }
0x3d: {  	[tilespmem:$0x19F10] =	vst v1  }
0x3e: {  	[tilespmem:$0x19F20] =	vst v1  }
0x3f: {  	[tilespmem:$0x19F30] =	vst v1  }
0x40: {  	[tilespmem:$0x19F40] =	vst v1  }
0x41: {  	[tilespmem:$0x19F50] =	vst v1  }
0x42: {  	[tilespmem:$0x19F60] =	vst v1  }
0x43: {  	[tilespmem:$0x19F70] =	vst v1  }
0x44: {  	[tilespmem:$0x19F80] =	vst v1  }
0x45: {  	[tilespmem:$0x19F90] =	vst v1  }
0x46: {  	[tilespmem:$0x19FA0] =	vst v1  }
0x47: {  	[tilespmem:$0x19FB0] =	vst v1  }
0x48: {  	[tilespmem:$0x19FC0] =	vst v1  }
0x49: {  	[tilespmem:$0x19FD0] =	vst v1  }
0x4a: {  	[tilespmem:$0x19FE0] =	vst v1  }
0x4b: {  	[tilespmem:$0x19FF0] =	vst v1  }
0x4c: {  	[tilespmem:$0x1A000] =	vst v1  }
0x4d: {  	[tilespmem:$0x1A010] =	vst v1  }
0x4e: {  	[tilespmem:$0x1A020] =	vst v1  }
0x4f: {  	[tilespmem:$0x1A030] =	vst v1  }
0x50: {  	[tilespmem:$0x1A040] =	vst v1  }
0x51: {  	[tilespmem:$0x1A050] =	vst v1  }
0x52: {  	[tilespmem:$0x1A060] =	vst v1  }
0x53: {  	[tilespmem:$0x1A070] =	vst v1  }
0x54: {  	[tilespmem:$0x1A080] =	vst v1  }
0x55: {  	[tilespmem:$0x1A090] =	vst v1  }
0x56: {  	[tilespmem:$0x1A0A0] =	vst v1  }
0x57: {  	[tilespmem:$0x1A0B0] =	vst v1  }
0x58: {  	[tilespmem:$0x1A0C0] =	vst v1  }
0x59: {  	[tilespmem:$0x1A0D0] =	vst v1  }
0x5a: {  	[tilespmem:$0x1A0E0] =	vst v1  }
0x5b: {  	[tilespmem:$0x1A0F0] =	vst v1  }
0x5c: {  	[tilespmem:$0x1A100] =	vst v1  }
0x5d: {  	[tilespmem:$0x1A110] =	vst v1  }
0x5e: {  	[tilespmem:$0x1A120] =	vst v1  }
0x5f: {  	[tilespmem:$0x1A130] =	vst v1  }
0x60: {  	[tilespmem:$0x1A140] =	vst v1  }
0x61: {  	[tilespmem:$0x1A150] =	vst v1  }
0x62: {  	[tilespmem:$0x1A160] =	vst v1  }
0x63: {  	[tilespmem:$0x1A170] =	vst v1  }
0x64: {  	[tilespmem:$0x1A180] =	vst v1  }
0x65: {  	[tilespmem:$0x1A190] =	vst v1  }
0x66: {  	[tilespmem:$0x1A1A0] =	vst v1  }
0x67: {  	[tilespmem:$0x1A1B0] =	vst v1  }
0x68: {  	[tilespmem:$0x1A1C0] =	vst v1  }
0x69: {  	[tilespmem:$0x1A1D0] =	vst v1  }
0x6a: {  	[tilespmem:$0x1A1E0] =	vst v1  }
0x6b: {  	[tilespmem:$0x1A1F0] =	vst v1  }
0x6c: {  	[tilespmem:$0x1A200] =	vst v1  }
0x6d: {  	[tilespmem:$0x1A210] =	vst v1  }
0x6e: {  	[tilespmem:$0x1A220] =	vst v1  }
0x6f: {  	[tilespmem:$0x1A230] =	vst v1  }
0x70: {  	[tilespmem:$0x1A240] =	vst v1  }
0x71: {  	[tilespmem:$0x1A250] =	vst v1  }
0x72: {  	[tilespmem:$0x1A260] =	vst v1  }
0x73: {  	[tilespmem:$0x1A270] =	vst v1  }
0x74: {  	[tilespmem:$0x1A280] =	vst v1  }
0x75: {  	[tilespmem:$0x1A290] =	vst v1  }
0x76: {  	[tilespmem:$0x1A2A0] =	vst v1  }
0x77: {  	[tilespmem:$0x1A2B0] =	vst v1  }
0x78: {  	[tilespmem:$0x1A2C0] =	vst v1  }
0x79: {  	[tilespmem:$0x1A2D0] =	vst v1  }
0x7a: {  	[tilespmem:$0x1A2E0] =	vst v1  }
0x7b: {  	[tilespmem:$0x1A2F0] =	vst v1  }
0x7c: {  	[tilespmem:$0x1A300] =	vst v1  }
0x7d: {  	[tilespmem:$0x1A310] =	vst v1  }
0x7e: {  	[tilespmem:$0x1A320] =	vst v1  }
0x7f: {  	[tilespmem:$0x1A330] =	vst v1  }
0x80: {  	[tilespmem:$0x1A340] =	vst v1  }
0x81: {  	[tilespmem:$0x1A350] =	vst v1  }
0x82: {  	[tilespmem:$0x1A360] =	vst v1  }
0x83: {  	[tilespmem:$0x1A370] =	vst v1  }
0x84: {  	[tilespmem:$0x1A380] =	vst v1  }
0x85: {  	[tilespmem:$0x1A390] =	vst v1  }
0x86: {  	[tilespmem:$0x1A3A0] =	vst v1  }
0x87: {  	[tilespmem:$0x1A3B0] =	vst v1  }
0x88: {  	[tilespmem:$0x1A3C0] =	vst v1  }
0x89: {  	[tilespmem:$0x1A3D0] =	vst v1  }
0x8a: {  	[tilespmem:$0x1A3E0] =	vst v1  }
0x8b: {  	[tilespmem:$0x1A3F0] =	vst v1  }
0x8c: {  	[tilespmem:$0x1A400] =	vst v1  }
0x8d: {  	[tilespmem:$0x1A410] =	vst v1  }
0x8e: {  	v2 =	vld [tilespmem:$0x19640];
	[tilespmem:$0x1A420] =	vst v1  }
0x8f: {  	v3 =	vld [tilespmem:$0x19650];
	[tilespmem:$0x1A430] =	vst v1  }
0x90: {  	v4 =	vld [tilespmem:$0x19660];
	[tilespmem:$0x1A440] =	vst v1  }
0x91: {  	v5 =	vld [tilespmem:$0x19670];
	[tilespmem:$0x1A450] =	vst v1  }
0x92: {  	v6 =	vld [tilespmem:$0x19680];
	[tilespmem:$0x1A460] =	vst v1  }
0x93: {  	v7 =	vld [tilespmem:$0x19690];
	[tilespmem:$0x1A470] =	vst v1;
	v2 =	vadd.s32 v0, v2  }
0x94: {  	[tilespmem:$0x19640] =	vst v2;
	v2 =	vadd.s32 v0, v3;
	v3 =	vld [tilespmem:$0x196A0]  }
0x95: {  	v44 =	vld [tilespmem:$0x196B0];
	[tilespmem:$0x19650] =	vst v2;
	v2 =	vadd.s32 v0, v4  }
0x96: {  	v45 =	vld [tilespmem:$0x196C0];
	[tilespmem:$0x19660] =	vst v2;
	v2 =	vadd.s32 v0, v5  }
0x97: {  	v46 =	vld [tilespmem:$0x196D0];
	[tilespmem:$0x19670] =	vst v2;
	v2 =	vadd.s32 v0, v6  }
0x98: {  	v47 =	vld [tilespmem:$0x196E0];
	[tilespmem:$0x19680] =	vst v2;
	v2 =	vadd.s32 v0, v7  }
0x99: {  	[tilespmem:$0x19690] =	vst v2;
	v2 =	vadd.s32 v0, v3;
	v3 =	vld [tilespmem:$0x196F0]  }
0x9a: {  	v48 =	vld [tilespmem:$0x19700];
	[tilespmem:$0x196A0] =	vst v2;
	v2 =	vadd.s32 v0, v44  }
0x9b: {  	v49 =	vld [tilespmem:$0x19710];
	[tilespmem:$0x196B0] =	vst v2;
	v2 =	vadd.s32 v0, v45  }
0x9c: {  	v50 =	vld [tilespmem:$0x19720];
	[tilespmem:$0x196C0] =	vst v2;
	v2 =	vadd.s32 v0, v46  }
0x9d: {  	v51 =	vld [tilespmem:$0x19730];
	[tilespmem:$0x196D0] =	vst v2;
	v2 =	vadd.s32 v0, v47  }
0x9e: {  	[tilespmem:$0x196E0] =	vst v2;
	v2 =	vadd.s32 v0, v3;
	v3 =	vld [tilespmem:$0x19740]  }
0x9f: {  	v52 =	vld [tilespmem:$0x19750];
	[tilespmem:$0x196F0] =	vst v2;
	v2 =	vadd.s32 v0, v48  }
0xa0: {  	v53 =	vld [tilespmem:$0x19760];
	[tilespmem:$0x19700] =	vst v2;
	v2 =	vadd.s32 v0, v49  }
0xa1: {  	v54 =	vld [tilespmem:$0x19770];
	[tilespmem:$0x19710] =	vst v2;
	v2 =	vadd.s32 v0, v50  }
0xa2: {  	v55 =	vld [tilespmem:$0x19780];
	[tilespmem:$0x19720] =	vst v2;
	v2 =	vadd.s32 v0, v51  }
0xa3: {  	[tilespmem:$0x19730] =	vst v2;
	v2 =	vadd.s32 v0, v3;
	v3 =	vld [tilespmem:$0x19790]  }
0xa4: {  	v56 =	vld [tilespmem:$0x197A0];
	[tilespmem:$0x19740] =	vst v2;
	v2 =	vadd.s32 v0, v52  }
0xa5: {  	v57 =	vld [tilespmem:$0x197B0];
	[tilespmem:$0x19750] =	vst v2;
	v2 =	vadd.s32 v0, v53  }
0xa6: {  	v58 =	vld [tilespmem:$0x197C0];
	[tilespmem:$0x19760] =	vst v2;
	v2 =	vadd.s32 v0, v54  }
0xa7: {  	v59 =	vld [tilespmem:$0x197D0];
	[tilespmem:$0x19770] =	vst v2;
	v2 =	vadd.s32 v0, v55  }
0xa8: {  	[tilespmem:$0x19780] =	vst v2;
	v2 =	vadd.s32 v0, v3;
	v3 =	vld [tilespmem:$0x197E0]  }
0xa9: {  	v60 =	vld [tilespmem:$0x197F0];
	[tilespmem:$0x19790] =	vst v2;
	v2 =	vadd.s32 v0, v56  }
0xaa: {  	v61 =	vld [tilespmem:$0x19800];
	[tilespmem:$0x197A0] =	vst v2;
	v2 =	vadd.s32 v0, v57  }
0xab: {  	v62 =	vld [tilespmem:$0x19810];
	[tilespmem:$0x197B0] =	vst v2;
	v2 =	vadd.s32 v0, v58  }
0xac: {  	v63 =	vld [tilespmem:$0x19820];
	[tilespmem:$0x197C0] =	vst v2;
	v2 =	vadd.s32 v0, v59  }
0xad: {  	[tilespmem:$0x197D0] =	vst v2;
	v2 =	vadd.s32 v0, v3;
	v3 =	vld [tilespmem:$0x19830]  }
0xae: {  	v9 =	vld [tilespmem:$0x19840];
	[tilespmem:$0x197E0] =	vst v2;
	v2 =	vadd.s32 v0, v60  }
0xaf: {  	v10 =	vld [tilespmem:$0x19850];
	[tilespmem:$0x197F0] =	vst v2;
	v2 =	vadd.s32 v0, v61  }
0xb0: {  	v11 =	vld [tilespmem:$0x19860];
	[tilespmem:$0x19800] =	vst v2;
	v2 =	vadd.s32 v0, v62  }
0xb1: {  	v12 =	vld [tilespmem:$0x19870];
	[tilespmem:$0x19810] =	vst v2;
	v2 =	vadd.s32 v0, v63  }
0xb2: {  	[tilespmem:$0x19820] =	vst v2;
	v2 =	vadd.s32 v0, v3;
	v3 =	vld [tilespmem:$0x19880]  }
0xb3: {  	v13 =	vld [tilespmem:$0x19890];
	[tilespmem:$0x19830] =	vst v2;
	v2 =	vadd.s32 v0, v9  }
0xb4: {  	v14 =	vld [tilespmem:$0x198A0];
	[tilespmem:$0x19840] =	vst v2;
	v2 =	vadd.s32 v0, v10  }
0xb5: {  	v15 =	vld [tilespmem:$0x198B0];
	[tilespmem:$0x19850] =	vst v2;
	v2 =	vadd.s32 v0, v11  }
0xb6: {  	v16 =	vld [tilespmem:$0x198C0];
	[tilespmem:$0x19860] =	vst v2;
	v2 =	vadd.s32 v0, v12  }
0xb7: {  	[tilespmem:$0x19870] =	vst v2;
	v2 =	vadd.s32 v0, v3;
	v3 =	vld [tilespmem:$0x198D0]  }
0xb8: {  	v17 =	vld [tilespmem:$0x198E0];
	[tilespmem:$0x19880] =	vst v2;
	v2 =	vadd.s32 v0, v13  }
0xb9: {  	v18 =	vld [tilespmem:$0x198F0];
	[tilespmem:$0x19890] =	vst v2;
	v2 =	vadd.s32 v0, v14  }
0xba: {  	v19 =	vld [tilespmem:$0x19900];
	[tilespmem:$0x198A0] =	vst v2;
	v2 =	vadd.s32 v0, v15  }
0xbb: {  	v20 =	vld [tilespmem:$0x19910];
	[tilespmem:$0x198B0] =	vst v2;
	v2 =	vadd.s32 v0, v16  }
0xbc: {  	[tilespmem:$0x198C0] =	vst v2;
	v2 =	vadd.s32 v0, v3;
	v3 =	vld [tilespmem:$0x19920]  }
0xbd: {  	v21 =	vld [tilespmem:$0x19930];
	[tilespmem:$0x198D0] =	vst v2;
	v2 =	vadd.s32 v0, v17  }
0xbe: {  	v22 =	vld [tilespmem:$0x19940];
	[tilespmem:$0x198E0] =	vst v2;
	v2 =	vadd.s32 v0, v18  }
0xbf: {  	v23 =	vld [tilespmem:$0x19950];
	[tilespmem:$0x198F0] =	vst v2;
	v2 =	vadd.s32 v0, v19  }
0xc0: {  	v24 =	vld [tilespmem:$0x19960];
	[tilespmem:$0x19900] =	vst v2;
	v2 =	vadd.s32 v0, v20  }
0xc1: {  	[tilespmem:$0x19910] =	vst v2;
	v2 =	vadd.s32 v0, v3;
	v3 =	vld [tilespmem:$0x19970]  }
0xc2: {  	v25 =	vld [tilespmem:$0x19980];
	[tilespmem:$0x19920] =	vst v2;
	v2 =	vadd.s32 v0, v21  }
0xc3: {  	v26 =	vld [tilespmem:$0x19990];
	[tilespmem:$0x19930] =	vst v2;
	v2 =	vadd.s32 v0, v22  }
0xc4: {  	v27 =	vld [tilespmem:$0x199A0];
	[tilespmem:$0x19940] =	vst v2;
	v2 =	vadd.s32 v0, v23  }
0xc5: {  	v28 =	vld [tilespmem:$0x199B0];
	[tilespmem:$0x19950] =	vst v2;
	v2 =	vadd.s32 v0, v24  }
0xc6: {  	[tilespmem:$0x19960] =	vst v2;
	v2 =	vadd.s32 v0, v3;
	v3 =	vld [tilespmem:$0x199C0]  }
0xc7: {  	v29 =	vld [tilespmem:$0x199D0];
	[tilespmem:$0x19970] =	vst v2;
	v2 =	vadd.s32 v0, v25  }
0xc8: {  	v30 =	vld [tilespmem:$0x199E0];
	[tilespmem:$0x19980] =	vst v2;
	v2 =	vadd.s32 v0, v26  }
0xc9: {  	v31 =	vld [tilespmem:$0x199F0];
	[tilespmem:$0x19990] =	vst v2;
	v2 =	vadd.s32 v0, v27  }
0xca: {  	v32 =	vld [tilespmem:$0x19A00];
	[tilespmem:$0x199A0] =	vst v2;
	v2 =	vadd.s32 v0, v28  }
0xcb: {  	[tilespmem:$0x199B0] =	vst v2;
	v2 =	vadd.s32 v0, v3;
	v3 =	vld [tilespmem:$0x19A10]  }
0xcc: {  	v33 =	vld [tilespmem:$0x19A20];
	[tilespmem:$0x199C0] =	vst v2;
	v2 =	vadd.s32 v0, v29  }
0xcd: {  	v34 =	vld [tilespmem:$0x19A30];
	[tilespmem:$0x199D0] =	vst v2;
	v2 =	vadd.s32 v0, v30  }
0xce: {  	v35 =	vld [tilespmem:$0x19A40];
	[tilespmem:$0x199E0] =	vst v2;
	v2 =	vadd.s32 v0, v31  }
0xcf: {  	v36 =	vld [tilespmem:$0x19A50];
	[tilespmem:$0x199F0] =	vst v2;
	v2 =	vadd.s32 v0, v32  }
0xd0: {  	[tilespmem:$0x19A00] =	vst v2;
	v2 =	vadd.s32 v0, v3;
	v3 =	vld [tilespmem:$0x19A60]  }
0xd1: {  	v37 =	vld [tilespmem:$0x19A70];
	[tilespmem:$0x19A10] =	vst v2;
	v2 =	vadd.s32 v0, v33  }
0xd2: {  	v38 =	vld [tilespmem:$0x19A80];
	[tilespmem:$0x19A20] =	vst v2;
	v2 =	vadd.s32 v0, v34  }
0xd3: {  	v39 =	vld [tilespmem:$0x19A90];
	[tilespmem:$0x19A30] =	vst v2;
	v2 =	vadd.s32 v0, v35  }
0xd4: {  	v40 =	vld [tilespmem:$0x19AA0];
	[tilespmem:$0x19A40] =	vst v2;
	v2 =	vadd.s32 v0, v36  }
0xd5: {  	[tilespmem:$0x19A50] =	vst v2;
	v2 =	vadd.s32 v0, v3;
	v3 =	vld [tilespmem:$0x19AB0]  }
0xd6: {  	v41 =	vld [tilespmem:$0x19AC0];
	[tilespmem:$0x19A60] =	vst v2;
	v2 =	vadd.s32 v0, v37  }
0xd7: {  	v42 =	vld [tilespmem:$0x19AD0];
	[tilespmem:$0x19A70] =	vst v2;
	v2 =	vadd.s32 v0, v38  }
0xd8: {  	v43 =	vld [tilespmem:$0x19AE0];
	[tilespmem:$0x19A80] =	vst v2;
	v2 =	vadd.s32 v0, v39  }
0xd9: {  	v44 =	vld [tilespmem:$0x19AF0];
	[tilespmem:$0x19A90] =	vst v2;
	v2 =	vadd.s32 v0, v40  }
0xda: {  	[tilespmem:$0x19AA0] =	vst v2;
	v2 =	vadd.s32 v0, v3;
	v3 =	vld [tilespmem:$0x19B00]  }
0xdb: {  	v45 =	vld [tilespmem:$0x19B10];
	[tilespmem:$0x19AB0] =	vst v2;
	v2 =	vadd.s32 v0, v41  }
0xdc: {  	v46 =	vld [tilespmem:$0x19B20];
	[tilespmem:$0x19AC0] =	vst v2;
	v2 =	vadd.s32 v0, v42  }
0xdd: {  	v47 =	vld [tilespmem:$0x19B30];
	[tilespmem:$0x19AD0] =	vst v2;
	v2 =	vadd.s32 v0, v43  }
0xde: {  	v48 =	vld [tilespmem:$0x19B40];
	[tilespmem:$0x19AE0] =	vst v2;
	v2 =	vadd.s32 v0, v44  }
0xdf: {  	[tilespmem:$0x19AF0] =	vst v2;
	v2 =	vadd.s32 v0, v3;
	v3 =	vld [tilespmem:$0x19B50]  }
0xe0: {  	v49 =	vld [tilespmem:$0x19B60];
	[tilespmem:$0x19B00] =	vst v2;
	v2 =	vadd.s32 v0, v45  }
0xe1: {  	v50 =	vld [tilespmem:$0x19B70];
	[tilespmem:$0x19B10] =	vst v2;
	v2 =	vadd.s32 v0, v46  }
0xe2: {  	v51 =	vld [tilespmem:$0x19B80];
	[tilespmem:$0x19B20] =	vst v2;
	v2 =	vadd.s32 v0, v47  }
0xe3: {  	v52 =	vld [tilespmem:$0x19B90];
	[tilespmem:$0x19B30] =	vst v2;
	v2 =	vadd.s32 v0, v48  }
0xe4: {  	[tilespmem:$0x19B40] =	vst v2;
	v2 =	vadd.s32 v0, v3;
	v3 =	vld [tilespmem:$0x19BA0]  }
0xe5: {  	v53 =	vld [tilespmem:$0x19BB0];
	[tilespmem:$0x19B50] =	vst v2;
	v2 =	vadd.s32 v0, v49  }
0xe6: {  	v54 =	vld [tilespmem:$0x19BC0];
	[tilespmem:$0x19B60] =	vst v2;
	v2 =	vadd.s32 v0, v50  }
0xe7: {  	v55 =	vld [tilespmem:$0x19BD0];
	[tilespmem:$0x19B70] =	vst v2;
	v2 =	vadd.s32 v0, v51  }
0xe8: {  	v56 =	vld [tilespmem:$0x19BE0];
	[tilespmem:$0x19B80] =	vst v2;
	v2 =	vadd.s32 v0, v52  }
0xe9: {  	[tilespmem:$0x19B90] =	vst v2;
	v2 =	vadd.s32 v0, v3;
	v3 =	vld [tilespmem:$0x19BF0]  }
0xea: {  	v57 =	vld [tilespmem:$0x19C00];
	[tilespmem:$0x19BA0] =	vst v2;
	v2 =	vadd.s32 v0, v53  }
0xeb: {  	v58 =	vld [tilespmem:$0x19C10];
	[tilespmem:$0x19BB0] =	vst v2;
	v2 =	vadd.s32 v0, v54  }
0xec: {  	v59 =	vld [tilespmem:$0x19C20];
	[tilespmem:$0x19BC0] =	vst v2;
	v2 =	vadd.s32 v0, v55  }
0xed: {  	v60 =	vld [tilespmem:$0x19C30];
	[tilespmem:$0x19BD0] =	vst v2;
	v2 =	vadd.s32 v0, v56  }
0xee: {  	[tilespmem:$0x19BE0] =	vst v2;
	v2 =	vadd.s32 v0, v3;
	v3 =	vld [tilespmem:$0x19C40]  }
0xef: {  	v61 =	vld [tilespmem:$0x19C50];
	[tilespmem:$0x19BF0] =	vst v2;
	v2 =	vadd.s32 v0, v57  }
0xf0: {  	v62 =	vld [tilespmem:$0x19C60];
	[tilespmem:$0x19C00] =	vst v2;
	v2 =	vadd.s32 v0, v58  }
0xf1: {  	v63 =	vld [tilespmem:$0x19C70];
	[tilespmem:$0x19C10] =	vst v2;
	v2 =	vadd.s32 v0, v59  }
0xf2: {  	[tilespmem:$0x19C20] =	vst v2;
	v2 =	vadd.s32 v0, v60  }
0xf3: {  	[tilespmem:$0x19C30] =	vst v2;
	v2 =	vadd.s32 v0, v3  }
0xf4: {  	[tilespmem:$0x19C40] =	vst v2;
	v2 =	vadd.s32 v0, v61  }
0xf5: {  	[tilespmem:$0x19C50] =	vst v2;
	v2 =	vadd.s32 v0, v62  }
0xf6: {  	[tilespmem:$0x19C60] =	vst v2;
	v2 =	vadd.s32 v0, v63  }
0xf7: {  	s21 =	sadd.s32 $0x0, s10;
	[tilespmem:$0x19C70] =	vst v2  }
0xf8: {  	[tilespmem:s4], [sflag:$0x2] =	stream.linear.gather [hbm4b:s21+s4], $0x640, $0x38;
	[tilespmem:$0x1AC80] =	vst v63  }
0xf9: {  	_ =	swait.ge [sflag:s14], $0x640  }
0xfa: {  	[sflag:s14] =	ssyncset.done $0x0  }
0xfb: {  	[sflag:s14] =	ssyncadd.s32 $0xFFFFF9C0  }
0xfc: {  	[tilespmem:s15], [sflag:$0x1] =	stream.indirect.gather [hbm4b:s5+s15], $0x40, s4, s15, $0xb8;
	[tilespmem:$0x1AC80] =	vst v63  }
0xfd: {  	_ =	swait.ge [sflag:s16], $0x19000  }
0xfe: {  	[sflag:s16] =	ssyncset.done $0x0  }
0xff: {  	[sflag:s16] =	ssyncadd.s32 $0xFFFE7000  }
0x100: {  	[spmem:s7] =	stream.linear.scatter [tilespmem:s17], [sflag:$0x2], $0x800, $0x38;
	[tilespmem:$0x1AC80] =	vst v63  }
0x101: {  	_ =	swait.ge [sflag:s14], $0x800  }
0x102: {  	[sflag:s14] =	ssyncset.done $0x0  }
0x103: {  	[sflag:s14] =	ssyncadd.s32 $0xFFFFF800  }
0x104: {  	[spmem:s3] =	stream.indirect.scatter.add.f32 [tilespmem:s15], [sflag:$0x2], $0x40, s13, s15, $0xb8;
	[tilespmem:$0x1AC80] =	vst v63  }
0x105: {  	_ =	swait.ge [sflag:s14], $0x19000  }
0x106: {  	[sflag:s14] =	ssyncset.done $0x0  }
0x107: {  	[sflag:s14] =	ssyncadd.s32 $0xFFFE7000  }
0x108: {  	[hbm:s9], [sflag:s18] =	dma.local [spmem:s19], $0x100  }
0x109: {  	s24 =	sadd.s32 $0xC8, s10;
	_ =	swait.ge [sflag:s14], $0x100  }
0x10a: {  	s22 =	simm.s32 $0x190;
	s21 =	sadd.s32 $0x100, s9;
	[sflag:s14] =	ssyncset.done $0x0  }
.LBB2_2:
0x10b: {  	s25 =	sadd.s32 s22, s10;
	s23 =	simm.s32 $0x0;
	[sflag:s14] =	ssyncadd.s32 $0xFFFFFF00  }
0x10c: {  	[tilespmem:s23], [sflag:$0x2] =	stream.linear.gather [hbm4b:s24+s23], $0x640, $0x38;
	[tilespmem:$0x1AC80] =	vst v63  }
0x10d: {  	p0 =	sne.s32 s22, $0xBB8;
	s22 =	sadd.s32 $0xC8, s22;
	_ =	swait.ge [sflag:s14], $0x640  }
0x10e: {  	s24 =	smov.u32 s25;
	[sflag:s14] =	ssyncset.done $0x0  }
0x10f: {  	[sflag:s14] =	ssyncadd.s32 $0xFFFFF9C0  }
0x110: {  	[tilespmem:s15], [sflag:$0x1] =	stream.indirect.gather [hbm4b:s5+s15], $0x40, s23, s15, $0xb8;
	[tilespmem:$0x1AC80] =	vst v63  }
0x111: {  	_ =	swait.ge [sflag:s16], $0x19000  }
0x112: {  	[sflag:s16] =	ssyncset.done $0x0  }
0x113: {  	[sflag:s16] =	ssyncadd.s32 $0xFFFE7000  }
0x114: {  	[spmem:s7] =	stream.linear.scatter [tilespmem:s17], [sflag:$0x2], $0x800, $0x38;
	[tilespmem:$0x1AC80] =	vst v63  }
0x115: {  	_ =	swait.ge [sflag:s14], $0x800  }
0x116: {  	[sflag:s14] =	ssyncset.done $0x0  }
0x117: {  	[sflag:s14] =	ssyncadd.s32 $0xFFFFF800  }
0x118: {  	[spmem:s3] =	stream.indirect.scatter.add.f32 [tilespmem:s15], [sflag:$0x2], $0x40, s13, s15, $0xb8;
	[tilespmem:$0x1AC80] =	vst v63  }
0x119: {  	_ =	swait.ge [sflag:s14], $0x19000  }
.Ltmp0:
0x11a: {  	[sflag:s14] =	ssyncset.done $0x0;
	(pc) =	sbr.rel @p0 .LBB2_2-.Ltmp0, $4  }
0x11b: {  	[sflag:s14] =	ssyncadd.s32 $0xFFFE7000  }
0x11c: {  	[hbm:s21], [sflag:s18] =	dma.local [spmem:s19], $0x100  }
0x11d: {  	_ =	swait.ge [sflag:s14], $0x100  }
0x11e: {  	s21 =	sadd.s32 $0x100, s21;
	[sflag:s14] =	ssyncset.done $0x0  }
0x11f: {  	[sflag:s14] =	ssyncadd.s32 $0xFFFFFF00  }
0x120: {  	[tilespmem:s23], [sflag:$0x2] =	stream.linear.gather [hbm4b:s24+s23], $0x640, $0x38;
	[tilespmem:$0x1AC80] =	vst v63  }
0x121: {  	_ =	swait.ge [sflag:s14], $0x640  }
0x122: {  	[sflag:s14] =	ssyncset.done $0x0  }
0x123: {  	[sflag:s14] =	ssyncadd.s32 $0xFFFFF9C0  }
0x124: {  	[tilespmem:s15], [sflag:$0x1] =	stream.indirect.gather [hbm4b:s5+s15], $0x40, s23, s15, $0xb8;
	[tilespmem:$0x1AC80] =	vst v63  }
0x125: {  	_ =	swait.ge [sflag:s16], $0x19000  }
0x126: {  	[sflag:s16] =	ssyncset.done $0x0  }
0x127: {  	[sflag:s16] =	ssyncadd.s32 $0xFFFE7000  }
0x128: {  	[spmem:s7] =	stream.linear.scatter [tilespmem:s17], [sflag:$0x2], $0x800, $0x38;
	[tilespmem:$0x1AC80] =	vst v63  }
0x129: {  	_ =	swait.ge [sflag:s14], $0x800  }
0x12a: {  	[sflag:s14] =	ssyncset.done $0x0  }
0x12b: {  	[sflag:s14] =	ssyncadd.s32 $0xFFFFF800  }
0x12c: {  	[spmem:s3] =	stream.indirect.scatter.add.f32 [tilespmem:s15], [sflag:$0x2], $0x40, s13, s15, $0xb8;
	[tilespmem:$0x1AC80] =	vst v63  }
0x12d: {  	_ =	swait.ge [sflag:s14], $0x19000  }
0x12e: {  	p1 =	por $0x1, $0x1;
	[sflag:s14] =	ssyncset.done $0x0  }
.Ltmp1:
0x12f: {  	[sflag:s14] =	ssyncadd.s32 $0xFFFE7000;
	(pc) =	sbr.rel @!p1 .LBB2_8-.Ltmp1, $4  }
0x130: {  	[hbm:s21], [sflag:s18] =	dma.local [spmem:s19], $0x100  }
0x131: {  	_ =	swait.ge [sflag:s14], $0x100  }
0x132: {  	p0 =	por $0x0, $0x0;
	[sflag:s14] =	ssyncset.done $0x0  }
0x133: {  	s22 =	smov.u32 s11;
	s21 =	simm.s32 $0xC8;
	[sflag:s14] =	ssyncadd.s32 $0xFFFFFF00  }
0x134: {  	s22 =	sadd.s32 $0x0, s12  }
0x135: {  	[tilespmem:s4], [sflag:$0x2] =	stream.linear.gather [hbm4b:s22+s4], $0x640, $0x38;
	[tilespmem:$0x1AC80] =	vst v63  }
0x136: {  	_ =	swait.ge [sflag:s14], $0x640  }
0x137: {  	[sflag:s14] =	ssyncset.done $0x0  }
0x138: {  	[sflag:s14] =	ssyncadd.s32 $0xFFFFF9C0  }
0x139: {  	[tilespmem:s15], [sflag:$0x1] =	stream.indirect.gather [hbm4b:s6+s15], $0x40, s4, s15, $0xb8;
	[tilespmem:$0x1AC80] =	vst v63  }
0x13a: {  	_ =	swait.ge [sflag:s16], $0x19000  }
0x13b: {  	[sflag:s16] =	ssyncset.done $0x0  }
0x13c: {  	[sflag:s16] =	ssyncadd.s32 $0xFFFE7000  }
0x13d: {  	[spmem:s7] =	stream.linear.scatter [tilespmem:s17], [sflag:$0x2], $0x800, $0x38;
	[tilespmem:$0x1AC80] =	vst v63  }
0x13e: {  	_ =	swait.ge [sflag:s14], $0x800  }
0x13f: {  	[sflag:s14] =	ssyncset.done $0x0  }
0x140: {  	[sflag:s14] =	ssyncadd.s32 $0xFFFFF800  }
0x141: {  	[spmem:s3] =	stream.indirect.scatter.add.f32 [tilespmem:s15], [sflag:$0x2], $0x40, s13, s15, $0xb8;
	[tilespmem:$0x1AC80] =	vst v63  }
0x142: {  	p1 =	por $0x1, $0x1;
	_ =	swait.ge [sflag:s14], $0x19000  }
.Ltmp2:
0x143: {  	[sflag:s14] =	ssyncset.done $0x0;
	(pc) =	sbr.rel @!p1 .LBB2_5-.Ltmp2, $4  }
0x144: {  	[sflag:s14] =	ssyncadd.s32 $0xFFFE7000  }
0x145: {  	[hbm:s11], [sflag:s18] =	dma.local [spmem:s19], $0x100  }
0x146: {  	s23 =	simm.s32 $0x190;
	_ =	swait.ge [sflag:s14], $0x100  }
0x147: {  	p0 =	por $0x1, $0x1;
	s22 =	sadd.s32 $0x100, s11;
	[sflag:s14] =	ssyncset.done $0x0  }
.LBB2_6:
0x148: {  	s24 =	sadd.s32 s21, s12  }
0x149: {  	[sflag:s14] =	ssyncadd.s32 $0xFFFFFF00;
	s21 =	smov.u32 s23;
	s25 =	sadd.s32 $0xC8, s23  }
0x14a: {  	[tilespmem:s4], [sflag:$0x2] =	stream.linear.gather [hbm4b:s24+s4], $0x640, $0x38;
	[tilespmem:$0x1AC80] =	vst v63  }
0x14b: {  	p1 =	sne.s32 s23, $0xBB8;
	_ =	swait.ge [sflag:s14], $0x640  }
0x14c: {  	[sflag:s14] =	ssyncset.done $0x0  }
0x14d: {  	[sflag:s14] =	ssyncadd.s32 $0xFFFFF9C0  }
0x14e: {  	[tilespmem:s15], [sflag:$0x1] =	stream.indirect.gather [hbm4b:s6+s15], $0x40, s4, s15, $0xb8;
	[tilespmem:$0x1AC80] =	vst v63  }
0x14f: {  	_ =	swait.ge [sflag:s16], $0x19000  }
0x150: {  	[sflag:s16] =	ssyncset.done $0x0  }
0x151: {  	[sflag:s16] =	ssyncadd.s32 $0xFFFE7000  }
0x152: {  	[spmem:s7] =	stream.linear.scatter [tilespmem:s17], [sflag:$0x2], $0x800, $0x38;
	[tilespmem:$0x1AC80] =	vst v63  }
0x153: {  	_ =	swait.ge [sflag:s14], $0x800  }
0x154: {  	[sflag:s14] =	ssyncset.done $0x0  }
0x155: {  	[sflag:s14] =	ssyncadd.s32 $0xFFFFF800  }
0x156: {  	[spmem:s3] =	stream.indirect.scatter.add.f32 [tilespmem:s15], [sflag:$0x2], $0x40, s13, s15, $0xb8;
	[tilespmem:$0x1AC80] =	vst v63  }
0x157: {  	_ =	swait.ge [sflag:s14], $0x19000  }
.Ltmp3:
0x158: {  	[sflag:s14] =	ssyncset.done $0x0;
	(pc) =	sbr.rel @p1 .LBB2_6-.Ltmp3, $4  }
0x159: {  	[sflag:s14] =	ssyncadd.s32 $0xFFFE7000  }
0x15a: {  	[hbm:s22], [sflag:s18] =	dma.local [spmem:s19], $0x100  }
0x15b: {  	_ =	swait.ge [sflag:s14], $0x100  }
0x15c: {  	s23 =	smov.u32 s25;
	s22 =	sadd.s32 $0x100, s22;
	[sflag:s14] =	ssyncset.done $0x0  }
0x15d: {  	s23 =	smov.u32 s21  }
.LBB2_8:
0x15e: {  	s21 =	sadd.s32 s23, s12;
	[sflag:s14] =	ssyncadd.s32 @p0 $0xFFFFFF00  }
0x15f: {  	[tilespmem:s4], [sflag:$0x2] =	stream.linear.gather [hbm4b:s21+s4], $0x640, $0x38;
	[tilespmem:$0x1AC80] =	vst v63  }
0x160: {  	_ =	swait.ge [sflag:s14], $0x640  }
0x161: {  	[sflag:s14] =	ssyncset.done $0x0  }
0x162: {  	[sflag:s14] =	ssyncadd.s32 $0xFFFFF9C0  }
0x163: {  	[tilespmem:s15], [sflag:$0x1] =	stream.indirect.gather [hbm4b:s6+s15], $0x40, s4, s15, $0xb8;
	[tilespmem:$0x1AC80] =	vst v63  }
0x164: {  	_ =	swait.ge [sflag:s16], $0x19000  }
0x165: {  	[sflag:s16] =	ssyncset.done $0x0  }
0x166: {  	[sflag:s16] =	ssyncadd.s32 $0xFFFE7000  }
0x167: {  	[spmem:s7] =	stream.linear.scatter [tilespmem:s17], [sflag:$0x2], $0x800, $0x38;
	[tilespmem:$0x1AC80] =	vst v63  }
0x168: {  	_ =	swait.ge [sflag:s14], $0x800  }
0x169: {  	[sflag:s14] =	ssyncset.done $0x0  }
0x16a: {  	[sflag:s14] =	ssyncadd.s32 $0xFFFFF800  }
0x16b: {  	[spmem:s3] =	stream.indirect.scatter.add.f32 [tilespmem:s15], [sflag:$0x2], $0x40, s13, s15, $0xb8;
	[tilespmem:$0x1AC80] =	vst v63  }
0x16c: {  	_ =	swait.ge [sflag:s14], $0x19000  }
0x16d: {  	s20 =	sadd.s32 $0x1, s20;
	[sflag:s14] =	ssyncset.done $0x0  }
0x16e: {  	p0 =	sne.s32 s20, s8;
	[sflag:s14] =	ssyncadd.s32 $0xFFFE7000  }
0x16f: {  	[hbm:s22], [sflag:s18] =	dma.local [spmem:s19], $0x100  }
.Ltmp4:
0x170: {  	_ = 	snop;
	(pc) =	sbr.rel @p0 .LBB2_1-.Ltmp4, $4  }
.Ltmp5:
0x171: {  	_ = 	snop;
	(pc) =	sbr.rel @!p0 .LBB2_9-.Ltmp5, $4  }
0x172: {  	_ =	swait.ge [sflag:s14], $0x100  }
0x173: {  	[sflag:s14] =	ssyncset.done $0x0  }
0x174: {  	[sflag:s14] =	ssyncadd.s32 $0xFFFFFF00  }
0x175: {  	_ = 	snop  }
.LBB2_5:
.Ltmp6:
0x176: {  	(pc) =	sbr.rel .LBB2_8-.Ltmp6, $2  }
0x177: {  	_ =	sdelay $0x2  }
0x178: {  	s23 =	simm.s32 $0xC8  }
.LBB2_9:
0x179: {  	_ =	sfence.sel $0x180000  }
0x17a: {  	[bflag:$0x0] =	sbarrier.arrive $0xFFFF  }
0x17b: {  	p0 =	sne.s32 s0, $0x0;
	_ =	strace $0x90000047  }
0x17c: {  	s0 =	sadd.s32 @!p0 $0x100000, s1;
	[bflag:$0x2] =	sbarrier.arrive $0xFFFF  }
0x17d: {  	[sflag:s0] =	ssyncadd.tile.s32 @!p0 $0x1;
	_ =	shalt  }
.Lfunc_end2:
_tile_overlayer_lowered:
.L_overlay_start_2:
0x17e: {  	(tag) =	ssettag $0x2  }
0x17f: {  	s0 =	rddreg [dreg:$0x0];
	s2 =	stileid.u32  }
0x180: {  	s1 =	rddreg [dreg:$0x1];
	p0 =	sne.s32 s2, $0x0  }
0x181: {  	s3 =	rddreg [dreg:$0x2];
	[bflag:$0x3] =	sbarrier.arrive $0xFFFF;
	s2 =	simm.s32 @!p0 $0x1C02  }
0x182: {  	[timem:s3], [sflag:s2] =	dma.local @!p0 [hbm:s0], s1  }
0x183: {  	s0 =	simm.s32 @!p0 $0x2  }
0x184: {  	_ =	swait.ge @!p0 [sflag:s0], s1  }
0x185: {  	s1 =	ssub.s32 @!p0 $0x0, s1;
	[sflag:s0] =	ssyncset.done @!p0 $0x0  }
0x186: {  	[sflag:s0] =	ssyncadd.s32 @!p0 s1  }
0x187: {  	[bflag:$0x3] =	sbarrier.arrive $0xFFFF  }
0x188: {  	_ =	shalt  }

</sc_bundles>
